<compile_context>
chip_gen: v7x
topology: tpu7x:2x2x1
jax: 0.10.2.dev20260603
libtpu: 0.0.44.dev20260713+nightly
codegen_flags: <defaults>
</compile_context>

<pallas_src>
import functools

import jax
import jax.numpy as jnp
from jax import lax
from jax.experimental import pallas as pl
from jax.experimental.pallas import tpu as pltpu
from jax.experimental.pallas import tpu_sc as plsc


def _make_sc_lookup(N, V, D, n_workers):
    b_per_w = N // n_workers
    mesh = plsc.VectorSubcoreMesh(core_axis_name="c", subcore_axis_name="s")

    @functools.partial(
        pl.kernel,
        mesh=mesh,
        out_type=jax.ShapeDtypeStruct((N, D), jnp.float32),
        scratch_types=[
            pltpu.VMEM((V, D), jnp.float32),
            pltpu.VMEM((b_per_w,), jnp.int32),
            pltpu.SemaphoreType.DMA,
        ],
    )
    def k(table_hbm, idx_hbm, out_hbm, table_v, idx_v, sem):
        wid = lax.axis_index("s") * 2 + lax.axis_index("c")
        base = wid * b_per_w

        pltpu.sync_copy(table_hbm, table_v)
        pltpu.sync_copy(idx_hbm.at[pl.ds(base, b_per_w)], idx_v)

        def body(g, carry):
            ids16 = idx_v[pl.ds(g * 16, 16)]
            for j in range(16):
                pltpu.async_copy(
                    table_v.at[ids16[j]],
                    out_hbm.at[base + g * 16 + j], sem)
            for _ in range(16):
                pltpu.make_async_copy(
                    table_v.at[0], out_hbm.at[base], sem).wait()
            return carry

        lax.fori_loop(0, b_per_w // 16, body, 0)

    return k


def kernel(token_type_ids, embedding_weight):
    B, S = token_type_ids.shape
    V, D = embedding_weight.shape
    N = B * S
    ids = token_type_ids.reshape(N).astype(jnp.int32)
    out = _make_sc_lookup(N, V, D, n_workers=32)(embedding_weight, ids)
    return out.reshape(B, S, D)

# --- scband reference (transcript-rebuilt; emitter-appended) ---
"""Pipeline reference for scband-token-type-embedding-7404523618651 (READ-ONLY COPY).

The authoritative reference and input builder live on the scoring server;
editing this copy changes nothing except your own understanding.
"""

import jax, jax.numpy as jnp
import numpy as np

NUM_TOKEN_TYPES = 10
D_MODEL = 2048
BATCH = 4
SEQ_LEN = 8192


def setup_inputs(seed: int = 0) -> dict:
    key = jax.random.key(seed)
    k_ids, k_emb = jax.random.split(key)
    token_type_ids = jax.random.randint(k_ids, (BATCH, SEQ_LEN), 0, NUM_TOKEN_TYPES, dtype=jnp.int64 if jax.config.jax_enable_x64 else jnp.int32)
    embedding_weight = jax.random.normal(k_emb, (NUM_TOKEN_TYPES, D_MODEL), dtype=jnp.float32) * 0.02
    return {"token_type_ids": token_type_ids, "embedding_weight": embedding_weight}


def reference(token_type_ids, embedding_weight):
    # Faithful translation of nn.Embedding lookup:
    # out[b, s, :] = embedding_weight[token_type_ids[b, s], :]
    return jnp.take(embedding_weight, token_type_ids, axis=0)

if __name__ == "__main__":
    import jax
    _d = setup_inputs()
    print(jax.jit(kernel)(*tuple(_d.values())))

</pallas_src>

<mosaic_0001>
#map = affine_map<(d0, d1) -> (0, 0)>
#map1 = affine_map<(d0, d1) -> (0)>
module attributes {stable_mosaic.version = 14 : i64} {
  func.func @k(%arg0: i32, %arg1: i32, %arg2: memref<10x2048xf32, #tpu.memory_space<hbm>>, %arg3: memref<32768xi32, #tpu.memory_space<hbm>>, %arg4: memref<32768x2048xf32, #tpu.memory_space<hbm>>, %arg5: memref<10x2048xf32, #tpu.memory_space<vmem>>, %arg6: memref<1024xi32, #tpu.memory_space<vmem>>, %arg7: memref<!tpu.dma_semaphore, #tpu.memory_space<semaphore_mem>>) attributes {dimension_semantics = [#tpu.dimension_semantics<core_parallel>, #tpu.dimension_semantics<subcore_parallel>], iteration_bounds = array<i64: 2, 16>, scalar_prefetch = 0 : i64, scratch_operands = 3 : i64, tpu.core_type = #tpu.core_type<sc_vector_subcore>, window_params = [{transform_indices = #map}, {transform_indices = #map1}, {transform_indices = #map}]} {
    %mul3A = arith.constant 2 : i32
    %mul3A_0 = arith.muli %arg1, %mul3A : i32
    %add3A = arith.addi %mul3A_0, %arg0 : i32
    %mul3A_1 = arith.constant 1024 : i32
    %mul3A_2 = arith.muli %add3A, %mul3A_1 : i32
    "tpu.region"() ({
      %run_scoped3A = tpu.sem_alloc : memref<!tpu.dma_semaphore, #tpu.memory_space<semaphore_mem>>
      tpu.enqueue_dma source(%arg2 : memref<10x2048xf32, #tpu.memory_space<hbm>>) target(%arg5 : memref<10x2048xf32, #tpu.memory_space<vmem>>) target_semaphore(%run_scoped3A : memref<!tpu.dma_semaphore, #tpu.memory_space<semaphore_mem>>)
      tpu.wait_dma2 semaphore(%run_scoped3A : memref<!tpu.dma_semaphore, #tpu.memory_space<semaphore_mem>>) src(%arg2 : memref<10x2048xf32, #tpu.memory_space<hbm>>) dst(%arg5 : memref<10x2048xf32, #tpu.memory_space<vmem>>)
      tpu.yield
    }) : () -> ()
    "tpu.region"() ({
      %run_scoped3A = tpu.sem_alloc : memref<!tpu.dma_semaphore, #tpu.memory_space<semaphore_mem>>
      %dma_start3A = tpu.memref_slice %arg3[%mul3A_2] : memref<32768xi32, #tpu.memory_space<hbm>> -> memref<1024xi32, #tpu.memory_space<hbm>>
      %dma_start3A_8 = tpu.memref_slice %arg3[%mul3A_2] : memref<32768xi32, #tpu.memory_space<hbm>> -> memref<1024xi32, #tpu.memory_space<hbm>>
      tpu.enqueue_dma source(%dma_start3A_8 : memref<1024xi32, #tpu.memory_space<hbm>>) target(%arg6 : memref<1024xi32, #tpu.memory_space<vmem>>) target_semaphore(%run_scoped3A : memref<!tpu.dma_semaphore, #tpu.memory_space<semaphore_mem>>)
      %dma_wait3A = tpu.memref_slice %arg3[%mul3A_2] : memref<32768xi32, #tpu.memory_space<hbm>> -> memref<1024xi32, #tpu.memory_space<hbm>>
      %dma_wait3A_9 = tpu.memref_slice %arg3[%mul3A_2] : memref<32768xi32, #tpu.memory_space<hbm>> -> memref<1024xi32, #tpu.memory_space<hbm>>
      tpu.wait_dma2 semaphore(%run_scoped3A : memref<!tpu.dma_semaphore, #tpu.memory_space<semaphore_mem>>) src(%dma_wait3A_9 : memref<1024xi32, #tpu.memory_space<hbm>>) dst(%arg6 : memref<1024xi32, #tpu.memory_space<vmem>>)
      tpu.yield
    }) : () -> ()
    %scan3A = arith.constant 0 : i32
    %scan3A_3 = arith.constant 0 : i32
    %scan3A_4 = arith.constant 64 : i32
    %scan3A_5 = arith.addi %scan3A_3, %scan3A_4 : i32
    %scan3A_6 = arith.constant 1 : i32
    scf.for %scan3A_8 = %scan3A_3 to %scan3A_5 step %scan3A_6  : i32 {
      %mul3A_9 = arith.constant 16 : i32
      %mul3A_10 = arith.muli %scan3A_8, %mul3A_9 : i32
      %get3A = arith.index_cast %mul3A_10 : i32 to index
      %get3A_11 = tpu.vector_load %arg6[%get3A] {strides = array<i32>} : memref<1024xi32, #tpu.memory_space<vmem>>, vector<16xi32>,
      %get3A_12 = vector.shape_cast %get3A_11 : vector<16xi32> to vector<16xi32>
      %slice3A = vector.extract_strided_slice %get3A_12 {offsets = [0], sizes = [1], strides = [1]} : vector<16xi32> to vector<1xi32>
      %squeeze3A = vector.extract %slice3A[0] : i32 from vector<1xi32>
      %mul3A_13 = arith.constant 16 : i32
      %mul3A_14 = arith.muli %scan3A_8, %mul3A_13 : i32
      %add3A_15 = arith.addi %mul3A_2, %mul3A_14 : i32
      %add3A_16 = arith.constant 0 : i32
      %add3A_17 = arith.addi %add3A_15, %add3A_16 : i32
      %dma_start3A = arith.constant 0 : i32
      %dma_start3A_18 = tpu.memref_slice %arg5[%squeeze3A, %dma_start3A] : memref<10x2048xf32, #tpu.memory_space<vmem>> -> memref<1x2048xf32, #tpu.memory_space<vmem>>
      %dma_start3A_19 = tpu.memref_squeeze %dma_start3A_18 : memref<1x2048xf32, #tpu.memory_space<vmem>> -> memref<2048xf32, #tpu.memory_space<vmem>>
      %dma_start3A_20 = arith.constant 0 : i32
      %dma_start3A_21 = tpu.memref_slice %arg4[%add3A_17, %dma_start3A_20] : memref<32768x2048xf32, #tpu.memory_space<hbm>> -> memref<1x2048xf32, #tpu.memory_space<hbm>>
      %dma_start3A_22 = tpu.memref_squeeze %dma_start3A_21 : memref<1x2048xf32, #tpu.memory_space<hbm>> -> memref<2048xf32, #tpu.memory_space<hbm>>
      %dma_start3A_23 = arith.constant 0 : i32
      %dma_start3A_24 = tpu.memref_slice %arg4[%add3A_17, %dma_start3A_23] : memref<32768x2048xf32, #tpu.memory_space<hbm>> -> memref<1x2048xf32, #tpu.memory_space<hbm>>
      %dma_start3A_25 = tpu.memref_squeeze %dma_start3A_24 : memref<1x2048xf32, #tpu.memory_space<hbm>> -> memref<2048xf32, #tpu.memory_space<hbm>>
      %dma_start3A_26 = arith.constant 0 : i32
      %dma_start3A_27 = tpu.memref_slice %arg5[%squeeze3A, %dma_start3A_26] : memref<10x2048xf32, #tpu.memory_space<vmem>> -> memref<1x2048xf32, #tpu.memory_space<vmem>>
      %dma_start3A_28 = tpu.memref_squeeze %dma_start3A_27 : memref<1x2048xf32, #tpu.memory_space<vmem>> -> memref<2048xf32, #tpu.memory_space<vmem>>
      tpu.enqueue_dma source(%dma_start3A_28 : memref<2048xf32, #tpu.memory_space<vmem>>) target(%dma_start3A_25 : memref<2048xf32, #tpu.memory_space<hbm>>) target_semaphore(%arg7 : memref<!tpu.dma_semaphore, #tpu.memory_space<semaphore_mem>>)
      %slice3A_29 = vector.extract_strided_slice %get3A_12 {offsets = [1], sizes = [1], strides = [1]} : vector<16xi32> to vector<1xi32>
      %squeeze3A_30 = vector.extract %slice3A_29[0] : i32 from vector<1xi32>
      %mul3A_31 = arith.constant 16 : i32
      %mul3A_32 = arith.muli %scan3A_8, %mul3A_31 : i32
      %add3A_33 = arith.addi %mul3A_2, %mul3A_32 : i32
      %add3A_34 = arith.constant 1 : i32
      %add3A_35 = arith.addi %add3A_33, %add3A_34 : i32
      %dma_start3A_36 = arith.constant 0 : i32
      %dma_start3A_37 = tpu.memref_slice %arg5[%squeeze3A_30, %dma_start3A_36] : memref<10x2048xf32, #tpu.memory_space<vmem>> -> memref<1x2048xf32, #tpu.memory_space<vmem>>
      %dma_start3A_38 = tpu.memref_squeeze %dma_start3A_37 : memref<1x2048xf32, #tpu.memory_space<vmem>> -> memref<2048xf32, #tpu.memory_space<vmem>>
      %dma_start3A_39 = arith.constant 0 : i32
      %dma_start3A_40 = tpu.memref_slice %arg4[%add3A_35, %dma_start3A_39] : memref<32768x2048xf32, #tpu.memory_space<hbm>> -> memref<1x2048xf32, #tpu.memory_space<hbm>>
      %dma_start3A_41 = tpu.memref_squeeze %dma_start3A_40 : memref<1x2048xf32, #tpu.memory_space<hbm>> -> memref<2048xf32, #tpu.memory_space<hbm>>
      %dma_start3A_42 = arith.constant 0 : i32
      %dma_start3A_43 = tpu.memref_slice %arg4[%add3A_35, %dma_start3A_42] : memref<32768x2048xf32, #tpu.memory_space<hbm>> -> memref<1x2048xf32, #tpu.memory_space<hbm>>
      %dma_start3A_44 = tpu.memref_squeeze %dma_start3A_43 : memref<1x2048xf32, #tpu.memory_space<hbm>> -> memref<2048xf32, #tpu.memory_space<hbm>>
      %dma_start3A_45 = arith.constant 0 : i32
      %dma_start3A_46 = tpu.memref_slice %arg5[%squeeze3A_30, %dma_start3A_45] : memref<10x2048xf32, #tpu.memory_space<vmem>> -> memref<1x2048xf32, #tpu.memory_space<vmem>>
      %dma_start3A_47 = tpu.memref_squeeze %dma_start3A_46 : memref<1x2048xf32, #tpu.memory_space<vmem>> -> memref<2048xf32, #tpu.memory_space<vmem>>
      tpu.enqueue_dma source(%dma_start3A_47 : memref<2048xf32, #tpu.memory_space<vmem>>) target(%dma_start3A_44 : memref<2048xf32, #tpu.memory_space<hbm>>) target_semaphore(%arg7 : memref<!tpu.dma_semaphore, #tpu.memory_space<semaphore_mem>>)
      %slice3A_48 = vector.extract_strided_slice %get3A_12 {offsets = [2], sizes = [1], strides = [1]} : vector<16xi32> to vector<1xi32>
      %squeeze3A_49 = vector.extract %slice3A_48[0] : i32 from vector<1xi32>
      %mul3A_50 = arith.constant 16 : i32
      %mul3A_51 = arith.muli %scan3A_8, %mul3A_50 : i32
      %add3A_52 = arith.addi %mul3A_2, %mul3A_51 : i32
      %add3A_53 = arith.constant 2 : i32
      %add3A_54 = arith.addi %add3A_52, %add3A_53 : i32
      %dma_start3A_55 = arith.constant 0 : i32
      %dma_start3A_56 = tpu.memref_slice %arg5[%squeeze3A_49, %dma_start3A_55] : memref<10x2048xf32, #tpu.memory_space<vmem>> -> memref<1x2048xf32, #tpu.memory_space<vmem>>
      %dma_start3A_57 = tpu.memref_squeeze %dma_start3A_56 : memref<1x2048xf32, #tpu.memory_space<vmem>> -> memref<2048xf32, #tpu.memory_space<vmem>>
      %dma_start3A_58 = arith.constant 0 : i32
      %dma_start3A_59 = tpu.memref_slice %arg4[%add3A_54, %dma_start3A_58] : memref<32768x2048xf32, #tpu.memory_space<hbm>> -> memref<1x2048xf32, #tpu.memory_space<hbm>>
      %dma_start3A_60 = tpu.memref_squeeze %dma_start3A_59 : memref<1x2048xf32, #tpu.memory_space<hbm>> -> memref<2048xf32, #tpu.memory_space<hbm>>
      %dma_start3A_61 = arith.constant 0 : i32
      %dma_start3A_62 = tpu.memref_slice %arg4[%add3A_54, %dma_start3A_61] : memref<32768x2048xf32, #tpu.memory_space<hbm>> -> memref<1x2048xf32, #tpu.memory_space<hbm>>
      %dma_start3A_63 = tpu.memref_squeeze %dma_start3A_62 : memref<1x2048xf32, #tpu.memory_space<hbm>> -> memref<2048xf32, #tpu.memory_space<hbm>>
      %dma_start3A_64 = arith.constant 0 : i32
      %dma_start3A_65 = tpu.memref_slice %arg5[%squeeze3A_49, %dma_start3A_64] : memref<10x2048xf32, #tpu.memory_space<vmem>> -> memref<1x2048xf32, #tpu.memory_space<vmem>>
      %dma_start3A_66 = tpu.memref_squeeze %dma_start3A_65 : memref<1x2048xf32, #tpu.memory_space<vmem>> -> memref<2048xf32, #tpu.memory_space<vmem>>
      tpu.enqueue_dma source(%dma_start3A_66 : memref<2048xf32, #tpu.memory_space<vmem>>) target(%dma_start3A_63 : memref<2048xf32, #tpu.memory_space<hbm>>) target_semaphore(%arg7 : memref<!tpu.dma_semaphore, #tpu.memory_space<semaphore_mem>>)
      %slice3A_67 = vector.extract_strided_slice %get3A_12 {offsets = [3], sizes = [1], strides = [1]} : vector<16xi32> to vector<1xi32>
      %squeeze3A_68 = vector.extract %slice3A_67[0] : i32 from vector<1xi32>
      %mul3A_69 = arith.constant 16 : i32
      %mul3A_70 = arith.muli %scan3A_8, %mul3A_69 : i32
      %add3A_71 = arith.addi %mul3A_2, %mul3A_70 : i32
      %add3A_72 = arith.constant 3 : i32
      %add3A_73 = arith.addi %add3A_71, %add3A_72 : i32
      %dma_start3A_74 = arith.constant 0 : i32
      %dma_start3A_75 = tpu.memref_slice %arg5[%squeeze3A_68, %dma_start3A_74] : memref<10x2048xf32, #tpu.memory_space<vmem>> -> memref<1x2048xf32, #tpu.memory_space<vmem>>
      %dma_start3A_76 = tpu.memref_squeeze %dma_start3A_75 : memref<1x2048xf32, #tpu.memory_space<vmem>> -> memref<2048xf32, #tpu.memory_space<vmem>>
      %dma_start3A_77 = arith.constant 0 : i32
      %dma_start3A_78 = tpu.memref_slice %arg4[%add3A_73, %dma_start3A_77] : memref<32768x2048xf32, #tpu.memory_space<hbm>> -> memref<1x2048xf32, #tpu.memory_space<hbm>>
      %dma_start3A_79 = tpu.memref_squeeze %dma_start3A_78 : memref<1x2048xf32, #tpu.memory_space<hbm>> -> memref<2048xf32, #tpu.memory_space<hbm>>
      %dma_start3A_80 = arith.constant 0 : i32
      %dma_start3A_81 = tpu.memref_slice %arg4[%add3A_73, %dma_start3A_80] : memref<32768x2048xf32, #tpu.memory_space<hbm>> -> memref<1x2048xf32, #tpu.memory_space<hbm>>
      %dma_start3A_82 = tpu.memref_squeeze %dma_start3A_81 : memref<1x2048xf32, #tpu.memory_space<hbm>> -> memref<2048xf32, #tpu.memory_space<hbm>>
      %dma_start3A_83 = arith.constant 0 : i32
      %dma_start3A_84 = tpu.memref_slice %arg5[%squeeze3A_68, %dma_start3A_83] : memref<10x2048xf32, #tpu.memory_space<vmem>> -> memref<1x2048xf32, #tpu.memory_space<vmem>>
      %dma_start3A_85 = tpu.memref_squeeze %dma_start3A_84 : memref<1x2048xf32, #tpu.memory_space<vmem>> -> memref<2048xf32, #tpu.memory_space<vmem>>
      tpu.enqueue_dma source(%dma_start3A_85 : memref<2048xf32, #tpu.memory_space<vmem>>) target(%dma_start3A_82 : memref<2048xf32, #tpu.memory_space<hbm>>) target_semaphore(%arg7 : memref<!tpu.dma_semaphore, #tpu.memory_space<semaphore_mem>>)
      %slice3A_86 = vector.extract_strided_slice %get3A_12 {offsets = [4], sizes = [1], strides = [1]} : vector<16xi32> to vector<1xi32>
      %squeeze3A_87 = vector.extract %slice3A_86[0] : i32 from vector<1xi32>
      %mul3A_88 = arith.constant 16 : i32
      %mul3A_89 = arith.muli %scan3A_8, %mul3A_88 : i32
      %add3A_90 = arith.addi %mul3A_2, %mul3A_89 : i32
      %add3A_91 = arith.constant 4 : i32
      %add3A_92 = arith.addi %add3A_90, %add3A_91 : i32
      %dma_start3A_93 = arith.constant 0 : i32
      %dma_start3A_94 = tpu.memref_slice %arg5[%squeeze3A_87, %dma_start3A_93] : memref<10x2048xf32, #tpu.memory_space<vmem>> -> memref<1x2048xf32, #tpu.memory_space<vmem>>
      %dma_start3A_95 = tpu.memref_squeeze %dma_start3A_94 : memref<1x2048xf32, #tpu.memory_space<vmem>> -> memref<2048xf32, #tpu.memory_space<vmem>>
      %dma_start3A_96 = arith.constant 0 : i32
      %dma_start3A_97 = tpu.memref_slice %arg4[%add3A_92, %dma_start3A_96] : memref<32768x2048xf32, #tpu.memory_space<hbm>> -> memref<1x2048xf32, #tpu.memory_space<hbm>>
      %dma_start3A_98 = tpu.memref_squeeze %dma_start3A_97 : memref<1x2048xf32, #tpu.memory_space<hbm>> -> memref<2048xf32, #tpu.memory_space<hbm>>
      %dma_start3A_99 = arith.constant 0 : i32
      %dma_start3A_100 = tpu.memref_slice %arg4[%add3A_92, %dma_start3A_99] : memref<32768x2048xf32, #tpu.memory_space<hbm>> -> memref<1x2048xf32, #tpu.memory_space<hbm>>
      %dma_start3A_101 = tpu.memref_squeeze %dma_start3A_100 : memref<1x2048xf32, #tpu.memory_space<hbm>> -> memref<2048xf32, #tpu.memory_space<hbm>>
      %dma_start3A_102 = arith.constant 0 : i32
      %dma_start3A_103 = tpu.memref_slice %arg5[%squeeze3A_87, %dma_start3A_102] : memref<10x2048xf32, #tpu.memory_space<vmem>> -> memref<1x2048xf32, #tpu.memory_space<vmem>>
      %dma_start3A_104 = tpu.memref_squeeze %dma_start3A_103 : memref<1x2048xf32, #tpu.memory_space<vmem>> -> memref<2048xf32, #tpu.memory_space<vmem>>
      tpu.enqueue_dma source(%dma_start3A_104 : memref<2048xf32, #tpu.memory_space<vmem>>) target(%dma_start3A_101 : memref<2048xf32, #tpu.memory_space<hbm>>) target_semaphore(%arg7 : memref<!tpu.dma_semaphore, #tpu.memory_space<semaphore_mem>>)
      %slice3A_105 = vector.extract_strided_slice %get3A_12 {offsets = [5], sizes = [1], strides = [1]} : vector<16xi32> to vector<1xi32>
      %squeeze3A_106 = vector.extract %slice3A_105[0] : i32 from vector<1xi32>
      %mul3A_107 = arith.constant 16 : i32
      %mul3A_108 = arith.muli %scan3A_8, %mul3A_107 : i32
      %add3A_109 = arith.addi %mul3A_2, %mul3A_108 : i32
      %add3A_110 = arith.constant 5 : i32
      %add3A_111 = arith.addi %add3A_109, %add3A_110 : i32
      %dma_start3A_112 = arith.constant 0 : i32
      %dma_start3A_113 = tpu.memref_slice %arg5[%squeeze3A_106, %dma_start3A_112] : memref<10x2048xf32, #tpu.memory_space<vmem>> -> memref<1x2048xf32, #tpu.memory_space<vmem>>
      %dma_start3A_114 = tpu.memref_squeeze %dma_start3A_113 : memref<1x2048xf32, #tpu.memory_space<vmem>> -> memref<2048xf32, #tpu.memory_space<vmem>>
      %dma_start3A_115 = arith.constant 0 : i32
      %dma_start3A_116 = tpu.memref_slice %arg4[%add3A_111, %dma_start3A_115] : memref<32768x2048xf32, #tpu.memory_space<hbm>> -> memref<1x2048xf32, #tpu.memory_space<hbm>>
      %dma_start3A_117 = tpu.memref_squeeze %dma_start3A_116 : memref<1x2048xf32, #tpu.memory_space<hbm>> -> memref<2048xf32, #tpu.memory_space<hbm>>
      %dma_start3A_118 = arith.constant 0 : i32
      %dma_start3A_119 = tpu.memref_slice %arg4[%add3A_111, %dma_start3A_118] : memref<32768x2048xf32, #tpu.memory_space<hbm>> -> memref<1x2048xf32, #tpu.memory_space<hbm>>
      %dma_start3A_120 = tpu.memref_squeeze %dma_start3A_119 : memref<1x2048xf32, #tpu.memory_space<hbm>> -> memref<2048xf32, #tpu.memory_space<hbm>>
      %dma_start3A_121 = arith.constant 0 : i32
      %dma_start3A_122 = tpu.memref_slice %arg5[%squeeze3A_106, %dma_start3A_121] : memref<10x2048xf32, #tpu.memory_space<vmem>> -> memref<1x2048xf32, #tpu.memory_space<vmem>>
      %dma_start3A_123 = tpu.memref_squeeze %dma_start3A_122 : memref<1x2048xf32, #tpu.memory_space<vmem>> -> memref<2048xf32, #tpu.memory_space<vmem>>
      tpu.enqueue_dma source(%dma_start3A_123 : memref<2048xf32, #tpu.memory_space<vmem>>) target(%dma_start3A_120 : memref<2048xf32, #tpu.memory_space<hbm>>) target_semaphore(%arg7 : memref<!tpu.dma_semaphore, #tpu.memory_space<semaphore_mem>>)
      %slice3A_124 = vector.extract_strided_slice %get3A_12 {offsets = [6], sizes = [1], strides = [1]} : vector<16xi32> to vector<1xi32>
      %squeeze3A_125 = vector.extract %slice3A_124[0] : i32 from vector<1xi32>
      %mul3A_126 = arith.constant 16 : i32
      %mul3A_127 = arith.muli %scan3A_8, %mul3A_126 : i32
      %add3A_128 = arith.addi %mul3A_2, %mul3A_127 : i32
      %add3A_129 = arith.constant 6 : i32
      %add3A_130 = arith.addi %add3A_128, %add3A_129 : i32
      %dma_start3A_131 = arith.constant 0 : i32
      %dma_start3A_132 = tpu.memref_slice %arg5[%squeeze3A_125, %dma_start3A_131] : memref<10x2048xf32, #tpu.memory_space<vmem>> -> memref<1x2048xf32, #tpu.memory_space<vmem>>
      %dma_start3A_133 = tpu.memref_squeeze %dma_start3A_132 : memref<1x2048xf32, #tpu.memory_space<vmem>> -> memref<2048xf32, #tpu.memory_space<vmem>>
      %dma_start3A_134 = arith.constant 0 : i32
      %dma_start3A_135 = tpu.memref_slice %arg4[%add3A_130, %dma_start3A_134] : memref<32768x2048xf32, #tpu.memory_space<hbm>> -> memref<1x2048xf32, #tpu.memory_space<hbm>>
      %dma_start3A_136 = tpu.memref_squeeze %dma_start3A_135 : memref<1x2048xf32, #tpu.memory_space<hbm>> -> memref<2048xf32, #tpu.memory_space<hbm>>
      %dma_start3A_137 = arith.constant 0 : i32
      %dma_start3A_138 = tpu.memref_slice %arg4[%add3A_130, %dma_start3A_137] : memref<32768x2048xf32, #tpu.memory_space<hbm>> -> memref<1x2048xf32, #tpu.memory_space<hbm>>
      %dma_start3A_139 = tpu.memref_squeeze %dma_start3A_138 : memref<1x2048xf32, #tpu.memory_space<hbm>> -> memref<2048xf32, #tpu.memory_space<hbm>>
      %dma_start3A_140 = arith.constant 0 : i32
      %dma_start3A_141 = tpu.memref_slice %arg5[%squeeze3A_125, %dma_start3A_140] : memref<10x2048xf32, #tpu.memory_space<vmem>> -> memref<1x2048xf32, #tpu.memory_space<vmem>>
      %dma_start3A_142 = tpu.memref_squeeze %dma_start3A_141 : memref<1x2048xf32, #tpu.memory_space<vmem>> -> memref<2048xf32, #tpu.memory_space<vmem>>
      tpu.enqueue_dma source(%dma_start3A_142 : memref<2048xf32, #tpu.memory_space<vmem>>) target(%dma_start3A_139 : memref<2048xf32, #tpu.memory_space<hbm>>) target_semaphore(%arg7 : memref<!tpu.dma_semaphore, #tpu.memory_space<semaphore_mem>>)
      %slice3A_143 = vector.extract_strided_slice %get3A_12 {offsets = [7], sizes = [1], strides = [1]} : vector<16xi32> to vector<1xi32>
      %squeeze3A_144 = vector.extract %slice3A_143[0] : i32 from vector<1xi32>
      %mul3A_145 = arith.constant 16 : i32
      %mul3A_146 = arith.muli %scan3A_8, %mul3A_145 : i32
      %add3A_147 = arith.addi %mul3A_2, %mul3A_146 : i32
      %add3A_148 = arith.constant 7 : i32
      %add3A_149 = arith.addi %add3A_147, %add3A_148 : i32
      %dma_start3A_150 = arith.constant 0 : i32
      %dma_start3A_151 = tpu.memref_slice %arg5[%squeeze3A_144, %dma_start3A_150] : memref<10x2048xf32, #tpu.memory_space<vmem>> -> memref<1x2048xf32, #tpu.memory_space<vmem>>
      %dma_start3A_152 = tpu.memref_squeeze %dma_start3A_151 : memref<1x2048xf32, #tpu.memory_space<vmem>> -> memref<2048xf32, #tpu.memory_space<vmem>>
      %dma_start3A_153 = arith.constant 0 : i32
      %dma_start3A_154 = tpu.memref_slice %arg4[%add3A_149, %dma_start3A_153] : memref<32768x2048xf32, #tpu.memory_space<hbm>> -> memref<1x2048xf32, #tpu.memory_space<hbm>>
      %dma_start3A_155 = tpu.memref_squeeze %dma_start3A_154 : memref<1x2048xf32, #tpu.memory_space<hbm>> -> memref<2048xf32, #tpu.memory_space<hbm>>
      %dma_start3A_156 = arith.constant 0 : i32
      %dma_start3A_157 = tpu.memref_slice %arg4[%add3A_149, %dma_start3A_156] : memref<32768x2048xf32, #tpu.memory_space<hbm>> -> memref<1x2048xf32, #tpu.memory_space<hbm>>
      %dma_start3A_158 = tpu.memref_squeeze %dma_start3A_157 : memref<1x2048xf32, #tpu.memory_space<hbm>> -> memref<2048xf32, #tpu.memory_space<hbm>>
      %dma_start3A_159 = arith.constant 0 : i32
      %dma_start3A_160 = tpu.memref_slice %arg5[%squeeze3A_144, %dma_start3A_159] : memref<10x2048xf32, #tpu.memory_space<vmem>> -> memref<1x2048xf32, #tpu.memory_space<vmem>>
      %dma_start3A_161 = tpu.memref_squeeze %dma_start3A_160 : memref<1x2048xf32, #tpu.memory_space<vmem>> -> memref<2048xf32, #tpu.memory_space<vmem>>
      tpu.enqueue_dma source(%dma_start3A_161 : memref<2048xf32, #tpu.memory_space<vmem>>) target(%dma_start3A_158 : memref<2048xf32, #tpu.memory_space<hbm>>) target_semaphore(%arg7 : memref<!tpu.dma_semaphore, #tpu.memory_space<semaphore_mem>>)
      %slice3A_162 = vector.extract_strided_slice %get3A_12 {offsets = [8], sizes = [1], strides = [1]} : vector<16xi32> to vector<1xi32>
      %squeeze3A_163 = vector.extract %slice3A_162[0] : i32 from vector<1xi32>
      %mul3A_164 = arith.constant 16 : i32
      %mul3A_165 = arith.muli %scan3A_8, %mul3A_164 : i32
      %add3A_166 = arith.addi %mul3A_2, %mul3A_165 : i32
      %add3A_167 = arith.constant 8 : i32
      %add3A_168 = arith.addi %add3A_166, %add3A_167 : i32
      %dma_start3A_169 = arith.constant 0 : i32
      %dma_start3A_170 = tpu.memref_slice %arg5[%squeeze3A_163, %dma_start3A_169] : memref<10x2048xf32, #tpu.memory_space<vmem>> -> memref<1x2048xf32, #tpu.memory_space<vmem>>
      %dma_start3A_171 = tpu.memref_squeeze %dma_start3A_170 : memref<1x2048xf32, #tpu.memory_space<vmem>> -> memref<2048xf32, #tpu.memory_space<vmem>>
      %dma_start3A_172 = arith.constant 0 : i32
      %dma_start3A_173 = tpu.memref_slice %arg4[%add3A_168, %dma_start3A_172] : memref<32768x2048xf32, #tpu.memory_space<hbm>> -> memref<1x2048xf32, #tpu.memory_space<hbm>>
      %dma_start3A_174 = tpu.memref_squeeze %dma_start3A_173 : memref<1x2048xf32, #tpu.memory_space<hbm>> -> memref<2048xf32, #tpu.memory_space<hbm>>
      %dma_start3A_175 = arith.constant 0 : i32
      %dma_start3A_176 = tpu.memref_slice %arg4[%add3A_168, %dma_start3A_175] : memref<32768x2048xf32, #tpu.memory_space<hbm>> -> memref<1x2048xf32, #tpu.memory_space<hbm>>
      %dma_start3A_177 = tpu.memref_squeeze %dma_start3A_176 : memref<1x2048xf32, #tpu.memory_space<hbm>> -> memref<2048xf32, #tpu.memory_space<hbm>>
      %dma_start3A_178 = arith.constant 0 : i32
      %dma_start3A_179 = tpu.memref_slice %arg5[%squeeze3A_163, %dma_start3A_178] : memref<10x2048xf32, #tpu.memory_space<vmem>> -> memref<1x2048xf32, #tpu.memory_space<vmem>>
      %dma_start3A_180 = tpu.memref_squeeze %dma_start3A_179 : memref<1x2048xf32, #tpu.memory_space<vmem>> -> memref<2048xf32, #tpu.memory_space<vmem>>
      tpu.enqueue_dma source(%dma_start3A_180 : memref<2048xf32, #tpu.memory_space<vmem>>) target(%dma_start3A_177 : memref<2048xf32, #tpu.memory_space<hbm>>) target_semaphore(%arg7 : memref<!tpu.dma_semaphore, #tpu.memory_space<semaphore_mem>>)
      %slice3A_181 = vector.extract_strided_slice %get3A_12 {offsets = [9], sizes = [1], strides = [1]} : vector<16xi32> to vector<1xi32>
      %squeeze3A_182 = vector.extract %slice3A_181[0] : i32 from vector<1xi32>
      %mul3A_183 = arith.constant 16 : i32
      %mul3A_184 = arith.muli %scan3A_8, %mul3A_183 : i32
      %add3A_185 = arith.addi %mul3A_2, %mul3A_184 : i32
      %add3A_186 = arith.constant 9 : i32
      %add3A_187 = arith.addi %add3A_185, %add3A_186 : i32
      %dma_start3A_188 = arith.constant 0 : i32
      %dma_start3A_189 = tpu.memref_slice %arg5[%squeeze3A_182, %dma_start3A_188] : memref<10x2048xf32, #tpu.memory_space<vmem>> -> memref<1x2048xf32, #tpu.memory_space<vmem>>
      %dma_start3A_190 = tpu.memref_squeeze %dma_start3A_189 : memref<1x2048xf32, #tpu.memory_space<vmem>> -> memref<2048xf32, #tpu.memory_space<vmem>>
      %dma_start3A_191 = arith.constant 0 : i32
      %dma_start3A_192 = tpu.memref_slice %arg4[%add3A_187, %dma_start3A_191] : memref<32768x2048xf32, #tpu.memory_space<hbm>> -> memref<1x2048xf32, #tpu.memory_space<hbm>>
      %dma_start3A_193 = tpu.memref_squeeze %dma_start3A_192 : memref<1x2048xf32, #tpu.memory_space<hbm>> -> memref<2048xf32, #tpu.memory_space<hbm>>
      %dma_start3A_194 = arith.constant 0 : i32
      %dma_start3A_195 = tpu.memref_slice %arg4[%add3A_187, %dma_start3A_194] : memref<32768x2048xf32, #tpu.memory_space<hbm>> -> memref<1x2048xf32, #tpu.memory_space<hbm>>
      %dma_start3A_196 = tpu.memref_squeeze %dma_start3A_195 : memref<1x2048xf32, #tpu.memory_space<hbm>> -> memref<2048xf32, #tpu.memory_space<hbm>>
      %dma_start3A_197 = arith.constant 0 : i32
      %dma_start3A_198 = tpu.memref_slice %arg5[%squeeze3A_182, %dma_start3A_197] : memref<10x2048xf32, #tpu.memory_space<vmem>> -> memref<1x2048xf32, #tpu.memory_space<vmem>>
      %dma_start3A_199 = tpu.memref_squeeze %dma_start3A_198 : memref<1x2048xf32, #tpu.memory_space<vmem>> -> memref<2048xf32, #tpu.memory_space<vmem>>
      tpu.enqueue_dma source(%dma_start3A_199 : memref<2048xf32, #tpu.memory_space<vmem>>) target(%dma_start3A_196 : memref<2048xf32, #tpu.memory_space<hbm>>) target_semaphore(%arg7 : memref<!tpu.dma_semaphore, #tpu.memory_space<semaphore_mem>>)
      %slice3A_200 = vector.extract_strided_slice %get3A_12 {offsets = [10], sizes = [1], strides = [1]} : vector<16xi32> to vector<1xi32>
      %squeeze3A_201 = vector.extract %slice3A_200[0] : i32 from vector<1xi32>
      %mul3A_202 = arith.constant 16 : i32
      %mul3A_203 = arith.muli %scan3A_8, %mul3A_202 : i32
      %add3A_204 = arith.addi %mul3A_2, %mul3A_203 : i32
      %add3A_205 = arith.constant 10 : i32
      %add3A_206 = arith.addi %add3A_204, %add3A_205 : i32
      %dma_start3A_207 = arith.constant 0 : i32
      %dma_start3A_208 = tpu.memref_slice %arg5[%squeeze3A_201, %dma_start3A_207] : memref<10x2048xf32, #tpu.memory_space<vmem>> -> memref<1x2048xf32, #tpu.memory_space<vmem>>
      %dma_start3A_209 = tpu.memref_squeeze %dma_start3A_208 : memref<1x2048xf32, #tpu.memory_space<vmem>> -> memref<2048xf32, #tpu.memory_space<vmem>>
      %dma_start3A_210 = arith.constant 0 : i32
      %dma_start3A_211 = tpu.memref_slice %arg4[%add3A_206, %dma_start3A_210] : memref<32768x2048xf32, #tpu.memory_space<hbm>> -> memref<1x2048xf32, #tpu.memory_space<hbm>>
      %dma_start3A_212 = tpu.memref_squeeze %dma_start3A_211 : memref<1x2048xf32, #tpu.memory_space<hbm>> -> memref<2048xf32, #tpu.memory_space<hbm>>
      %dma_start3A_213 = arith.constant 0 : i32
      %dma_start3A_214 = tpu.memref_slice %arg4[%add3A_206, %dma_start3A_213] : memref<32768x2048xf32, #tpu.memory_space<hbm>> -> memref<1x2048xf32, #tpu.memory_space<hbm>>
      %dma_start3A_215 = tpu.memref_squeeze %dma_start3A_214 : memref<1x2048xf32, #tpu.memory_space<hbm>> -> memref<2048xf32, #tpu.memory_space<hbm>>
      %dma_start3A_216 = arith.constant 0 : i32
      %dma_start3A_217 = tpu.memref_slice %arg5[%squeeze3A_201, %dma_start3A_216] : memref<10x2048xf32, #tpu.memory_space<vmem>> -> memref<1x2048xf32, #tpu.memory_space<vmem>>
      %dma_start3A_218 = tpu.memref_squeeze %dma_start3A_217 : memref<1x2048xf32, #tpu.memory_space<vmem>> -> memref<2048xf32, #tpu.memory_space<vmem>>
      tpu.enqueue_dma source(%dma_start3A_218 : memref<2048xf32, #tpu.memory_space<vmem>>) target(%dma_start3A_215 : memref<2048xf32, #tpu.memory_space<hbm>>) target_semaphore(%arg7 : memref<!tpu.dma_semaphore, #tpu.memory_space<semaphore_mem>>)
      %slice3A_219 = vector.extract_strided_slice %get3A_12 {offsets = [11], sizes = [1], strides = [1]} : vector<16xi32> to vector<1xi32>
      %squeeze3A_220 = vector.extract %slice3A_219[0] : i32 from vector<1xi32>
      %mul3A_221 = arith.constant 16 : i32
      %mul3A_222 = arith.muli %scan3A_8, %mul3A_221 : i32
      %add3A_223 = arith.addi %mul3A_2, %mul3A_222 : i32
      %add3A_224 = arith.constant 11 : i32
      %add3A_225 = arith.addi %add3A_223, %add3A_224 : i32
      %dma_start3A_226 = arith.constant 0 : i32
      %dma_start3A_227 = tpu.memref_slice %arg5[%squeeze3A_220, %dma_start3A_226] : memref<10x2048xf32, #tpu.memory_space<vmem>> -> memref<1x2048xf32, #tpu.memory_space<vmem>>
      %dma_start3A_228 = tpu.memref_squeeze %dma_start3A_227 : memref<1x2048xf32, #tpu.memory_space<vmem>> -> memref<2048xf32, #tpu.memory_space<vmem>>
      %dma_start3A_229 = arith.constant 0 : i32
      %dma_start3A_230 = tpu.memref_slice %arg4[%add3A_225, %dma_start3A_229] : memref<32768x2048xf32, #tpu.memory_space<hbm>> -> memref<1x2048xf32, #tpu.memory_space<hbm>>
      %dma_start3A_231 = tpu.memref_squeeze %dma_start3A_230 : memref<1x2048xf32, #tpu.memory_space<hbm>> -> memref<2048xf32, #tpu.memory_space<hbm>>
      %dma_start3A_232 = arith.constant 0 : i32
      %dma_start3A_233 = tpu.memref_slice %arg4[%add3A_225, %dma_start3A_232] : memref<32768x2048xf32, #tpu.memory_space<hbm>> -> memref<1x2048xf32, #tpu.memory_space<hbm>>
      %dma_start3A_234 = tpu.memref_squeeze %dma_start3A_233 : memref<1x2048xf32, #tpu.memory_space<hbm>> -> memref<2048xf32, #tpu.memory_space<hbm>>
      %dma_start3A_235 = arith.constant 0 : i32
      %dma_start3A_236 = tpu.memref_slice %arg5[%squeeze3A_220, %dma_start3A_235] : memref<10x2048xf32, #tpu.memory_space<vmem>> -> memref<1x2048xf32, #tpu.memory_space<vmem>>
      %dma_start3A_237 = tpu.memref_squeeze %dma_start3A_236 : memref<1x2048xf32, #tpu.memory_space<vmem>> -> memref<2048xf32, #tpu.memory_space<vmem>>
      tpu.enqueue_dma source(%dma_start3A_237 : memref<2048xf32, #tpu.memory_space<vmem>>) target(%dma_start3A_234 : memref<2048xf32, #tpu.memory_space<hbm>>) target_semaphore(%arg7 : memref<!tpu.dma_semaphore, #tpu.memory_space<semaphore_mem>>)
      %slice3A_238 = vector.extract_strided_slice %get3A_12 {offsets = [12], sizes = [1], strides = [1]} : vector<16xi32> to vector<1xi32>
      %squeeze3A_239 = vector.extract %slice3A_238[0] : i32 from vector<1xi32>
      %mul3A_240 = arith.constant 16 : i32
      %mul3A_241 = arith.muli %scan3A_8, %mul3A_240 : i32
      %add3A_242 = arith.addi %mul3A_2, %mul3A_241 : i32
      %add3A_243 = arith.constant 12 : i32
      %add3A_244 = arith.addi %add3A_242, %add3A_243 : i32
      %dma_start3A_245 = arith.constant 0 : i32
      %dma_start3A_246 = tpu.memref_slice %arg5[%squeeze3A_239, %dma_start3A_245] : memref<10x2048xf32, #tpu.memory_space<vmem>> -> memref<1x2048xf32, #tpu.memory_space<vmem>>
      %dma_start3A_247 = tpu.memref_squeeze %dma_start3A_246 : memref<1x2048xf32, #tpu.memory_space<vmem>> -> memref<2048xf32, #tpu.memory_space<vmem>>
      %dma_start3A_248 = arith.constant 0 : i32
      %dma_start3A_249 = tpu.memref_slice %arg4[%add3A_244, %dma_start3A_248] : memref<32768x2048xf32, #tpu.memory_space<hbm>> -> memref<1x2048xf32, #tpu.memory_space<hbm>>
      %dma_start3A_250 = tpu.memref_squeeze %dma_start3A_249 : memref<1x2048xf32, #tpu.memory_space<hbm>> -> memref<2048xf32, #tpu.memory_space<hbm>>
      %dma_start3A_251 = arith.constant 0 : i32
      %dma_start3A_252 = tpu.memref_slice %arg4[%add3A_244, %dma_start3A_251] : memref<32768x2048xf32, #tpu.memory_space<hbm>> -> memref<1x2048xf32, #tpu.memory_space<hbm>>
      %dma_start3A_253 = tpu.memref_squeeze %dma_start3A_252 : memref<1x2048xf32, #tpu.memory_space<hbm>> -> memref<2048xf32, #tpu.memory_space<hbm>>
      %dma_start3A_254 = arith.constant 0 : i32
      %dma_start3A_255 = tpu.memref_slice %arg5[%squeeze3A_239, %dma_start3A_254] : memref<10x2048xf32, #tpu.memory_space<vmem>> -> memref<1x2048xf32, #tpu.memory_space<vmem>>
      %dma_start3A_256 = tpu.memref_squeeze %dma_start3A_255 : memref<1x2048xf32, #tpu.memory_space<vmem>> -> memref<2048xf32, #tpu.memory_space<vmem>>
      tpu.enqueue_dma source(%dma_start3A_256 : memref<2048xf32, #tpu.memory_space<vmem>>) target(%dma_start3A_253 : memref<2048xf32, #tpu.memory_space<hbm>>) target_semaphore(%arg7 : memref<!tpu.dma_semaphore, #tpu.memory_space<semaphore_mem>>)
      %slice3A_257 = vector.extract_strided_slice %get3A_12 {offsets = [13], sizes = [1], strides = [1]} : vector<16xi32> to vector<1xi32>
      %squeeze3A_258 = vector.extract %slice3A_257[0] : i32 from vector<1xi32>
      %mul3A_259 = arith.constant 16 : i32
      %mul3A_260 = arith.muli %scan3A_8, %mul3A_259 : i32
      %add3A_261 = arith.addi %mul3A_2, %mul3A_260 : i32
      %add3A_262 = arith.constant 13 : i32
      %add3A_263 = arith.addi %add3A_261, %add3A_262 : i32
      %dma_start3A_264 = arith.constant 0 : i32
      %dma_start3A_265 = tpu.memref_slice %arg5[%squeeze3A_258, %dma_start3A_264] : memref<10x2048xf32, #tpu.memory_space<vmem>> -> memref<1x2048xf32, #tpu.memory_space<vmem>>
      %dma_start3A_266 = tpu.memref_squeeze %dma_start3A_265 : memref<1x2048xf32, #tpu.memory_space<vmem>> -> memref<2048xf32, #tpu.memory_space<vmem>>
      %dma_start3A_267 = arith.constant 0 : i32
      %dma_start3A_268 = tpu.memref_slice %arg4[%add3A_263, %dma_start3A_267] : memref<32768x2048xf32, #tpu.memory_space<hbm>> -> memref<1x2048xf32, #tpu.memory_space<hbm>>
      %dma_start3A_269 = tpu.memref_squeeze %dma_start3A_268 : memref<1x2048xf32, #tpu.memory_space<hbm>> -> memref<2048xf32, #tpu.memory_space<hbm>>
      %dma_start3A_270 = arith.constant 0 : i32
      %dma_start3A_271 = tpu.memref_slice %arg4[%add3A_263, %dma_start3A_270] : memref<32768x2048xf32, #tpu.memory_space<hbm>> -> memref<1x2048xf32, #tpu.memory_space<hbm>>
      %dma_start3A_272 = tpu.memref_squeeze %dma_start3A_271 : memref<1x2048xf32, #tpu.memory_space<hbm>> -> memref<2048xf32, #tpu.memory_space<hbm>>
      %dma_start3A_273 = arith.constant 0 : i32
      %dma_start3A_274 = tpu.memref_slice %arg5[%squeeze3A_258, %dma_start3A_273] : memref<10x2048xf32, #tpu.memory_space<vmem>> -> memref<1x2048xf32, #tpu.memory_space<vmem>>
      %dma_start3A_275 = tpu.memref_squeeze %dma_start3A_274 : memref<1x2048xf32, #tpu.memory_space<vmem>> -> memref<2048xf32, #tpu.memory_space<vmem>>
      tpu.enqueue_dma source(%dma_start3A_275 : memref<2048xf32, #tpu.memory_space<vmem>>) target(%dma_start3A_272 : memref<2048xf32, #tpu.memory_space<hbm>>) target_semaphore(%arg7 : memref<!tpu.dma_semaphore, #tpu.memory_space<semaphore_mem>>)
      %slice3A_276 = vector.extract_strided_slice %get3A_12 {offsets = [14], sizes = [1], strides = [1]} : vector<16xi32> to vector<1xi32>
      %squeeze3A_277 = vector.extract %slice3A_276[0] : i32 from vector<1xi32>
      %mul3A_278 = arith.constant 16 : i32
      %mul3A_279 = arith.muli %scan3A_8, %mul3A_278 : i32
      %add3A_280 = arith.addi %mul3A_2, %mul3A_279 : i32
      %add3A_281 = arith.constant 14 : i32
      %add3A_282 = arith.addi %add3A_280, %add3A_281 : i32
      %dma_start3A_283 = arith.constant 0 : i32
      %dma_start3A_284 = tpu.memref_slice %arg5[%squeeze3A_277, %dma_start3A_283] : memref<10x2048xf32, #tpu.memory_space<vmem>> -> memref<1x2048xf32, #tpu.memory_space<vmem>>
      %dma_start3A_285 = tpu.memref_squeeze %dma_start3A_284 : memref<1x2048xf32, #tpu.memory_space<vmem>> -> memref<2048xf32, #tpu.memory_space<vmem>>
      %dma_start3A_286 = arith.constant 0 : i32
      %dma_start3A_287 = tpu.memref_slice %arg4[%add3A_282, %dma_start3A_286] : memref<32768x2048xf32, #tpu.memory_space<hbm>> -> memref<1x2048xf32, #tpu.memory_space<hbm>>
      %dma_start3A_288 = tpu.memref_squeeze %dma_start3A_287 : memref<1x2048xf32, #tpu.memory_space<hbm>> -> memref<2048xf32, #tpu.memory_space<hbm>>
      %dma_start3A_289 = arith.constant 0 : i32
      %dma_start3A_290 = tpu.memref_slice %arg4[%add3A_282, %dma_start3A_289] : memref<32768x2048xf32, #tpu.memory_space<hbm>> -> memref<1x2048xf32, #tpu.memory_space<hbm>>
      %dma_start3A_291 = tpu.memref_squeeze %dma_start3A_290 : memref<1x2048xf32, #tpu.memory_space<hbm>> -> memref<2048xf32, #tpu.memory_space<hbm>>
      %dma_start3A_292 = arith.constant 0 : i32
      %dma_start3A_293 = tpu.memref_slice %arg5[%squeeze3A_277, %dma_start3A_292] : memref<10x2048xf32, #tpu.memory_space<vmem>> -> memref<1x2048xf32, #tpu.memory_space<vmem>>
      %dma_start3A_294 = tpu.memref_squeeze %dma_start3A_293 : memref<1x2048xf32, #tpu.memory_space<vmem>> -> memref<2048xf32, #tpu.memory_space<vmem>>
      tpu.enqueue_dma source(%dma_start3A_294 : memref<2048xf32, #tpu.memory_space<vmem>>) target(%dma_start3A_291 : memref<2048xf32, #tpu.memory_space<hbm>>) target_semaphore(%arg7 : memref<!tpu.dma_semaphore, #tpu.memory_space<semaphore_mem>>)
      %slice3A_295 = vector.extract_strided_slice %get3A_12 {offsets = [15], sizes = [1], strides = [1]} : vector<16xi32> to vector<1xi32>
      %squeeze3A_296 = vector.extract %slice3A_295[0] : i32 from vector<1xi32>
      %mul3A_297 = arith.constant 16 : i32
      %mul3A_298 = arith.muli %scan3A_8, %mul3A_297 : i32
      %add3A_299 = arith.addi %mul3A_2, %mul3A_298 : i32
      %add3A_300 = arith.constant 15 : i32
      %add3A_301 = arith.addi %add3A_299, %add3A_300 : i32
      %dma_start3A_302 = arith.constant 0 : i32
      %dma_start3A_303 = tpu.memref_slice %arg5[%squeeze3A_296, %dma_start3A_302] : memref<10x2048xf32, #tpu.memory_space<vmem>> -> memref<1x2048xf32, #tpu.memory_space<vmem>>
      %dma_start3A_304 = tpu.memref_squeeze %dma_start3A_303 : memref<1x2048xf32, #tpu.memory_space<vmem>> -> memref<2048xf32, #tpu.memory_space<vmem>>
      %dma_start3A_305 = arith.constant 0 : i32
      %dma_start3A_306 = tpu.memref_slice %arg4[%add3A_301, %dma_start3A_305] : memref<32768x2048xf32, #tpu.memory_space<hbm>> -> memref<1x2048xf32, #tpu.memory_space<hbm>>
      %dma_start3A_307 = tpu.memref_squeeze %dma_start3A_306 : memref<1x2048xf32, #tpu.memory_space<hbm>> -> memref<2048xf32, #tpu.memory_space<hbm>>
      %dma_start3A_308 = arith.constant 0 : i32
      %dma_start3A_309 = tpu.memref_slice %arg4[%add3A_301, %dma_start3A_308] : memref<32768x2048xf32, #tpu.memory_space<hbm>> -> memref<1x2048xf32, #tpu.memory_space<hbm>>
      %dma_start3A_310 = tpu.memref_squeeze %dma_start3A_309 : memref<1x2048xf32, #tpu.memory_space<hbm>> -> memref<2048xf32, #tpu.memory_space<hbm>>
      %dma_start3A_311 = arith.constant 0 : i32
      %dma_start3A_312 = tpu.memref_slice %arg5[%squeeze3A_296, %dma_start3A_311] : memref<10x2048xf32, #tpu.memory_space<vmem>> -> memref<1x2048xf32, #tpu.memory_space<vmem>>
      %dma_start3A_313 = tpu.memref_squeeze %dma_start3A_312 : memref<1x2048xf32, #tpu.memory_space<vmem>> -> memref<2048xf32, #tpu.memory_space<vmem>>
      tpu.enqueue_dma source(%dma_start3A_313 : memref<2048xf32, #tpu.memory_space<vmem>>) target(%dma_start3A_310 : memref<2048xf32, #tpu.memory_space<hbm>>) target_semaphore(%arg7 : memref<!tpu.dma_semaphore, #tpu.memory_space<semaphore_mem>>)
      %dma_wait3A = arith.constant 0 : i32
      %dma_wait3A_314 = arith.constant 0 : i32
      %dma_wait3A_315 = tpu.memref_slice %arg5[%dma_wait3A, %dma_wait3A_314] : memref<10x2048xf32, #tpu.memory_space<vmem>> -> memref<1x2048xf32, #tpu.memory_space<vmem>>
      %dma_wait3A_316 = tpu.memref_squeeze %dma_wait3A_315 : memref<1x2048xf32, #tpu.memory_space<vmem>> -> memref<2048xf32, #tpu.memory_space<vmem>>
      %dma_wait3A_317 = arith.constant 0 : i32
      %dma_wait3A_318 = tpu.memref_slice %arg4[%mul3A_2, %dma_wait3A_317] : memref<32768x2048xf32, #tpu.memory_space<hbm>> -> memref<1x2048xf32, #tpu.memory_space<hbm>>
      %dma_wait3A_319 = tpu.memref_squeeze %dma_wait3A_318 : memref<1x2048xf32, #tpu.memory_space<hbm>> -> memref<2048xf32, #tpu.memory_space<hbm>>
      %dma_wait3A_320 = arith.constant 0 : i32
      %dma_wait3A_321 = tpu.memref_slice %arg4[%mul3A_2, %dma_wait3A_320] : memref<32768x2048xf32, #tpu.memory_space<hbm>> -> memref<1x2048xf32, #tpu.memory_space<hbm>>
      %dma_wait3A_322 = tpu.memref_squeeze %dma_wait3A_321 : memref<1x2048xf32, #tpu.memory_space<hbm>> -> memref<2048xf32, #tpu.memory_space<hbm>>
      %dma_wait3A_323 = arith.constant 0 : i32
      %dma_wait3A_324 = tpu.memref_slice %arg5[%dma_wait3A, %dma_wait3A_323] : memref<10x2048xf32, #tpu.memory_space<vmem>> -> memref<1x2048xf32, #tpu.memory_space<vmem>>
      %dma_wait3A_325 = tpu.memref_squeeze %dma_wait3A_324 : memref<1x2048xf32, #tpu.memory_space<vmem>> -> memref<2048xf32, #tpu.memory_space<vmem>>
      tpu.wait_dma2 semaphore(%arg7 : memref<!tpu.dma_semaphore, #tpu.memory_space<semaphore_mem>>) src(%dma_wait3A_325 : memref<2048xf32, #tpu.memory_space<vmem>>) dst(%dma_wait3A_322 : memref<2048xf32, #tpu.memory_space<hbm>>)
      %dma_wait3A_326 = arith.constant 0 : i32
      %dma_wait3A_327 = arith.constant 0 : i32
      %dma_wait3A_328 = tpu.memref_slice %arg5[%dma_wait3A_326, %dma_wait3A_327] : memref<10x2048xf32, #tpu.memory_space<vmem>> -> memref<1x2048xf32, #tpu.memory_space<vmem>>
      %dma_wait3A_329 = tpu.memref_squeeze %dma_wait3A_328 : memref<1x2048xf32, #tpu.memory_space<vmem>> -> memref<2048xf32, #tpu.memory_space<vmem>>
      %dma_wait3A_330 = arith.constant 0 : i32
      %dma_wait3A_331 = tpu.memref_slice %arg4[%mul3A_2, %dma_wait3A_330] : memref<32768x2048xf32, #tpu.memory_space<hbm>> -> memref<1x2048xf32, #tpu.memory_space<hbm>>
      %dma_wait3A_332 = tpu.memref_squeeze %dma_wait3A_331 : memref<1x2048xf32, #tpu.memory_space<hbm>> -> memref<2048xf32, #tpu.memory_space<hbm>>
      %dma_wait3A_333 = arith.constant 0 : i32
      %dma_wait3A_334 = tpu.memref_slice %arg4[%mul3A_2, %dma_wait3A_333] : memref<32768x2048xf32, #tpu.memory_space<hbm>> -> memref<1x2048xf32, #tpu.memory_space<hbm>>
      %dma_wait3A_335 = tpu.memref_squeeze %dma_wait3A_334 : memref<1x2048xf32, #tpu.memory_space<hbm>> -> memref<2048xf32, #tpu.memory_space<hbm>>
      %dma_wait3A_336 = arith.constant 0 : i32
      %dma_wait3A_337 = tpu.memref_slice %arg5[%dma_wait3A_326, %dma_wait3A_336] : memref<10x2048xf32, #tpu.memory_space<vmem>> -> memref<1x2048xf32, #tpu.memory_space<vmem>>
      %dma_wait3A_338 = tpu.memref_squeeze %dma_wait3A_337 : memref<1x2048xf32, #tpu.memory_space<vmem>> -> memref<2048xf32, #tpu.memory_space<vmem>>
      tpu.wait_dma2 semaphore(%arg7 : memref<!tpu.dma_semaphore, #tpu.memory_space<semaphore_mem>>) src(%dma_wait3A_338 : memref<2048xf32, #tpu.memory_space<vmem>>) dst(%dma_wait3A_335 : memref<2048xf32, #tpu.memory_space<hbm>>)
      %dma_wait3A_339 = arith.constant 0 : i32
      %dma_wait3A_340 = arith.constant 0 : i32
      %dma_wait3A_341 = tpu.memref_slice %arg5[%dma_wait3A_339, %dma_wait3A_340] : memref<10x2048xf32, #tpu.memory_space<vmem>> -> memref<1x2048xf32, #tpu.memory_space<vmem>>
      %dma_wait3A_342 = tpu.memref_squeeze %dma_wait3A_341 : memref<1x2048xf32, #tpu.memory_space<vmem>> -> memref<2048xf32, #tpu.memory_space<vmem>>
      %dma_wait3A_343 = arith.constant 0 : i32
      %dma_wait3A_344 = tpu.memref_slice %arg4[%mul3A_2, %dma_wait3A_343] : memref<32768x2048xf32, #tpu.memory_space<hbm>> -> memref<1x2048xf32, #tpu.memory_space<hbm>>
      %dma_wait3A_345 = tpu.memref_squeeze %dma_wait3A_344 : memref<1x2048xf32, #tpu.memory_space<hbm>> -> memref<2048xf32, #tpu.memory_space<hbm>>
      %dma_wait3A_346 = arith.constant 0 : i32
      %dma_wait3A_347 = tpu.memref_slice %arg4[%mul3A_2, %dma_wait3A_346] : memref<32768x2048xf32, #tpu.memory_space<hbm>> -> memref<1x2048xf32, #tpu.memory_space<hbm>>
      %dma_wait3A_348 = tpu.memref_squeeze %dma_wait3A_347 : memref<1x2048xf32, #tpu.memory_space<hbm>> -> memref<2048xf32, #tpu.memory_space<hbm>>
      %dma_wait3A_349 = arith.constant 0 : i32
      %dma_wait3A_350 = tpu.memref_slice %arg5[%dma_wait3A_339, %dma_wait3A_349] : memref<10x2048xf32, #tpu.memory_space<vmem>> -> memref<1x2048xf32, #tpu.memory_space<vmem>>
      %dma_wait3A_351 = tpu.memref_squeeze %dma_wait3A_350 : memref<1x2048xf32, #tpu.memory_space<vmem>> -> memref<2048xf32, #tpu.memory_space<vmem>>
      tpu.wait_dma2 semaphore(%arg7 : memref<!tpu.dma_semaphore, #tpu.memory_space<semaphore_mem>>) src(%dma_wait3A_351 : memref<2048xf32, #tpu.memory_space<vmem>>) dst(%dma_wait3A_348 : memref<2048xf32, #tpu.memory_space<hbm>>)
      %dma_wait3A_352 = arith.constant 0 : i32
      %dma_wait3A_353 = arith.constant 0 : i32
      %dma_wait3A_354 = tpu.memref_slice %arg5[%dma_wait3A_352, %dma_wait3A_353] : memref<10x2048xf32, #tpu.memory_space<vmem>> -> memref<1x2048xf32, #tpu.memory_space<vmem>>
      %dma_wait3A_355 = tpu.memref_squeeze %dma_wait3A_354 : memref<1x2048xf32, #tpu.memory_space<vmem>> -> memref<2048xf32, #tpu.memory_space<vmem>>
      %dma_wait3A_356 = arith.constant 0 : i32
      %dma_wait3A_357 = tpu.memref_slice %arg4[%mul3A_2, %dma_wait3A_356] : memref<32768x2048xf32, #tpu.memory_space<hbm>> -> memref<1x2048xf32, #tpu.memory_space<hbm>>
      %dma_wait3A_358 = tpu.memref_squeeze %dma_wait3A_357 : memref<1x2048xf32, #tpu.memory_space<hbm>> -> memref<2048xf32, #tpu.memory_space<hbm>>
      %dma_wait3A_359 = arith.constant 0 : i32
      %dma_wait3A_360 = tpu.memref_slice %arg4[%mul3A_2, %dma_wait3A_359] : memref<32768x2048xf32, #tpu.memory_space<hbm>> -> memref<1x2048xf32, #tpu.memory_space<hbm>>
      %dma_wait3A_361 = tpu.memref_squeeze %dma_wait3A_360 : memref<1x2048xf32, #tpu.memory_space<hbm>> -> memref<2048xf32, #tpu.memory_space<hbm>>
      %dma_wait3A_362 = arith.constant 0 : i32
      %dma_wait3A_363 = tpu.memref_slice %arg5[%dma_wait3A_352, %dma_wait3A_362] : memref<10x2048xf32, #tpu.memory_space<vmem>> -> memref<1x2048xf32, #tpu.memory_space<vmem>>
      %dma_wait3A_364 = tpu.memref_squeeze %dma_wait3A_363 : memref<1x2048xf32, #tpu.memory_space<vmem>> -> memref<2048xf32, #tpu.memory_space<vmem>>
      tpu.wait_dma2 semaphore(%arg7 : memref<!tpu.dma_semaphore, #tpu.memory_space<semaphore_mem>>) src(%dma_wait3A_364 : memref<2048xf32, #tpu.memory_space<vmem>>) dst(%dma_wait3A_361 : memref<2048xf32, #tpu.memory_space<hbm>>)
      %dma_wait3A_365 = arith.constant 0 : i32
      %dma_wait3A_366 = arith.constant 0 : i32
      %dma_wait3A_367 = tpu.memref_slice %arg5[%dma_wait3A_365, %dma_wait3A_366] : memref<10x2048xf32, #tpu.memory_space<vmem>> -> memref<1x2048xf32, #tpu.memory_space<vmem>>
      %dma_wait3A_368 = tpu.memref_squeeze %dma_wait3A_367 : memref<1x2048xf32, #tpu.memory_space<vmem>> -> memref<2048xf32, #tpu.memory_space<vmem>>
      %dma_wait3A_369 = arith.constant 0 : i32
      %dma_wait3A_370 = tpu.memref_slice %arg4[%mul3A_2, %dma_wait3A_369] : memref<32768x2048xf32, #tpu.memory_space<hbm>> -> memref<1x2048xf32, #tpu.memory_space<hbm>>
      %dma_wait3A_371 = tpu.memref_squeeze %dma_wait3A_370 : memref<1x2048xf32, #tpu.memory_space<hbm>> -> memref<2048xf32, #tpu.memory_space<hbm>>
      %dma_wait3A_372 = arith.constant 0 : i32
      %dma_wait3A_373 = tpu.memref_slice %arg4[%mul3A_2, %dma_wait3A_372] : memref<32768x2048xf32, #tpu.memory_space<hbm>> -> memref<1x2048xf32, #tpu.memory_space<hbm>>
      %dma_wait3A_374 = tpu.memref_squeeze %dma_wait3A_373 : memref<1x2048xf32, #tpu.memory_space<hbm>> -> memref<2048xf32, #tpu.memory_space<hbm>>
      %dma_wait3A_375 = arith.constant 0 : i32
      %dma_wait3A_376 = tpu.memref_slice %arg5[%dma_wait3A_365, %dma_wait3A_375] : memref<10x2048xf32, #tpu.memory_space<vmem>> -> memref<1x2048xf32, #tpu.memory_space<vmem>>
      %dma_wait3A_377 = tpu.memref_squeeze %dma_wait3A_376 : memref<1x2048xf32, #tpu.memory_space<vmem>> -> memref<2048xf32, #tpu.memory_space<vmem>>
      tpu.wait_dma2 semaphore(%arg7 : memref<!tpu.dma_semaphore, #tpu.memory_space<semaphore_mem>>) src(%dma_wait3A_377 : memref<2048xf32, #tpu.memory_space<vmem>>) dst(%dma_wait3A_374 : memref<2048xf32, #tpu.memory_space<hbm>>)
      %dma_wait3A_378 = arith.constant 0 : i32
      %dma_wait3A_379 = arith.constant 0 : i32
      %dma_wait3A_380 = tpu.memref_slice %arg5[%dma_wait3A_378, %dma_wait3A_379] : memref<10x2048xf32, #tpu.memory_space<vmem>> -> memref<1x2048xf32, #tpu.memory_space<vmem>>
      %dma_wait3A_381 = tpu.memref_squeeze %dma_wait3A_380 : memref<1x2048xf32, #tpu.memory_space<vmem>> -> memref<2048xf32, #tpu.memory_space<vmem>>
      %dma_wait3A_382 = arith.constant 0 : i32
      %dma_wait3A_383 = tpu.memref_slice %arg4[%mul3A_2, %dma_wait3A_382] : memref<32768x2048xf32, #tpu.memory_space<hbm>> -> memref<1x2048xf32, #tpu.memory_space<hbm>>
      %dma_wait3A_384 = tpu.memref_squeeze %dma_wait3A_383 : memref<1x2048xf32, #tpu.memory_space<hbm>> -> memref<2048xf32, #tpu.memory_space<hbm>>
      %dma_wait3A_385 = arith.constant 0 : i32
      %dma_wait3A_386 = tpu.memref_slice %arg4[%mul3A_2, %dma_wait3A_385] : memref<32768x2048xf32, #tpu.memory_space<hbm>> -> memref<1x2048xf32, #tpu.memory_space<hbm>>
      %dma_wait3A_387 = tpu.memref_squeeze %dma_wait3A_386 : memref<1x2048xf32, #tpu.memory_space<hbm>> -> memref<2048xf32, #tpu.memory_space<hbm>>
      %dma_wait3A_388 = arith.constant 0 : i32
      %dma_wait3A_389 = tpu.memref_slice %arg5[%dma_wait3A_378, %dma_wait3A_388] : memref<10x2048xf32, #tpu.memory_space<vmem>> -> memref<1x2048xf32, #tpu.memory_space<vmem>>
      %dma_wait3A_390 = tpu.memref_squeeze %dma_wait3A_389 : memref<1x2048xf32, #tpu.memory_space<vmem>> -> memref<2048xf32, #tpu.memory_space<vmem>>
      tpu.wait_dma2 semaphore(%arg7 : memref<!tpu.dma_semaphore, #tpu.memory_space<semaphore_mem>>) src(%dma_wait3A_390 : memref<2048xf32, #tpu.memory_space<vmem>>) dst(%dma_wait3A_387 : memref<2048xf32, #tpu.memory_space<hbm>>)
      %dma_wait3A_391 = arith.constant 0 : i32
      %dma_wait3A_392 = arith.constant 0 : i32
      %dma_wait3A_393 = tpu.memref_slice %arg5[%dma_wait3A_391, %dma_wait3A_392] : memref<10x2048xf32, #tpu.memory_space<vmem>> -> memref<1x2048xf32, #tpu.memory_space<vmem>>
      %dma_wait3A_394 = tpu.memref_squeeze %dma_wait3A_393 : memref<1x2048xf32, #tpu.memory_space<vmem>> -> memref<2048xf32, #tpu.memory_space<vmem>>
      %dma_wait3A_395 = arith.constant 0 : i32
      %dma_wait3A_396 = tpu.memref_slice %arg4[%mul3A_2, %dma_wait3A_395] : memref<32768x2048xf32, #tpu.memory_space<hbm>> -> memref<1x2048xf32, #tpu.memory_space<hbm>>
      %dma_wait3A_397 = tpu.memref_squeeze %dma_wait3A_396 : memref<1x2048xf32, #tpu.memory_space<hbm>> -> memref<2048xf32, #tpu.memory_space<hbm>>
      %dma_wait3A_398 = arith.constant 0 : i32
      %dma_wait3A_399 = tpu.memref_slice %arg4[%mul3A_2, %dma_wait3A_398] : memref<32768x2048xf32, #tpu.memory_space<hbm>> -> memref<1x2048xf32, #tpu.memory_space<hbm>>
      %dma_wait3A_400 = tpu.memref_squeeze %dma_wait3A_399 : memref<1x2048xf32, #tpu.memory_space<hbm>> -> memref<2048xf32, #tpu.memory_space<hbm>>
      %dma_wait3A_401 = arith.constant 0 : i32
      %dma_wait3A_402 = tpu.memref_slice %arg5[%dma_wait3A_391, %dma_wait3A_401] : memref<10x2048xf32, #tpu.memory_space<vmem>> -> memref<1x2048xf32, #tpu.memory_space<vmem>>
      %dma_wait3A_403 = tpu.memref_squeeze %dma_wait3A_402 : memref<1x2048xf32, #tpu.memory_space<vmem>> -> memref<2048xf32, #tpu.memory_space<vmem>>
      tpu.wait_dma2 semaphore(%arg7 : memref<!tpu.dma_semaphore, #tpu.memory_space<semaphore_mem>>) src(%dma_wait3A_403 : memref<2048xf32, #tpu.memory_space<vmem>>) dst(%dma_wait3A_400 : memref<2048xf32, #tpu.memory_space<hbm>>)
      %dma_wait3A_404 = arith.constant 0 : i32
      %dma_wait3A_405 = arith.constant 0 : i32
      %dma_wait3A_406 = tpu.memref_slice %arg5[%dma_wait3A_404, %dma_wait3A_405] : memref<10x2048xf32, #tpu.memory_space<vmem>> -> memref<1x2048xf32, #tpu.memory_space<vmem>>
      %dma_wait3A_407 = tpu.memref_squeeze %dma_wait3A_406 : memref<1x2048xf32, #tpu.memory_space<vmem>> -> memref<2048xf32, #tpu.memory_space<vmem>>
      %dma_wait3A_408 = arith.constant 0 : i32
      %dma_wait3A_409 = tpu.memref_slice %arg4[%mul3A_2, %dma_wait3A_408] : memref<32768x2048xf32, #tpu.memory_space<hbm>> -> memref<1x2048xf32, #tpu.memory_space<hbm>>
      %dma_wait3A_410 = tpu.memref_squeeze %dma_wait3A_409 : memref<1x2048xf32, #tpu.memory_space<hbm>> -> memref<2048xf32, #tpu.memory_space<hbm>>
      %dma_wait3A_411 = arith.constant 0 : i32
      %dma_wait3A_412 = tpu.memref_slice %arg4[%mul3A_2, %dma_wait3A_411] : memref<32768x2048xf32, #tpu.memory_space<hbm>> -> memref<1x2048xf32, #tpu.memory_space<hbm>>
      %dma_wait3A_413 = tpu.memref_squeeze %dma_wait3A_412 : memref<1x2048xf32, #tpu.memory_space<hbm>> -> memref<2048xf32, #tpu.memory_space<hbm>>
      %dma_wait3A_414 = arith.constant 0 : i32
      %dma_wait3A_415 = tpu.memref_slice %arg5[%dma_wait3A_404, %dma_wait3A_414] : memref<10x2048xf32, #tpu.memory_space<vmem>> -> memref<1x2048xf32, #tpu.memory_space<vmem>>
      %dma_wait3A_416 = tpu.memref_squeeze %dma_wait3A_415 : memref<1x2048xf32, #tpu.memory_space<vmem>> -> memref<2048xf32, #tpu.memory_space<vmem>>
      tpu.wait_dma2 semaphore(%arg7 : memref<!tpu.dma_semaphore, #tpu.memory_space<semaphore_mem>>) src(%dma_wait3A_416 : memref<2048xf32, #tpu.memory_space<vmem>>) dst(%dma_wait3A_413 : memref<2048xf32, #tpu.memory_space<hbm>>)
      %dma_wait3A_417 = arith.constant 0 : i32
      %dma_wait3A_418 = arith.constant 0 : i32
      %dma_wait3A_419 = tpu.memref_slice %arg5[%dma_wait3A_417, %dma_wait3A_418] : memref<10x2048xf32, #tpu.memory_space<vmem>> -> memref<1x2048xf32, #tpu.memory_space<vmem>>
      %dma_wait3A_420 = tpu.memref_squeeze %dma_wait3A_419 : memref<1x2048xf32, #tpu.memory_space<vmem>> -> memref<2048xf32, #tpu.memory_space<vmem>>
      %dma_wait3A_421 = arith.constant 0 : i32
      %dma_wait3A_422 = tpu.memref_slice %arg4[%mul3A_2, %dma_wait3A_421] : memref<32768x2048xf32, #tpu.memory_space<hbm>> -> memref<1x2048xf32, #tpu.memory_space<hbm>>
      %dma_wait3A_423 = tpu.memref_squeeze %dma_wait3A_422 : memref<1x2048xf32, #tpu.memory_space<hbm>> -> memref<2048xf32, #tpu.memory_space<hbm>>
      %dma_wait3A_424 = arith.constant 0 : i32
      %dma_wait3A_425 = tpu.memref_slice %arg4[%mul3A_2, %dma_wait3A_424] : memref<32768x2048xf32, #tpu.memory_space<hbm>> -> memref<1x2048xf32, #tpu.memory_space<hbm>>
      %dma_wait3A_426 = tpu.memref_squeeze %dma_wait3A_425 : memref<1x2048xf32, #tpu.memory_space<hbm>> -> memref<2048xf32, #tpu.memory_space<hbm>>
      %dma_wait3A_427 = arith.constant 0 : i32
      %dma_wait3A_428 = tpu.memref_slice %arg5[%dma_wait3A_417, %dma_wait3A_427] : memref<10x2048xf32, #tpu.memory_space<vmem>> -> memref<1x2048xf32, #tpu.memory_space<vmem>>
      %dma_wait3A_429 = tpu.memref_squeeze %dma_wait3A_428 : memref<1x2048xf32, #tpu.memory_space<vmem>> -> memref<2048xf32, #tpu.memory_space<vmem>>
      tpu.wait_dma2 semaphore(%arg7 : memref<!tpu.dma_semaphore, #tpu.memory_space<semaphore_mem>>) src(%dma_wait3A_429 : memref<2048xf32, #tpu.memory_space<vmem>>) dst(%dma_wait3A_426 : memref<2048xf32, #tpu.memory_space<hbm>>)
      %dma_wait3A_430 = arith.constant 0 : i32
      %dma_wait3A_431 = arith.constant 0 : i32
      %dma_wait3A_432 = tpu.memref_slice %arg5[%dma_wait3A_430, %dma_wait3A_431] : memref<10x2048xf32, #tpu.memory_space<vmem>> -> memref<1x2048xf32, #tpu.memory_space<vmem>>
      %dma_wait3A_433 = tpu.memref_squeeze %dma_wait3A_432 : memref<1x2048xf32, #tpu.memory_space<vmem>> -> memref<2048xf32, #tpu.memory_space<vmem>>
      %dma_wait3A_434 = arith.constant 0 : i32
      %dma_wait3A_435 = tpu.memref_slice %arg4[%mul3A_2, %dma_wait3A_434] : memref<32768x2048xf32, #tpu.memory_space<hbm>> -> memref<1x2048xf32, #tpu.memory_space<hbm>>
      %dma_wait3A_436 = tpu.memref_squeeze %dma_wait3A_435 : memref<1x2048xf32, #tpu.memory_space<hbm>> -> memref<2048xf32, #tpu.memory_space<hbm>>
      %dma_wait3A_437 = arith.constant 0 : i32
      %dma_wait3A_438 = tpu.memref_slice %arg4[%mul3A_2, %dma_wait3A_437] : memref<32768x2048xf32, #tpu.memory_space<hbm>> -> memref<1x2048xf32, #tpu.memory_space<hbm>>
      %dma_wait3A_439 = tpu.memref_squeeze %dma_wait3A_438 : memref<1x2048xf32, #tpu.memory_space<hbm>> -> memref<2048xf32, #tpu.memory_space<hbm>>
      %dma_wait3A_440 = arith.constant 0 : i32
      %dma_wait3A_441 = tpu.memref_slice %arg5[%dma_wait3A_430, %dma_wait3A_440] : memref<10x2048xf32, #tpu.memory_space<vmem>> -> memref<1x2048xf32, #tpu.memory_space<vmem>>
      %dma_wait3A_442 = tpu.memref_squeeze %dma_wait3A_441 : memref<1x2048xf32, #tpu.memory_space<vmem>> -> memref<2048xf32, #tpu.memory_space<vmem>>
      tpu.wait_dma2 semaphore(%arg7 : memref<!tpu.dma_semaphore, #tpu.memory_space<semaphore_mem>>) src(%dma_wait3A_442 : memref<2048xf32, #tpu.memory_space<vmem>>) dst(%dma_wait3A_439 : memref<2048xf32, #tpu.memory_space<hbm>>)
      %dma_wait3A_443 = arith.constant 0 : i32
      %dma_wait3A_444 = arith.constant 0 : i32
      %dma_wait3A_445 = tpu.memref_slice %arg5[%dma_wait3A_443, %dma_wait3A_444] : memref<10x2048xf32, #tpu.memory_space<vmem>> -> memref<1x2048xf32, #tpu.memory_space<vmem>>
      %dma_wait3A_446 = tpu.memref_squeeze %dma_wait3A_445 : memref<1x2048xf32, #tpu.memory_space<vmem>> -> memref<2048xf32, #tpu.memory_space<vmem>>
      %dma_wait3A_447 = arith.constant 0 : i32
      %dma_wait3A_448 = tpu.memref_slice %arg4[%mul3A_2, %dma_wait3A_447] : memref<32768x2048xf32, #tpu.memory_space<hbm>> -> memref<1x2048xf32, #tpu.memory_space<hbm>>
      %dma_wait3A_449 = tpu.memref_squeeze %dma_wait3A_448 : memref<1x2048xf32, #tpu.memory_space<hbm>> -> memref<2048xf32, #tpu.memory_space<hbm>>
      %dma_wait3A_450 = arith.constant 0 : i32
      %dma_wait3A_451 = tpu.memref_slice %arg4[%mul3A_2, %dma_wait3A_450] : memref<32768x2048xf32, #tpu.memory_space<hbm>> -> memref<1x2048xf32, #tpu.memory_space<hbm>>
      %dma_wait3A_452 = tpu.memref_squeeze %dma_wait3A_451 : memref<1x2048xf32, #tpu.memory_space<hbm>> -> memref<2048xf32, #tpu.memory_space<hbm>>
      %dma_wait3A_453 = arith.constant 0 : i32
      %dma_wait3A_454 = tpu.memref_slice %arg5[%dma_wait3A_443, %dma_wait3A_453] : memref<10x2048xf32, #tpu.memory_space<vmem>> -> memref<1x2048xf32, #tpu.memory_space<vmem>>
      %dma_wait3A_455 = tpu.memref_squeeze %dma_wait3A_454 : memref<1x2048xf32, #tpu.memory_space<vmem>> -> memref<2048xf32, #tpu.memory_space<vmem>>
      tpu.wait_dma2 semaphore(%arg7 : memref<!tpu.dma_semaphore, #tpu.memory_space<semaphore_mem>>) src(%dma_wait3A_455 : memref<2048xf32, #tpu.memory_space<vmem>>) dst(%dma_wait3A_452 : memref<2048xf32, #tpu.memory_space<hbm>>)
      %dma_wait3A_456 = arith.constant 0 : i32
      %dma_wait3A_457 = arith.constant 0 : i32
      %dma_wait3A_458 = tpu.memref_slice %arg5[%dma_wait3A_456, %dma_wait3A_457] : memref<10x2048xf32, #tpu.memory_space<vmem>> -> memref<1x2048xf32, #tpu.memory_space<vmem>>
      %dma_wait3A_459 = tpu.memref_squeeze %dma_wait3A_458 : memref<1x2048xf32, #tpu.memory_space<vmem>> -> memref<2048xf32, #tpu.memory_space<vmem>>
      %dma_wait3A_460 = arith.constant 0 : i32
      %dma_wait3A_461 = tpu.memref_slice %arg4[%mul3A_2, %dma_wait3A_460] : memref<32768x2048xf32, #tpu.memory_space<hbm>> -> memref<1x2048xf32, #tpu.memory_space<hbm>>
      %dma_wait3A_462 = tpu.memref_squeeze %dma_wait3A_461 : memref<1x2048xf32, #tpu.memory_space<hbm>> -> memref<2048xf32, #tpu.memory_space<hbm>>
      %dma_wait3A_463 = arith.constant 0 : i32
      %dma_wait3A_464 = tpu.memref_slice %arg4[%mul3A_2, %dma_wait3A_463] : memref<32768x2048xf32, #tpu.memory_space<hbm>> -> memref<1x2048xf32, #tpu.memory_space<hbm>>
      %dma_wait3A_465 = tpu.memref_squeeze %dma_wait3A_464 : memref<1x2048xf32, #tpu.memory_space<hbm>> -> memref<2048xf32, #tpu.memory_space<hbm>>
      %dma_wait3A_466 = arith.constant 0 : i32
      %dma_wait3A_467 = tpu.memref_slice %arg5[%dma_wait3A_456, %dma_wait3A_466] : memref<10x2048xf32, #tpu.memory_space<vmem>> -> memref<1x2048xf32, #tpu.memory_space<vmem>>
      %dma_wait3A_468 = tpu.memref_squeeze %dma_wait3A_467 : memref<1x2048xf32, #tpu.memory_space<vmem>> -> memref<2048xf32, #tpu.memory_space<vmem>>
      tpu.wait_dma2 semaphore(%arg7 : memref<!tpu.dma_semaphore, #tpu.memory_space<semaphore_mem>>) src(%dma_wait3A_468 : memref<2048xf32, #tpu.memory_space<vmem>>) dst(%dma_wait3A_465 : memref<2048xf32, #tpu.memory_space<hbm>>)
      %dma_wait3A_469 = arith.constant 0 : i32
      %dma_wait3A_470 = arith.constant 0 : i32
      %dma_wait3A_471 = tpu.memref_slice %arg5[%dma_wait3A_469, %dma_wait3A_470] : memref<10x2048xf32, #tpu.memory_space<vmem>> -> memref<1x2048xf32, #tpu.memory_space<vmem>>
      %dma_wait3A_472 = tpu.memref_squeeze %dma_wait3A_471 : memref<1x2048xf32, #tpu.memory_space<vmem>> -> memref<2048xf32, #tpu.memory_space<vmem>>
      %dma_wait3A_473 = arith.constant 0 : i32
      %dma_wait3A_474 = tpu.memref_slice %arg4[%mul3A_2, %dma_wait3A_473] : memref<32768x2048xf32, #tpu.memory_space<hbm>> -> memref<1x2048xf32, #tpu.memory_space<hbm>>
      %dma_wait3A_475 = tpu.memref_squeeze %dma_wait3A_474 : memref<1x2048xf32, #tpu.memory_space<hbm>> -> memref<2048xf32, #tpu.memory_space<hbm>>
      %dma_wait3A_476 = arith.constant 0 : i32
      %dma_wait3A_477 = tpu.memref_slice %arg4[%mul3A_2, %dma_wait3A_476] : memref<32768x2048xf32, #tpu.memory_space<hbm>> -> memref<1x2048xf32, #tpu.memory_space<hbm>>
      %dma_wait3A_478 = tpu.memref_squeeze %dma_wait3A_477 : memref<1x2048xf32, #tpu.memory_space<hbm>> -> memref<2048xf32, #tpu.memory_space<hbm>>
      %dma_wait3A_479 = arith.constant 0 : i32
      %dma_wait3A_480 = tpu.memref_slice %arg5[%dma_wait3A_469, %dma_wait3A_479] : memref<10x2048xf32, #tpu.memory_space<vmem>> -> memref<1x2048xf32, #tpu.memory_space<vmem>>
      %dma_wait3A_481 = tpu.memref_squeeze %dma_wait3A_480 : memref<1x2048xf32, #tpu.memory_space<vmem>> -> memref<2048xf32, #tpu.memory_space<vmem>>
      tpu.wait_dma2 semaphore(%arg7 : memref<!tpu.dma_semaphore, #tpu.memory_space<semaphore_mem>>) src(%dma_wait3A_481 : memref<2048xf32, #tpu.memory_space<vmem>>) dst(%dma_wait3A_478 : memref<2048xf32, #tpu.memory_space<hbm>>)
      %dma_wait3A_482 = arith.constant 0 : i32
      %dma_wait3A_483 = arith.constant 0 : i32
      %dma_wait3A_484 = tpu.memref_slice %arg5[%dma_wait3A_482, %dma_wait3A_483] : memref<10x2048xf32, #tpu.memory_space<vmem>> -> memref<1x2048xf32, #tpu.memory_space<vmem>>
      %dma_wait3A_485 = tpu.memref_squeeze %dma_wait3A_484 : memref<1x2048xf32, #tpu.memory_space<vmem>> -> memref<2048xf32, #tpu.memory_space<vmem>>
      %dma_wait3A_486 = arith.constant 0 : i32
      %dma_wait3A_487 = tpu.memref_slice %arg4[%mul3A_2, %dma_wait3A_486] : memref<32768x2048xf32, #tpu.memory_space<hbm>> -> memref<1x2048xf32, #tpu.memory_space<hbm>>
      %dma_wait3A_488 = tpu.memref_squeeze %dma_wait3A_487 : memref<1x2048xf32, #tpu.memory_space<hbm>> -> memref<2048xf32, #tpu.memory_space<hbm>>
      %dma_wait3A_489 = arith.constant 0 : i32
      %dma_wait3A_490 = tpu.memref_slice %arg4[%mul3A_2, %dma_wait3A_489] : memref<32768x2048xf32, #tpu.memory_space<hbm>> -> memref<1x2048xf32, #tpu.memory_space<hbm>>
      %dma_wait3A_491 = tpu.memref_squeeze %dma_wait3A_490 : memref<1x2048xf32, #tpu.memory_space<hbm>> -> memref<2048xf32, #tpu.memory_space<hbm>>
      %dma_wait3A_492 = arith.constant 0 : i32
      %dma_wait3A_493 = tpu.memref_slice %arg5[%dma_wait3A_482, %dma_wait3A_492] : memref<10x2048xf32, #tpu.memory_space<vmem>> -> memref<1x2048xf32, #tpu.memory_space<vmem>>
      %dma_wait3A_494 = tpu.memref_squeeze %dma_wait3A_493 : memref<1x2048xf32, #tpu.memory_space<vmem>> -> memref<2048xf32, #tpu.memory_space<vmem>>
      tpu.wait_dma2 semaphore(%arg7 : memref<!tpu.dma_semaphore, #tpu.memory_space<semaphore_mem>>) src(%dma_wait3A_494 : memref<2048xf32, #tpu.memory_space<vmem>>) dst(%dma_wait3A_491 : memref<2048xf32, #tpu.memory_space<hbm>>)
      %dma_wait3A_495 = arith.constant 0 : i32
      %dma_wait3A_496 = arith.constant 0 : i32
      %dma_wait3A_497 = tpu.memref_slice %arg5[%dma_wait3A_495, %dma_wait3A_496] : memref<10x2048xf32, #tpu.memory_space<vmem>> -> memref<1x2048xf32, #tpu.memory_space<vmem>>
      %dma_wait3A_498 = tpu.memref_squeeze %dma_wait3A_497 : memref<1x2048xf32, #tpu.memory_space<vmem>> -> memref<2048xf32, #tpu.memory_space<vmem>>
      %dma_wait3A_499 = arith.constant 0 : i32
      %dma_wait3A_500 = tpu.memref_slice %arg4[%mul3A_2, %dma_wait3A_499] : memref<32768x2048xf32, #tpu.memory_space<hbm>> -> memref<1x2048xf32, #tpu.memory_space<hbm>>
      %dma_wait3A_501 = tpu.memref_squeeze %dma_wait3A_500 : memref<1x2048xf32, #tpu.memory_space<hbm>> -> memref<2048xf32, #tpu.memory_space<hbm>>
      %dma_wait3A_502 = arith.constant 0 : i32
      %dma_wait3A_503 = tpu.memref_slice %arg4[%mul3A_2, %dma_wait3A_502] : memref<32768x2048xf32, #tpu.memory_space<hbm>> -> memref<1x2048xf32, #tpu.memory_space<hbm>>
      %dma_wait3A_504 = tpu.memref_squeeze %dma_wait3A_503 : memref<1x2048xf32, #tpu.memory_space<hbm>> -> memref<2048xf32, #tpu.memory_space<hbm>>
      %dma_wait3A_505 = arith.constant 0 : i32
      %dma_wait3A_506 = tpu.memref_slice %arg5[%dma_wait3A_495, %dma_wait3A_505] : memref<10x2048xf32, #tpu.memory_space<vmem>> -> memref<1x2048xf32, #tpu.memory_space<vmem>>
      %dma_wait3A_507 = tpu.memref_squeeze %dma_wait3A_506 : memref<1x2048xf32, #tpu.memory_space<vmem>> -> memref<2048xf32, #tpu.memory_space<vmem>>
      tpu.wait_dma2 semaphore(%arg7 : memref<!tpu.dma_semaphore, #tpu.memory_space<semaphore_mem>>) src(%dma_wait3A_507 : memref<2048xf32, #tpu.memory_space<vmem>>) dst(%dma_wait3A_504 : memref<2048xf32, #tpu.memory_space<hbm>>)
      %dma_wait3A_508 = arith.constant 0 : i32
      %dma_wait3A_509 = arith.constant 0 : i32
      %dma_wait3A_510 = tpu.memref_slice %arg5[%dma_wait3A_508, %dma_wait3A_509] : memref<10x2048xf32, #tpu.memory_space<vmem>> -> memref<1x2048xf32, #tpu.memory_space<vmem>>
      %dma_wait3A_511 = tpu.memref_squeeze %dma_wait3A_510 : memref<1x2048xf32, #tpu.memory_space<vmem>> -> memref<2048xf32, #tpu.memory_space<vmem>>
      %dma_wait3A_512 = arith.constant 0 : i32
      %dma_wait3A_513 = tpu.memref_slice %arg4[%mul3A_2, %dma_wait3A_512] : memref<32768x2048xf32, #tpu.memory_space<hbm>> -> memref<1x2048xf32, #tpu.memory_space<hbm>>
      %dma_wait3A_514 = tpu.memref_squeeze %dma_wait3A_513 : memref<1x2048xf32, #tpu.memory_space<hbm>> -> memref<2048xf32, #tpu.memory_space<hbm>>
      %dma_wait3A_515 = arith.constant 0 : i32
      %dma_wait3A_516 = tpu.memref_slice %arg4[%mul3A_2, %dma_wait3A_515] : memref<32768x2048xf32, #tpu.memory_space<hbm>> -> memref<1x2048xf32, #tpu.memory_space<hbm>>
      %dma_wait3A_517 = tpu.memref_squeeze %dma_wait3A_516 : memref<1x2048xf32, #tpu.memory_space<hbm>> -> memref<2048xf32, #tpu.memory_space<hbm>>
      %dma_wait3A_518 = arith.constant 0 : i32
      %dma_wait3A_519 = tpu.memref_slice %arg5[%dma_wait3A_508, %dma_wait3A_518] : memref<10x2048xf32, #tpu.memory_space<vmem>> -> memref<1x2048xf32, #tpu.memory_space<vmem>>
      %dma_wait3A_520 = tpu.memref_squeeze %dma_wait3A_519 : memref<1x2048xf32, #tpu.memory_space<vmem>> -> memref<2048xf32, #tpu.memory_space<vmem>>
      tpu.wait_dma2 semaphore(%arg7 : memref<!tpu.dma_semaphore, #tpu.memory_space<semaphore_mem>>) src(%dma_wait3A_520 : memref<2048xf32, #tpu.memory_space<vmem>>) dst(%dma_wait3A_517 : memref<2048xf32, #tpu.memory_space<hbm>>)
    }
    %scan3A_7 = arith.constant 64 : i32
    return
  }
}

</mosaic_0001>

<sc_bundles>
// kernel: kernel.3.cloned.1.call-start
scs
__scs_entry_jumppad:
0x0: {  	(pc) =	sbr.rel $0x88, $3  }
0x1: {  	(tag) =	ssettag $0x0;
	lr =	simm.s32 $0x1  }
0x2: {  	[smem:$0x3F9F] =	sst lr;
	_ =	strace $0xD0000000  }
0x3: {  	_ = 	snop  }
0x4: {  	_ = 	snop  }
0x5: {  	_ = 	snop  }
0x6: {  	_ = 	snop  }
0x7: {  	_ = 	snop  }
__scs_overlays_trampoline_lowered:
0x8: {  	[smem:$0x3FAE] =	sst s0  }
0x9: {  	[smem:$0x3FAF] =	sst s1  }
0xa: {  	[smem:$0x3FB0] =	sst s2  }
0xb: {  	[smem:$0x3FB1] =	sst s3  }
0xc: {  	[smem:$0x3FB2] =	sst s4  }
0xd: {  	[smem:$0x3FB3] =	sst s5  }
0xe: {  	[smem:$0x3FB4] =	sst s6  }
0xf: {  	[smem:$0x3FB5] =	sst s7  }
0x10: {  	[smem:$0x3FB6] =	sst s8  }
0x11: {  	[smem:$0x3FB7] =	sst s9;
	s0 =	simm.s32 @!p0 $0x0  }
0x12: {  	s1 =	sld [smem:$0x3F9D];
	s0 =	simm.s32 @p0 $0x1  }
0x13: {  	[smem:$0x3FB8] =	sst s0;
	s0 =	simm.s32 @!p1 $0x0  }
0x14: {  	s2 =	sld [smem:$0x3F9C];
	s0 =	simm.s32 @p1 $0x1  }
0x15: {  	[smem:$0x3FB9] =	sst s0;
	s0 =	simm.s32 @!p2 $0x0  }
0x16: {  	s3 =	sld [smem:$0x3FDB];
	s0 =	simm.s32 @p2 $0x1  }
0x17: {  	s4 =	simm.s32 $0x1BF5;
	[smem:$0x3FBB] =	sst s0  }
0x18: {  	s0 =	sld [smem:$0x3F9E];
	_ =	swait.ge [sflag:s4], $0x0  }
0x19: {  	s7 =	sld [smem:$0x3F9F]  }
0x1a: {  	s8 =	sadd.s32 $0xFFFFE003, lr  }
0x1b: {  	s9 =	sadd.s32 $0xFFFFFEF7, lr;
	s5 =	simm.s32 $0xFFFFFFFF;
	p2 =	slt.u32 s8, $0xFFFFF086  }
0x1c: {  	p1 =	slt.u32 s9, $0xF7A;
	s5 =	simm.s32 @!p2 $0x0  }
0x1d: {  	s5 =	simm.s32 @p1 $0x1;
	p0 =	seq.s32 s7, s2  }
0x1e: {  	s7 =	smul.u32 @!p0 $0xF7A, s2;
	p2 =	seq.s32 @!p0 s5, $0x0  }
0x1f: {  	s9 =	smul.u32 $0xF7A, s1;
	s8 =	simm.s32 @!p0 $0x1BF5;
	p2 =	por !p2, p0  }
0x20: {  	[sflag:s8] =	ssyncset.s32 @!p0 $0xFFFFF086;
	s6 =	sadd.s32 @!p0 s3, s7;
	s7 =	simm.s32 @!p0 $0x108  }
0x21: {  	s3 =	sadd.s32 s3, s9;
	s6 =	sadd.s32 @!p0 $0x88, s6;
	s7 =	simm.s32 @p2 $0x1082  }
0x22: {  	[simem:s7], [sflag:s8] =	dma.local @!p0 [hbm:s6], $0xF7A  }
0x23: {  	s9 =	sor.u32 $0xD0000000, s2;
	s6 =	simm.s32 $0x108;
	_ =	swait.ge @!p0 [sflag:s8], $0x0  }
0x24: {  	s3 =	sadd.s32 $0x88, s3;
	s6 =	simm.s32 @!p1 $0x1082;
	[sflag:s4] =	ssyncset.s32 $0xFFFFF086  }
0x25: {  	[simem:s6], [sflag:s4] =	dma.local [hbm:s3], $0xF7A  }
0x26: {  	[smem:$0x3F9F] =	sst s1;
	(tag) =	ssettag s2;
	_ =	strace s9  }
0x27: {  	s1 =	sld [smem:$0x3FAF]  }
0x28: {  	s2 =	sld [smem:$0x3FB0]  }
0x29: {  	s4 =	sld [smem:$0x3FB2]  }
0x2a: {  	p0 =	seq.s32 s5, $0x0;
	s5 =	sld [smem:$0x3FB3]  }
0x2b: {  	s6 =	sld [smem:$0x3FB4]  }
0x2c: {  	s7 =	sld [smem:$0x3FB5]  }
0x2d: {  	s3 =	simm.s32 $0x108;
	s8 =	sld [smem:$0x3FB6]  }
0x2e: {  	s3 =	simm.s32 @!p0 $0x1082;
	s9 =	sld [smem:$0x3FB7]  }
0x2f: {  	lr =	sadd.s32 s0, s3;
	s0 =	sld [smem:$0x3FAE]  }
0x30: {  	s3 =	sld [smem:$0x3FB1]  }
0x31: {  	[smem:$0x3FBA] =	sst s10  }
0x32: {  	s10 =	sld [smem:$0x3FB8];
	_ =	sdelay $0x3  }
0x33: {  	p0 =	seq.s32 s10, $0x1;
	s10 =	sld [smem:$0x3FBA];
	_ =	sdelay $0x3  }
0x34: {  	[smem:$0x3FBA] =	sst s10  }
0x35: {  	s10 =	sld [smem:$0x3FB9];
	_ =	sdelay $0x3  }
0x36: {  	p1 =	seq.s32 s10, $0x1;
	s10 =	sld [smem:$0x3FBA];
	_ =	sdelay $0x3  }
0x37: {  	[smem:$0x3FBA] =	sst s10  }
0x38: {  	s10 =	sld [smem:$0x3FBB]  }
0x39: {  	_ = 	snop;
	(pc) =	sbr.ind lr, $3  }
0x3a: {  	_ = 	snop  }
0x3b: {  	_ = 	snop  }
0x3c: {  	p2 =	seq.s32 s10, $0x1;
	s10 =	sld [smem:$0x3FBA]  }
0x3d: {  	_ =	shalt  }
0x3e: {  	_ =	shalt  }
0x3f: {  	_ =	shalt  }
0x40: {  	_ =	shalt  }
0x41: {  	_ =	shalt  }
0x42: {  	_ =	shalt  }
0x43: {  	_ =	shalt  }
0x44: {  	_ =	shalt  }
0x45: {  	_ =	shalt  }
0x46: {  	_ =	shalt  }
0x47: {  	_ =	shalt  }
0x48: {  	_ =	shalt  }
0x49: {  	_ =	shalt  }
0x4a: {  	_ =	shalt  }
0x4b: {  	_ =	shalt  }
0x4c: {  	_ =	shalt  }
0x4d: {  	_ =	shalt  }
0x4e: {  	_ =	shalt  }
0x4f: {  	_ =	shalt  }
0x50: {  	_ =	shalt  }
0x51: {  	_ =	shalt  }
0x52: {  	_ =	shalt  }
0x53: {  	_ =	shalt  }
0x54: {  	_ =	shalt  }
0x55: {  	_ =	shalt  }
0x56: {  	_ =	shalt  }
0x57: {  	_ =	shalt  }
0x58: {  	_ =	shalt  }
0x59: {  	_ =	shalt  }
0x5a: {  	_ =	shalt  }
0x5b: {  	_ =	shalt  }
0x5c: {  	_ =	shalt  }
0x5d: {  	_ =	shalt  }
0x5e: {  	_ =	shalt  }
0x5f: {  	_ =	shalt  }
0x60: {  	_ =	shalt  }
0x61: {  	_ =	shalt  }
0x62: {  	_ =	shalt  }
0x63: {  	_ =	shalt  }
0x64: {  	_ =	shalt  }
0x65: {  	_ =	shalt  }
0x66: {  	_ =	shalt  }
0x67: {  	_ =	shalt  }
0x68: {  	_ =	shalt  }
0x69: {  	_ =	shalt  }
0x6a: {  	_ =	shalt  }
0x6b: {  	_ =	shalt  }
0x6c: {  	_ =	shalt  }
0x6d: {  	_ =	shalt  }
0x6e: {  	_ =	shalt  }
0x6f: {  	_ =	shalt  }
0x70: {  	_ =	shalt  }
0x71: {  	_ =	shalt  }
0x72: {  	_ =	shalt  }
0x73: {  	_ =	shalt  }
0x74: {  	_ =	shalt  }
0x75: {  	_ =	shalt  }
0x76: {  	_ =	shalt  }
0x77: {  	_ =	shalt  }
0x78: {  	_ =	shalt  }
0x79: {  	_ =	shalt  }
0x7a: {  	_ =	shalt  }
0x7b: {  	_ =	shalt  }
0x7c: {  	_ =	shalt  }
0x7d: {  	_ =	shalt  }
0x7e: {  	_ =	shalt  }
0x7f: {  	_ =	shalt  }
0x80: {  	_ =	shalt  }
0x81: {  	_ =	shalt  }
0x82: {  	_ =	shalt  }
0x83: {  	_ =	shalt  }
0x84: {  	_ =	shalt  }
0x85: {  	_ =	shalt  }
0x86: {  	_ =	shalt  }
0x87: {  	_ =	shalt  }
.Lfunc_end0:
.L_simem_size_0:
called_computation_lowered:
.L_overlay_start_0:
0x88: {  	s2 =	sld [smem:$0x3FD9]  }
0x89: {  	s3 =	sld [smem:$0x3FFE];
	_ =	sdelay $0x1  }
0x8a: {  	s1 =	srdreg.scid  }
0x8b: {  	s0 =	sand.u32 $0x1, s1  }
0x8c: {  	s17 =	sshll.u32 s0, $0xA;
	s2 =	sadd.s32 s3, s2  }
0x8d: {  	s2 =	sadd.s32 s2, s17  }
0x8e: {  	[smem:$0x3FC6] =	sst s2  }
0x8f: {  	_ = 	snop  }
0x90: {  	s2 =	sld [smem:$0x3FC8]  }
0x91: {  	s18 =	sld [smem:$0x3FD0];
	(tm) =	ssettm $0x1  }
0x92: {  	s4 =	sld [smem:$0x3FFB];
	_ =	sdelay $0x3  }
0x93: {  	_ =	strace s4  }
0x94: {  	s4 =	sld [smem:$0x3FFC];
	_ =	sdelay $0x3  }
0x95: {  	_ =	strace s4  }
0x96: {  	s4 =	sld [smem:$0x3FFD];
	_ =	sdelay $0x3  }
0x97: {  	_ =	strace s4  }
0x98: {  	_ =	strace $0x8FFFFFFF  }
0x99: {  	s19 =	sld [smem:$0x3FDB];
	_ =	sdelay $0x1  }
0x9a: {  	s5 =	simm.s32 $_scs_section_size  }
0x9b: {  	s6 =	simm.s32 $_size__tile_overlayer_lowered;
	s7 =	simm.s32 $_tile_overlayer_lowered  }
0x9c: {  	s22 =	simm.s32 $0x1BFF;
	s21 =	sshll.u32 s7, $0x1;
	s4 =	sadd.s32 s5, s19  }
0x9d: {  	s8 =	simm.s32 $0x0;
	s20 =	sshll.u32 s6, $0x1;
	s6 =	sadd.s32 s21, s4  }
0x9e: {  	[timem:s8], [sflag:s22] =	dma.local [hbm:s6], s20  }
0x9f: {  	_ =	swait.ge [sflag:s22], s20  }
0xa0: {  	s5 =	ssub.s32 $0x0, s20;
	[sflag:s22] =	ssyncset.done $0x0  }
0xa1: {  	[sflag:s22] =	ssyncadd.s32 s5;
	_ =	sdelay $0x1  }
0xa2: {  	s23 =	simm.s32 $0x1B8B  }
0xa3: {  	_ =	swait.ge [sflag:s23], $0x1  }
0xa4: {  	[sflag:s23] =	ssyncset.done $0x0  }
0xa5: {  	s25 =	simm.s32 $0x1B8E;
	s24 =	sld [smem:$0x3FFE];
	[sflag:s23] =	ssyncadd.s32 $0xFFFFFFFF  }
0xa6: {  	s26 =	simm.s32 $execute0_lowered;
	[smem:$0x3FD2] =	sst s25  }
0xa7: {  	s6 =	sshll.u32 s26, $0x1;
	_ =	strace $0x80000046;
	[dreg:$0x1] =	wrdreg $0xFFFFFFFF  }
0xa8: {  	s28 =	simm.s32 $_size_execute0_lowered;
	s4 =	sadd.s32 s4, s6;
	[dreg:$0x0] =	wrdreg $0x0  }
0xa9: {  	s6 =	sshll.u32 s28, $0x1;
	[dreg:$0x2] =	wrdreg s4  }
0xaa: {  	[dreg:$0x3] =	wrdreg s6  }
0xab: {  	[dreg:$0x4] =	wrdreg $0xC0  }
0xac: {  	_ =	task [dreg:s8], $0x5FFFF  }
0xad: {  	[dreg:$0x1] =	wrdreg $0xFFFFFFFF  }
0xae: {  	[dreg:$0x0] =	wrdreg $0x60  }
0xaf: {  	[dreg:$0x2] =	wrdreg s2  }
0xb0: {  	[dreg:$0x3] =	wrdreg s24  }
0xb1: {  	[dreg:$0x4] =	wrdreg s18  }
0xb2: {  	[dreg:$0x5] =	wrdreg $0x9  }
0xb3: {  	_ =	task.clear_ibuf [dreg:s8], $0x6FFFF;
	_ =	strace $0x90000046  }
0xb4: {  	s29 =	simm.s32 $0x9;
	_ =	strace $0x80000048  }
0xb5: {  	_ =	swait.ge [sflag:s29], $0x1  }
0xb6: {  	[sflag:s29] =	ssyncadd.s32 $0xFFFFFFFF  }
0xb7: {  	_ =	strace $0x90000048  }
0xb8: {  	_ =	sfence  }
0xb9: {  	s30 =	sld [smem:$0x0];
	_ =	sdelay $0x2  }
0xba: {  	s31 =	sshll.u32 s1, $0xD;
	s1 =	sshrl.u32 s1, $0x2  }
0xbb: {  	s3 =	sand.u32 $0x4000, s31;
	s1 =	sadd.s32 s1, s30  }
0xbc: {  	s0 =	sor.u32 s3, s0;
	s1 =	sshll.u32 s1, $0x11  }
0xbd: {  	s0 =	sor.u32 s1, s0  }
0xbe: {  	s0 =	sadd.s32 $0x8F2B, s0  }
0xbf: {  	[sflag:s0] =	ssyncadd.remote.s32 $0x1  }
0xc0: {  	_ =	sfence.sel $0xFFFF  }
0xc1: {  	[dreg:$0x0] =	wrdreg $0xFFFFFFFF;
	(pc) =	sbr.abs _section_cstart, $3  }
0xc2: {  	[dreg:$0x1] =	wrdreg $0xFFFFFFFF  }
0xc3: {  	_ =	task.clear_ibuf [dreg:s8], $0x2FFFF;
	_ =	strace $0x9FFFFFFF  }
0xc4: {  	(tm) =	ssettm $0x7FFFFFFF  }
0xc5: {  	_ =	shalt  }
tec
execute0_lowered:
.L_overlay_start_1:
0x0: {  	(tag) =	ssettag $0x1  }
0x1: {  	s2 =	srdreg.scid;
	s4 =	rddreg [dreg:$0x1]  }
0x2: {  	s0 =	stileid.u32;
	s6 =	rddreg [dreg:$0x2];
	s3 =	simm.s32 $0x0  }
0x3: {  	s5 =	sand.u32 $0x1, s2;
	s7 =	sshll.u32 s0, $0xB;
	[smem:$0x7FF] =	sst s3  }
0x4: {  	s30 =	sshll.u32 s0, $0x13;
	s8 =	sshll.u32 s5, $0xA;
	s29 =	ssub.s32 $0x2, s5  }
0x5: {  	s6 =	sadd.s32 s30, s6;
	s5 =	sshll.u32 s5, $0x12;
	_ =	strace $0x80000047  }
0x6: {  	s7 =	sor.u32 s8, s7;
	s31 =	sshrl.u32 s29, $0x1;
	s6 =	sadd.s32 s5, s6  }
0x7: {  	s8 =	simm.s32 $0x0;
	s7 =	sshrl.u32 s7, $0x3;
	[dreg:$0x4] =	wrdreg s6  }
0x8: {  	s6 =	simm.s32 $0x2;
	s4 =	sadd.s32 s7, s4;
	s7 =	ssub.s32 s29, s31  }
0x9: {  	s4 =	sadd.s32 $0x400, s4;
	s5 =	smax.u32 s7, $0x1;
	s7 =	simm.s32 $0x1  }
.LBB2_1:
0xa: {  	s0 =	rddreg [dreg:$0x0]  }
0xb: {  	[tilespmem:s3], [sflag:$0x2] =	stream.linear.gather [hbm4b:s0+s3], $0x8000, $0x38;
	[tilespmem:$0x8400] =	vst v63  }
0xc: {  	_ =	swait.ge [sflag:s6], $0x8000  }
0xd: {  	[sflag:s6] =	ssyncset.done $0x0  }
0xe: {  	s9 =	simm.s32 $0x8000;
	[sflag:s6] =	ssyncadd.s32 $0xFFFF8000  }
0xf: {  	[tilespmem:s9], [sflag:$0x2] =	stream.linear.gather [hbm4b:s4+s3], $0x400, $0x38;
	[tilespmem:$0x8400] =	vst v63  }
0x10: {  	_ =	swait.ge [sflag:s6], $0x400  }
0x11: {  	[sflag:s6] =	ssyncset.done $0x0  }
0x12: {  	[sflag:s6] =	ssyncadd.s32 $0xFFFFFC00  }
0x13: {  	v0 =	vld [tilespmem:s9+$0x0];
	_ =	sdelay $0x4  }
0x14: {  	(v2sf) =	vpush v0, $0x0;
	_ =	sdelay $0xe  }
0x15: {  	s11 =	spop (v2sf)  }
0x16: {  	s12 =	sshll.u32 s11, $0xB;
	s11 =	sshll.u32 s11, $0x7  }
0x17: {  	s10 =	rddreg [dreg:$0x4];
	s12 =	sand.u32 $0xFFFFC000, s12;
	s11 =	sand.u32 $0x380, s11  }
0x18: {  	s10 =	sadd.s32 $0x0, s10;
	s11 =	sor.u32 s11, s12  }
0x19: {  	[hbm4b:s10+s3] =	stream.linear.scatter [tilespmem:s11], [sflag:$0x1], $0x80, $0x38;
	[tilespmem:$0x8400] =	vst v63  }
0x1a: {  	s13 =	sadd.s32 $0x80, s10;
	s12 =	sor.u32 $0x400, s11  }
0x1b: {  	[hbm4b:s13+s3] =	stream.linear.scatter [tilespmem:s12], [sflag:$0x1], $0x80, $0x38;
	[tilespmem:$0x8400] =	vst v63  }
0x1c: {  	s23 =	sadd.s32 $0x100, s10;
	s22 =	sor.u32 $0x800, s11  }
0x1d: {  	[hbm4b:s23+s3] =	stream.linear.scatter [tilespmem:s22], [sflag:$0x1], $0x80, $0x38;
	[tilespmem:$0x8400] =	vst v63  }
0x1e: {  	s25 =	sadd.s32 $0x180, s10;
	s24 =	sor.u32 $0xC00, s11  }
0x1f: {  	[hbm4b:s25+s3] =	stream.linear.scatter [tilespmem:s24], [sflag:$0x1], $0x80, $0x38;
	[tilespmem:$0x8400] =	vst v63  }
0x20: {  	s28 =	sadd.s32 $0x200, s10;
	s26 =	sor.u32 $0x1000, s11  }
0x21: {  	[hbm4b:s28+s3] =	stream.linear.scatter [tilespmem:s26], [sflag:$0x1], $0x80, $0x38;
	[tilespmem:$0x8400] =	vst v63  }
0x22: {  	s30 =	sadd.s32 $0x280, s10;
	s29 =	sor.u32 $0x1400, s11  }
0x23: {  	[hbm4b:s30+s3] =	stream.linear.scatter [tilespmem:s29], [sflag:$0x1], $0x80, $0x38;
	[tilespmem:$0x8400] =	vst v63  }
0x24: {  	s0 =	sadd.s32 $0x300, s10;
	s31 =	sor.u32 $0x1800, s11  }
0x25: {  	(v2sf) =	vpush v0, $0x1;
	[hbm4b:s0+s3] =	stream.linear.scatter [tilespmem:s31], [sflag:$0x1], $0x80, $0x38;
	[tilespmem:$0x8400] =	vst v63  }
0x26: {  	s2 =	sadd.s32 $0x380, s10;
	s1 =	sor.u32 $0x1C00, s11  }
0x27: {  	[hbm4b:s2+s3] =	stream.linear.scatter [tilespmem:s1], [sflag:$0x1], $0x80, $0x38;
	[tilespmem:$0x8400] =	vst v63  }
0x28: {  	s15 =	sadd.s32 $0x400, s10;
	s14 =	sor.u32 $0x2000, s11  }
0x29: {  	[hbm4b:s15+s3] =	stream.linear.scatter [tilespmem:s14], [sflag:$0x1], $0x80, $0x38;
	[tilespmem:$0x8400] =	vst v63  }
0x2a: {  	s17 =	sadd.s32 $0x480, s10;
	s16 =	sor.u32 $0x2400, s11  }
0x2b: {  	[hbm4b:s17+s3] =	stream.linear.scatter [tilespmem:s16], [sflag:$0x1], $0x80, $0x38;
	[tilespmem:$0x8400] =	vst v63  }
0x2c: {  	s19 =	sadd.s32 $0x500, s10;
	s18 =	sor.u32 $0x2800, s11  }
0x2d: {  	[hbm4b:s19+s3] =	stream.linear.scatter [tilespmem:s18], [sflag:$0x1], $0x80, $0x38;
	[tilespmem:$0x8400] =	vst v63  }
0x2e: {  	s21 =	sadd.s32 $0x580, s10;
	s20 =	sor.u32 $0x2C00, s11  }
0x2f: {  	[hbm4b:s21+s3] =	stream.linear.scatter [tilespmem:s20], [sflag:$0x1], $0x80, $0x38;
	[tilespmem:$0x8400] =	vst v63  }
0x30: {  	s22 =	sor.u32 $0x3000, s11;
	s23 =	sadd.s32 $0x600, s10  }
0x31: {  	[hbm4b:s23+s3] =	stream.linear.scatter [tilespmem:s22], [sflag:$0x1], $0x80, $0x38;
	[tilespmem:$0x8400] =	vst v63  }
0x32: {  	s24 =	sor.u32 $0x3400, s11;
	s25 =	sadd.s32 $0x680, s10;
	s26 =	sor.u32 $0x3800, s11  }
0x33: {  	[hbm4b:s25+s3] =	stream.linear.scatter [tilespmem:s24], [sflag:$0x1], $0x80, $0x38;
	[tilespmem:$0x8400] =	vst v63  }
0x34: {  	s28 =	sadd.s32 $0x700, s10;
	s11 =	sor.u32 $0x3C00, s11;
	s29 =	spop (v2sf)  }
0x35: {  	[hbm4b:s28+s3] =	stream.linear.scatter [tilespmem:s26], [sflag:$0x1], $0x80, $0x38;
	[tilespmem:$0x8400] =	vst v63  }
0x36: {  	s30 =	sadd.s32 $0x780, s10;
	s31 =	sshll.u32 s29, $0xB;
	s12 =	sshll.u32 s29, $0x7  }
0x37: {  	[hbm4b:s30+s3] =	stream.linear.scatter [tilespmem:s11], [sflag:$0x1], $0x80, $0x38;
	[tilespmem:$0x8400] =	vst v63  }
0x38: {  	s12 =	sand.u32 $0x380, s12;
	s11 =	sand.u32 $0xFFFFC000, s31  }
0x39: {  	s0 =	sadd.s32 $0x10, s10;
	s11 =	sor.u32 s12, s11  }
0x3a: {  	[hbm4b:s0+s3] =	stream.linear.scatter [tilespmem:s11], [sflag:$0x1], $0x80, $0x38;
	[tilespmem:$0x8400] =	vst v63  }
0x3b: {  	s2 =	sadd.s32 $0x90, s10;
	s1 =	sor.u32 $0x400, s11  }
0x3c: {  	[hbm4b:s2+s3] =	stream.linear.scatter [tilespmem:s1], [sflag:$0x1], $0x80, $0x38;
	[tilespmem:$0x8400] =	vst v63  }
0x3d: {  	s15 =	sadd.s32 $0x110, s10;
	s14 =	sor.u32 $0x800, s11  }
0x3e: {  	[hbm4b:s15+s3] =	stream.linear.scatter [tilespmem:s14], [sflag:$0x1], $0x80, $0x38;
	[tilespmem:$0x8400] =	vst v63  }
0x3f: {  	s17 =	sadd.s32 $0x190, s10;
	s16 =	sor.u32 $0xC00, s11  }
0x40: {  	[hbm4b:s17+s3] =	stream.linear.scatter [tilespmem:s16], [sflag:$0x1], $0x80, $0x38;
	[tilespmem:$0x8400] =	vst v63  }
0x41: {  	s19 =	sadd.s32 $0x210, s10;
	s18 =	sor.u32 $0x1000, s11  }
0x42: {  	[hbm4b:s19+s3] =	stream.linear.scatter [tilespmem:s18], [sflag:$0x1], $0x80, $0x38;
	[tilespmem:$0x8400] =	vst v63  }
0x43: {  	s21 =	sadd.s32 $0x290, s10;
	s20 =	sor.u32 $0x1400, s11  }
0x44: {  	[hbm4b:s21+s3] =	stream.linear.scatter [tilespmem:s20], [sflag:$0x1], $0x80, $0x38;
	[tilespmem:$0x8400] =	vst v63  }
0x45: {  	s23 =	sadd.s32 $0x310, s10;
	s22 =	sor.u32 $0x1800, s11  }
0x46: {  	(v2sf) =	vpush v0, $0x2;
	[hbm4b:s23+s3] =	stream.linear.scatter [tilespmem:s22], [sflag:$0x1], $0x80, $0x38;
	[tilespmem:$0x8400] =	vst v63  }
0x47: {  	s25 =	sadd.s32 $0x390, s10;
	s24 =	sor.u32 $0x1C00, s11  }
0x48: {  	[hbm4b:s25+s3] =	stream.linear.scatter [tilespmem:s24], [sflag:$0x1], $0x80, $0x38;
	[tilespmem:$0x8400] =	vst v63  }
0x49: {  	s28 =	sadd.s32 $0x410, s10;
	s26 =	sor.u32 $0x2000, s11  }
0x4a: {  	[hbm4b:s28+s3] =	stream.linear.scatter [tilespmem:s26], [sflag:$0x1], $0x80, $0x38;
	[tilespmem:$0x8400] =	vst v63  }
0x4b: {  	s30 =	sadd.s32 $0x490, s10;
	s29 =	sor.u32 $0x2400, s11  }
0x4c: {  	[hbm4b:s30+s3] =	stream.linear.scatter [tilespmem:s29], [sflag:$0x1], $0x80, $0x38;
	[tilespmem:$0x8400] =	vst v63  }
0x4d: {  	s31 =	sor.u32 $0x2800, s11;
	s0 =	sadd.s32 $0x510, s10  }
0x4e: {  	[hbm4b:s0+s3] =	stream.linear.scatter [tilespmem:s31], [sflag:$0x1], $0x80, $0x38;
	[tilespmem:$0x8400] =	vst v63  }
0x4f: {  	s1 =	sor.u32 $0x2C00, s11;
	s2 =	sadd.s32 $0x590, s10  }
0x50: {  	[hbm4b:s2+s3] =	stream.linear.scatter [tilespmem:s1], [sflag:$0x1], $0x80, $0x38;
	[tilespmem:$0x8400] =	vst v63  }
0x51: {  	s14 =	sor.u32 $0x3000, s11;
	s15 =	sadd.s32 $0x610, s10  }
0x52: {  	[hbm4b:s15+s3] =	stream.linear.scatter [tilespmem:s14], [sflag:$0x1], $0x80, $0x38;
	[tilespmem:$0x8400] =	vst v63  }
0x53: {  	s16 =	sor.u32 $0x3400, s11;
	s17 =	sadd.s32 $0x690, s10;
	s18 =	sor.u32 $0x3800, s11  }
0x54: {  	[hbm4b:s17+s3] =	stream.linear.scatter [tilespmem:s16], [sflag:$0x1], $0x80, $0x38;
	[tilespmem:$0x8400] =	vst v63  }
0x55: {  	s19 =	sadd.s32 $0x710, s10;
	s11 =	sor.u32 $0x3C00, s11;
	s20 =	spop (v2sf)  }
0x56: {  	[hbm4b:s19+s3] =	stream.linear.scatter [tilespmem:s18], [sflag:$0x1], $0x80, $0x38;
	[tilespmem:$0x8400] =	vst v63  }
0x57: {  	s21 =	sadd.s32 $0x790, s10;
	s12 =	sshll.u32 s20, $0x7;
	s22 =	sshll.u32 s20, $0xB  }
0x58: {  	[hbm4b:s21+s3] =	stream.linear.scatter [tilespmem:s11], [sflag:$0x1], $0x80, $0x38;
	[tilespmem:$0x8400] =	vst v63  }
0x59: {  	s12 =	sand.u32 $0x380, s12;
	s11 =	sand.u32 $0xFFFFC000, s22  }
0x5a: {  	s23 =	sadd.s32 $0x20, s10;
	s11 =	sor.u32 s12, s11  }
0x5b: {  	[hbm4b:s23+s3] =	stream.linear.scatter [tilespmem:s11], [sflag:$0x1], $0x80, $0x38;
	[tilespmem:$0x8400] =	vst v63  }
0x5c: {  	s25 =	sadd.s32 $0xA0, s10;
	s24 =	sor.u32 $0x400, s11  }
0x5d: {  	[hbm4b:s25+s3] =	stream.linear.scatter [tilespmem:s24], [sflag:$0x1], $0x80, $0x38;
	[tilespmem:$0x8400] =	vst v63  }
0x5e: {  	s28 =	sadd.s32 $0x120, s10;
	s26 =	sor.u32 $0x800, s11  }
0x5f: {  	[hbm4b:s28+s3] =	stream.linear.scatter [tilespmem:s26], [sflag:$0x1], $0x80, $0x38;
	[tilespmem:$0x8400] =	vst v63  }
0x60: {  	s30 =	sadd.s32 $0x1A0, s10;
	s29 =	sor.u32 $0xC00, s11  }
0x61: {  	[hbm4b:s30+s3] =	stream.linear.scatter [tilespmem:s29], [sflag:$0x1], $0x80, $0x38;
	[tilespmem:$0x8400] =	vst v63  }
0x62: {  	s0 =	sadd.s32 $0x220, s10;
	s31 =	sor.u32 $0x1000, s11  }
0x63: {  	[hbm4b:s0+s3] =	stream.linear.scatter [tilespmem:s31], [sflag:$0x1], $0x80, $0x38;
	[tilespmem:$0x8400] =	vst v63  }
0x64: {  	s2 =	sadd.s32 $0x2A0, s10;
	s1 =	sor.u32 $0x1400, s11  }
0x65: {  	[hbm4b:s2+s3] =	stream.linear.scatter [tilespmem:s1], [sflag:$0x1], $0x80, $0x38;
	[tilespmem:$0x8400] =	vst v63  }
0x66: {  	s14 =	sadd.s32 $0x320, s10;
	s13 =	sor.u32 $0x1800, s11  }
0x67: {  	(v2sf) =	vpush v0, $0x3;
	[hbm4b:s14+s3] =	stream.linear.scatter [tilespmem:s13], [sflag:$0x1], $0x80, $0x38;
	[tilespmem:$0x8400] =	vst v63  }
0x68: {  	s16 =	sadd.s32 $0x3A0, s10;
	s15 =	sor.u32 $0x1C00, s11  }
0x69: {  	[hbm4b:s16+s3] =	stream.linear.scatter [tilespmem:s15], [sflag:$0x1], $0x80, $0x38;
	[tilespmem:$0x8400] =	vst v63  }
0x6a: {  	s18 =	sadd.s32 $0x420, s10;
	s17 =	sor.u32 $0x2000, s11  }
0x6b: {  	[hbm4b:s18+s3] =	stream.linear.scatter [tilespmem:s17], [sflag:$0x1], $0x80, $0x38;
	[tilespmem:$0x8400] =	vst v63  }
0x6c: {  	s20 =	sadd.s32 $0x4A0, s10;
	s19 =	sor.u32 $0x2400, s11  }
0x6d: {  	[hbm4b:s20+s3] =	stream.linear.scatter [tilespmem:s19], [sflag:$0x1], $0x80, $0x38;
	[tilespmem:$0x8400] =	vst v63  }
0x6e: {  	s22 =	sadd.s32 $0x520, s10;
	s21 =	sor.u32 $0x2800, s11  }
0x6f: {  	[hbm4b:s22+s3] =	stream.linear.scatter [tilespmem:s21], [sflag:$0x1], $0x80, $0x38;
	[tilespmem:$0x8400] =	vst v63  }
0x70: {  	s23 =	sor.u32 $0x2C00, s11;
	s24 =	sadd.s32 $0x5A0, s10  }
0x71: {  	[hbm4b:s24+s3] =	stream.linear.scatter [tilespmem:s23], [sflag:$0x1], $0x80, $0x38;
	[tilespmem:$0x8400] =	vst v63  }
0x72: {  	s25 =	sor.u32 $0x3000, s11;
	s26 =	sadd.s32 $0x620, s10  }
0x73: {  	[hbm4b:s26+s3] =	stream.linear.scatter [tilespmem:s25], [sflag:$0x1], $0x80, $0x38;
	[tilespmem:$0x8400] =	vst v63  }
0x74: {  	s28 =	sor.u32 $0x3400, s11;
	s29 =	sadd.s32 $0x6A0, s10;
	s30 =	sor.u32 $0x3800, s11  }
0x75: {  	[hbm4b:s29+s3] =	stream.linear.scatter [tilespmem:s28], [sflag:$0x1], $0x80, $0x38;
	[tilespmem:$0x8400] =	vst v63  }
0x76: {  	s11 =	sor.u32 $0x3C00, s11;
	s31 =	sadd.s32 $0x720, s10;
	s0 =	spop (v2sf)  }
0x77: {  	[hbm4b:s31+s3] =	stream.linear.scatter [tilespmem:s30], [sflag:$0x1], $0x80, $0x38;
	[tilespmem:$0x8400] =	vst v63  }
0x78: {  	s12 =	sshll.u32 s0, $0x7;
	s1 =	sadd.s32 $0x7A0, s10;
	s2 =	sshll.u32 s0, $0xB  }
0x79: {  	[hbm4b:s1+s3] =	stream.linear.scatter [tilespmem:s11], [sflag:$0x1], $0x80, $0x38;
	[tilespmem:$0x8400] =	vst v63  }
0x7a: {  	s12 =	sand.u32 $0x380, s12;
	s11 =	sand.u32 $0xFFFFC000, s2  }
0x7b: {  	s13 =	sadd.s32 $0x30, s10;
	s11 =	sor.u32 s12, s11  }
0x7c: {  	[hbm4b:s13+s3] =	stream.linear.scatter [tilespmem:s11], [sflag:$0x1], $0x80, $0x38;
	[tilespmem:$0x8400] =	vst v63  }
0x7d: {  	s15 =	sadd.s32 $0xB0, s10;
	s14 =	sor.u32 $0x400, s11  }
0x7e: {  	[hbm4b:s15+s3] =	stream.linear.scatter [tilespmem:s14], [sflag:$0x1], $0x80, $0x38;
	[tilespmem:$0x8400] =	vst v63  }
0x7f: {  	s17 =	sadd.s32 $0x130, s10;
	s16 =	sor.u32 $0x800, s11  }
0x80: {  	[hbm4b:s17+s3] =	stream.linear.scatter [tilespmem:s16], [sflag:$0x1], $0x80, $0x38;
	[tilespmem:$0x8400] =	vst v63  }
0x81: {  	s19 =	sadd.s32 $0x1B0, s10;
	s18 =	sor.u32 $0xC00, s11  }
0x82: {  	[hbm4b:s19+s3] =	stream.linear.scatter [tilespmem:s18], [sflag:$0x1], $0x80, $0x38;
	[tilespmem:$0x8400] =	vst v63  }
0x83: {  	s21 =	sadd.s32 $0x230, s10;
	s20 =	sor.u32 $0x1000, s11  }
0x84: {  	[hbm4b:s21+s3] =	stream.linear.scatter [tilespmem:s20], [sflag:$0x1], $0x80, $0x38;
	[tilespmem:$0x8400] =	vst v63  }
0x85: {  	s23 =	sadd.s32 $0x2B0, s10;
	s22 =	sor.u32 $0x1400, s11  }
0x86: {  	[hbm4b:s23+s3] =	stream.linear.scatter [tilespmem:s22], [sflag:$0x1], $0x80, $0x38;
	[tilespmem:$0x8400] =	vst v63  }
0x87: {  	s25 =	sadd.s32 $0x330, s10;
	s24 =	sor.u32 $0x1800, s11  }
0x88: {  	(v2sf) =	vpush v0, $0x4;
	[hbm4b:s25+s3] =	stream.linear.scatter [tilespmem:s24], [sflag:$0x1], $0x80, $0x38;
	[tilespmem:$0x8400] =	vst v63  }
0x89: {  	s28 =	sadd.s32 $0x3B0, s10;
	s26 =	sor.u32 $0x1C00, s11  }
0x8a: {  	[hbm4b:s28+s3] =	stream.linear.scatter [tilespmem:s26], [sflag:$0x1], $0x80, $0x38;
	[tilespmem:$0x8400] =	vst v63  }
0x8b: {  	s30 =	sadd.s32 $0x430, s10;
	s29 =	sor.u32 $0x2000, s11  }
0x8c: {  	[hbm4b:s30+s3] =	stream.linear.scatter [tilespmem:s29], [sflag:$0x1], $0x80, $0x38;
	[tilespmem:$0x8400] =	vst v63  }
0x8d: {  	s0 =	sadd.s32 $0x4B0, s10;
	s31 =	sor.u32 $0x2400, s11  }
0x8e: {  	[hbm4b:s0+s3] =	stream.linear.scatter [tilespmem:s31], [sflag:$0x1], $0x80, $0x38;
	[tilespmem:$0x8400] =	vst v63  }
0x8f: {  	s2 =	sadd.s32 $0x530, s10;
	s1 =	sor.u32 $0x2800, s11  }
0x90: {  	[hbm4b:s2+s3] =	stream.linear.scatter [tilespmem:s1], [sflag:$0x1], $0x80, $0x38;
	[tilespmem:$0x8400] =	vst v63  }
0x91: {  	s14 =	sor.u32 $0x2C00, s11;
	s15 =	sadd.s32 $0x5B0, s10  }
0x92: {  	[hbm4b:s15+s3] =	stream.linear.scatter [tilespmem:s14], [sflag:$0x1], $0x80, $0x38;
	[tilespmem:$0x8400] =	vst v63  }
0x93: {  	s16 =	sor.u32 $0x3000, s11;
	s17 =	sadd.s32 $0x630, s10  }
0x94: {  	[hbm4b:s17+s3] =	stream.linear.scatter [tilespmem:s16], [sflag:$0x1], $0x80, $0x38;
	[tilespmem:$0x8400] =	vst v63  }
0x95: {  	s18 =	sor.u32 $0x3400, s11;
	s19 =	sadd.s32 $0x6B0, s10;
	s20 =	sor.u32 $0x3800, s11  }
0x96: {  	[hbm4b:s19+s3] =	stream.linear.scatter [tilespmem:s18], [sflag:$0x1], $0x80, $0x38;
	[tilespmem:$0x8400] =	vst v63  }
0x97: {  	s21 =	sadd.s32 $0x730, s10;
	s11 =	sor.u32 $0x3C00, s11;
	s22 =	spop (v2sf)  }
0x98: {  	[hbm4b:s21+s3] =	stream.linear.scatter [tilespmem:s20], [sflag:$0x1], $0x80, $0x38;
	[tilespmem:$0x8400] =	vst v63  }
0x99: {  	s23 =	sadd.s32 $0x7B0, s10;
	s12 =	sshll.u32 s22, $0x7;
	s24 =	sshll.u32 s22, $0xB  }
0x9a: {  	[hbm4b:s23+s3] =	stream.linear.scatter [tilespmem:s11], [sflag:$0x1], $0x80, $0x38;
	[tilespmem:$0x8400] =	vst v63  }
0x9b: {  	s12 =	sand.u32 $0x380, s12;
	s11 =	sand.u32 $0xFFFFC000, s24  }
0x9c: {  	s25 =	sadd.s32 $0x40, s10;
	s11 =	sor.u32 s12, s11  }
0x9d: {  	[hbm4b:s25+s3] =	stream.linear.scatter [tilespmem:s11], [sflag:$0x1], $0x80, $0x38;
	[tilespmem:$0x8400] =	vst v63  }
0x9e: {  	s28 =	sadd.s32 $0xC0, s10;
	s26 =	sor.u32 $0x400, s11  }
0x9f: {  	[hbm4b:s28+s3] =	stream.linear.scatter [tilespmem:s26], [sflag:$0x1], $0x80, $0x38;
	[tilespmem:$0x8400] =	vst v63  }
0xa0: {  	s30 =	sadd.s32 $0x140, s10;
	s29 =	sor.u32 $0x800, s11  }
0xa1: {  	[hbm4b:s30+s3] =	stream.linear.scatter [tilespmem:s29], [sflag:$0x1], $0x80, $0x38;
	[tilespmem:$0x8400] =	vst v63  }
0xa2: {  	s0 =	sadd.s32 $0x1C0, s10;
	s31 =	sor.u32 $0xC00, s11  }
0xa3: {  	[hbm4b:s0+s3] =	stream.linear.scatter [tilespmem:s31], [sflag:$0x1], $0x80, $0x38;
	[tilespmem:$0x8400] =	vst v63  }
0xa4: {  	s2 =	sadd.s32 $0x240, s10;
	s1 =	sor.u32 $0x1000, s11  }
0xa5: {  	[hbm4b:s2+s3] =	stream.linear.scatter [tilespmem:s1], [sflag:$0x1], $0x80, $0x38;
	[tilespmem:$0x8400] =	vst v63  }
0xa6: {  	s14 =	sadd.s32 $0x2C0, s10;
	s13 =	sor.u32 $0x1400, s11  }
0xa7: {  	[hbm4b:s14+s3] =	stream.linear.scatter [tilespmem:s13], [sflag:$0x1], $0x80, $0x38;
	[tilespmem:$0x8400] =	vst v63  }
0xa8: {  	s16 =	sadd.s32 $0x340, s10;
	s15 =	sor.u32 $0x1800, s11  }
0xa9: {  	(v2sf) =	vpush v0, $0x5;
	[hbm4b:s16+s3] =	stream.linear.scatter [tilespmem:s15], [sflag:$0x1], $0x80, $0x38;
	[tilespmem:$0x8400] =	vst v63  }
0xaa: {  	s18 =	sadd.s32 $0x3C0, s10;
	s17 =	sor.u32 $0x1C00, s11  }
0xab: {  	[hbm4b:s18+s3] =	stream.linear.scatter [tilespmem:s17], [sflag:$0x1], $0x80, $0x38;
	[tilespmem:$0x8400] =	vst v63  }
0xac: {  	s20 =	sadd.s32 $0x440, s10;
	s19 =	sor.u32 $0x2000, s11  }
0xad: {  	[hbm4b:s20+s3] =	stream.linear.scatter [tilespmem:s19], [sflag:$0x1], $0x80, $0x38;
	[tilespmem:$0x8400] =	vst v63  }
0xae: {  	s22 =	sadd.s32 $0x4C0, s10;
	s21 =	sor.u32 $0x2400, s11  }
0xaf: {  	[hbm4b:s22+s3] =	stream.linear.scatter [tilespmem:s21], [sflag:$0x1], $0x80, $0x38;
	[tilespmem:$0x8400] =	vst v63  }
0xb0: {  	s24 =	sadd.s32 $0x540, s10;
	s23 =	sor.u32 $0x2800, s11  }
0xb1: {  	[hbm4b:s24+s3] =	stream.linear.scatter [tilespmem:s23], [sflag:$0x1], $0x80, $0x38;
	[tilespmem:$0x8400] =	vst v63  }
0xb2: {  	s25 =	sor.u32 $0x2C00, s11;
	s26 =	sadd.s32 $0x5C0, s10  }
0xb3: {  	[hbm4b:s26+s3] =	stream.linear.scatter [tilespmem:s25], [sflag:$0x1], $0x80, $0x38;
	[tilespmem:$0x8400] =	vst v63  }
0xb4: {  	s28 =	sor.u32 $0x3000, s11;
	s29 =	sadd.s32 $0x640, s10  }
0xb5: {  	[hbm4b:s29+s3] =	stream.linear.scatter [tilespmem:s28], [sflag:$0x1], $0x80, $0x38;
	[tilespmem:$0x8400] =	vst v63  }
0xb6: {  	s30 =	sor.u32 $0x3400, s11;
	s31 =	sadd.s32 $0x6C0, s10;
	s0 =	sor.u32 $0x3800, s11  }
0xb7: {  	[hbm4b:s31+s3] =	stream.linear.scatter [tilespmem:s30], [sflag:$0x1], $0x80, $0x38;
	[tilespmem:$0x8400] =	vst v63  }
0xb8: {  	s11 =	sor.u32 $0x3C00, s11;
	s1 =	sadd.s32 $0x740, s10;
	s2 =	spop (v2sf)  }
0xb9: {  	[hbm4b:s1+s3] =	stream.linear.scatter [tilespmem:s0], [sflag:$0x1], $0x80, $0x38;
	[tilespmem:$0x8400] =	vst v63  }
0xba: {  	s12 =	sshll.u32 s2, $0x7;
	s14 =	sadd.s32 $0x7C0, s10;
	s15 =	sshll.u32 s2, $0xB  }
0xbb: {  	[hbm4b:s14+s3] =	stream.linear.scatter [tilespmem:s11], [sflag:$0x1], $0x80, $0x38;
	[tilespmem:$0x8400] =	vst v63  }
0xbc: {  	s12 =	sand.u32 $0x380, s12;
	s11 =	sand.u32 $0xFFFFC000, s15  }
0xbd: {  	s16 =	sadd.s32 $0x50, s10;
	s11 =	sor.u32 s12, s11  }
0xbe: {  	[hbm4b:s16+s3] =	stream.linear.scatter [tilespmem:s11], [sflag:$0x1], $0x80, $0x38;
	[tilespmem:$0x8400] =	vst v63  }
0xbf: {  	s17 =	sadd.s32 $0xD0, s10;
	s12 =	sor.u32 $0x400, s11  }
0xc0: {  	[hbm4b:s17+s3] =	stream.linear.scatter [tilespmem:s12], [sflag:$0x1], $0x80, $0x38;
	[tilespmem:$0x8400] =	vst v63  }
0xc1: {  	s19 =	sadd.s32 $0x150, s10;
	s18 =	sor.u32 $0x800, s11  }
0xc2: {  	[hbm4b:s19+s3] =	stream.linear.scatter [tilespmem:s18], [sflag:$0x1], $0x80, $0x38;
	[tilespmem:$0x8400] =	vst v63  }
0xc3: {  	s21 =	sadd.s32 $0x1D0, s10;
	s20 =	sor.u32 $0xC00, s11  }
0xc4: {  	[hbm4b:s21+s3] =	stream.linear.scatter [tilespmem:s20], [sflag:$0x1], $0x80, $0x38;
	[tilespmem:$0x8400] =	vst v63  }
0xc5: {  	s23 =	sadd.s32 $0x250, s10;
	s22 =	sor.u32 $0x1000, s11  }
0xc6: {  	[hbm4b:s23+s3] =	stream.linear.scatter [tilespmem:s22], [sflag:$0x1], $0x80, $0x38;
	[tilespmem:$0x8400] =	vst v63  }
0xc7: {  	s25 =	sadd.s32 $0x2D0, s10;
	s24 =	sor.u32 $0x1400, s11  }
0xc8: {  	[hbm4b:s25+s3] =	stream.linear.scatter [tilespmem:s24], [sflag:$0x1], $0x80, $0x38;
	[tilespmem:$0x8400] =	vst v63  }
0xc9: {  	s28 =	sadd.s32 $0x350, s10;
	s26 =	sor.u32 $0x1800, s11  }
0xca: {  	(v2sf) =	vpush v0, $0x6;
	[hbm4b:s28+s3] =	stream.linear.scatter [tilespmem:s26], [sflag:$0x1], $0x80, $0x38;
	[tilespmem:$0x8400] =	vst v63  }
0xcb: {  	s30 =	sadd.s32 $0x3D0, s10;
	s29 =	sor.u32 $0x1C00, s11  }
0xcc: {  	[hbm4b:s30+s3] =	stream.linear.scatter [tilespmem:s29], [sflag:$0x1], $0x80, $0x38;
	[tilespmem:$0x8400] =	vst v63  }
0xcd: {  	s0 =	sadd.s32 $0x450, s10;
	s31 =	sor.u32 $0x2000, s11  }
0xce: {  	[hbm4b:s0+s3] =	stream.linear.scatter [tilespmem:s31], [sflag:$0x1], $0x80, $0x38;
	[tilespmem:$0x8400] =	vst v63  }
0xcf: {  	s2 =	sadd.s32 $0x4D0, s10;
	s1 =	sor.u32 $0x2400, s11  }
0xd0: {  	[hbm4b:s2+s3] =	stream.linear.scatter [tilespmem:s1], [sflag:$0x1], $0x80, $0x38;
	[tilespmem:$0x8400] =	vst v63  }
0xd1: {  	s15 =	sadd.s32 $0x550, s10;
	s14 =	sor.u32 $0x2800, s11  }
0xd2: {  	[hbm4b:s15+s3] =	stream.linear.scatter [tilespmem:s14], [sflag:$0x1], $0x80, $0x38;
	[tilespmem:$0x8400] =	vst v63  }
0xd3: {  	s16 =	sor.u32 $0x2C00, s11;
	s17 =	sadd.s32 $0x5D0, s10  }
0xd4: {  	[hbm4b:s17+s3] =	stream.linear.scatter [tilespmem:s16], [sflag:$0x1], $0x80, $0x38;
	[tilespmem:$0x8400] =	vst v63  }
0xd5: {  	s18 =	sor.u32 $0x3000, s11;
	s19 =	sadd.s32 $0x650, s10  }
0xd6: {  	[hbm4b:s19+s3] =	stream.linear.scatter [tilespmem:s18], [sflag:$0x1], $0x80, $0x38;
	[tilespmem:$0x8400] =	vst v63  }
0xd7: {  	s20 =	sor.u32 $0x3400, s11;
	s21 =	sadd.s32 $0x6D0, s10;
	s22 =	sor.u32 $0x3800, s11  }
0xd8: {  	[hbm4b:s21+s3] =	stream.linear.scatter [tilespmem:s20], [sflag:$0x1], $0x80, $0x38;
	[tilespmem:$0x8400] =	vst v63  }
0xd9: {  	s23 =	sadd.s32 $0x750, s10;
	s11 =	sor.u32 $0x3C00, s11;
	s24 =	spop (v2sf)  }
0xda: {  	[hbm4b:s23+s3] =	stream.linear.scatter [tilespmem:s22], [sflag:$0x1], $0x80, $0x38;
	[tilespmem:$0x8400] =	vst v63  }
0xdb: {  	s25 =	sadd.s32 $0x7D0, s10;
	s12 =	sshll.u32 s24, $0x7;
	s26 =	sshll.u32 s24, $0xB  }
0xdc: {  	[hbm4b:s25+s3] =	stream.linear.scatter [tilespmem:s11], [sflag:$0x1], $0x80, $0x38;
	[tilespmem:$0x8400] =	vst v63  }
0xdd: {  	s12 =	sand.u32 $0x380, s12;
	s11 =	sand.u32 $0xFFFFC000, s26  }
0xde: {  	s28 =	sadd.s32 $0x60, s10;
	s11 =	sor.u32 s12, s11  }
0xdf: {  	[hbm4b:s28+s3] =	stream.linear.scatter [tilespmem:s11], [sflag:$0x1], $0x80, $0x38;
	[tilespmem:$0x8400] =	vst v63  }
0xe0: {  	s30 =	sadd.s32 $0xE0, s10;
	s29 =	sor.u32 $0x400, s11  }
0xe1: {  	[hbm4b:s30+s3] =	stream.linear.scatter [tilespmem:s29], [sflag:$0x1], $0x80, $0x38;
	[tilespmem:$0x8400] =	vst v63  }
0xe2: {  	s0 =	sadd.s32 $0x160, s10;
	s31 =	sor.u32 $0x800, s11  }
0xe3: {  	[hbm4b:s0+s3] =	stream.linear.scatter [tilespmem:s31], [sflag:$0x1], $0x80, $0x38;
	[tilespmem:$0x8400] =	vst v63  }
0xe4: {  	s2 =	sadd.s32 $0x1E0, s10;
	s1 =	sor.u32 $0xC00, s11  }
0xe5: {  	[hbm4b:s2+s3] =	stream.linear.scatter [tilespmem:s1], [sflag:$0x1], $0x80, $0x38;
	[tilespmem:$0x8400] =	vst v63  }
0xe6: {  	s15 =	sadd.s32 $0x260, s10;
	s14 =	sor.u32 $0x1000, s11  }
0xe7: {  	[hbm4b:s15+s3] =	stream.linear.scatter [tilespmem:s14], [sflag:$0x1], $0x80, $0x38;
	[tilespmem:$0x8400] =	vst v63  }
0xe8: {  	s17 =	sadd.s32 $0x2E0, s10;
	s16 =	sor.u32 $0x1400, s11  }
0xe9: {  	[hbm4b:s17+s3] =	stream.linear.scatter [tilespmem:s16], [sflag:$0x1], $0x80, $0x38;
	[tilespmem:$0x8400] =	vst v63  }
0xea: {  	s19 =	sadd.s32 $0x360, s10;
	s18 =	sor.u32 $0x1800, s11  }
0xeb: {  	(v2sf) =	vpush v0, $0x7;
	[hbm4b:s19+s3] =	stream.linear.scatter [tilespmem:s18], [sflag:$0x1], $0x80, $0x38;
	[tilespmem:$0x8400] =	vst v63  }
0xec: {  	s21 =	sadd.s32 $0x3E0, s10;
	s20 =	sor.u32 $0x1C00, s11  }
0xed: {  	[hbm4b:s21+s3] =	stream.linear.scatter [tilespmem:s20], [sflag:$0x1], $0x80, $0x38;
	[tilespmem:$0x8400] =	vst v63  }
0xee: {  	s23 =	sadd.s32 $0x460, s10;
	s22 =	sor.u32 $0x2000, s11  }
0xef: {  	[hbm4b:s23+s3] =	stream.linear.scatter [tilespmem:s22], [sflag:$0x1], $0x80, $0x38;
	[tilespmem:$0x8400] =	vst v63  }
0xf0: {  	s25 =	sadd.s32 $0x4E0, s10;
	s24 =	sor.u32 $0x2400, s11  }
0xf1: {  	[hbm4b:s25+s3] =	stream.linear.scatter [tilespmem:s24], [sflag:$0x1], $0x80, $0x38;
	[tilespmem:$0x8400] =	vst v63  }
0xf2: {  	s26 =	sor.u32 $0x2800, s11;
	s28 =	sadd.s32 $0x560, s10  }
0xf3: {  	[hbm4b:s28+s3] =	stream.linear.scatter [tilespmem:s26], [sflag:$0x1], $0x80, $0x38;
	[tilespmem:$0x8400] =	vst v63  }
0xf4: {  	s29 =	sor.u32 $0x2C00, s11;
	s30 =	sadd.s32 $0x5E0, s10  }
0xf5: {  	[hbm4b:s30+s3] =	stream.linear.scatter [tilespmem:s29], [sflag:$0x1], $0x80, $0x38;
	[tilespmem:$0x8400] =	vst v63  }
0xf6: {  	s31 =	sor.u32 $0x3000, s11;
	s0 =	sadd.s32 $0x660, s10  }
0xf7: {  	[hbm4b:s0+s3] =	stream.linear.scatter [tilespmem:s31], [sflag:$0x1], $0x80, $0x38;
	[tilespmem:$0x8400] =	vst v63  }
0xf8: {  	s13 =	sor.u32 $0x3800, s11;
	s1 =	sor.u32 $0x3400, s11;
	s2 =	sadd.s32 $0x6E0, s10  }
0xf9: {  	[hbm4b:s2+s3] =	stream.linear.scatter [tilespmem:s1], [sflag:$0x1], $0x80, $0x38;
	[tilespmem:$0x8400] =	vst v63  }
0xfa: {  	s11 =	sor.u32 $0x3C00, s11;
	s14 =	sadd.s32 $0x760, s10;
	s15 =	spop (v2sf)  }
0xfb: {  	[hbm4b:s14+s3] =	stream.linear.scatter [tilespmem:s13], [sflag:$0x1], $0x80, $0x38;
	[tilespmem:$0x8400] =	vst v63  }
0xfc: {  	s12 =	sshll.u32 s15, $0x7;
	s16 =	sadd.s32 $0x7E0, s10;
	s17 =	sshll.u32 s15, $0xB  }
0xfd: {  	[hbm4b:s16+s3] =	stream.linear.scatter [tilespmem:s11], [sflag:$0x1], $0x80, $0x38;
	[tilespmem:$0x8400] =	vst v63  }
0xfe: {  	s12 =	sand.u32 $0x380, s12;
	s11 =	sand.u32 $0xFFFFC000, s17  }
0xff: {  	s18 =	sadd.s32 $0x70, s10;
	s11 =	sor.u32 s12, s11  }
0x100: {  	[hbm4b:s18+s3] =	stream.linear.scatter [tilespmem:s11], [sflag:$0x1], $0x80, $0x38;
	[tilespmem:$0x8400] =	vst v63  }
0x101: {  	s19 =	sadd.s32 $0xF0, s10;
	s12 =	sor.u32 $0x400, s11  }
0x102: {  	[hbm4b:s19+s3] =	stream.linear.scatter [tilespmem:s12], [sflag:$0x1], $0x80, $0x38;
	[tilespmem:$0x8400] =	vst v63  }
0x103: {  	s21 =	sadd.s32 $0x170, s10;
	s20 =	sor.u32 $0x800, s11  }
0x104: {  	[hbm4b:s21+s3] =	stream.linear.scatter [tilespmem:s20], [sflag:$0x1], $0x80, $0x38;
	[tilespmem:$0x8400] =	vst v63  }
0x105: {  	s23 =	sadd.s32 $0x1F0, s10;
	s22 =	sor.u32 $0xC00, s11  }
0x106: {  	[hbm4b:s23+s3] =	stream.linear.scatter [tilespmem:s22], [sflag:$0x1], $0x80, $0x38;
	[tilespmem:$0x8400] =	vst v63  }
0x107: {  	s25 =	sadd.s32 $0x270, s10;
	s24 =	sor.u32 $0x1000, s11  }
0x108: {  	[hbm4b:s25+s3] =	stream.linear.scatter [tilespmem:s24], [sflag:$0x1], $0x80, $0x38;
	[tilespmem:$0x8400] =	vst v63  }
0x109: {  	s28 =	sadd.s32 $0x2F0, s10;
	s26 =	sor.u32 $0x1400, s11  }
0x10a: {  	[hbm4b:s28+s3] =	stream.linear.scatter [tilespmem:s26], [sflag:$0x1], $0x80, $0x38;
	[tilespmem:$0x8400] =	vst v63  }
0x10b: {  	s30 =	sadd.s32 $0x370, s10;
	s29 =	sor.u32 $0x1800, s11  }
0x10c: {  	(v2sf) =	vpush v0, $0x8;
	[hbm4b:s30+s3] =	stream.linear.scatter [tilespmem:s29], [sflag:$0x1], $0x80, $0x38;
	[tilespmem:$0x8400] =	vst v63  }
0x10d: {  	s0 =	sadd.s32 $0x3F0, s10;
	s31 =	sor.u32 $0x1C00, s11  }
0x10e: {  	[hbm4b:s0+s3] =	stream.linear.scatter [tilespmem:s31], [sflag:$0x1], $0x80, $0x38;
	[tilespmem:$0x8400] =	vst v63  }
0x10f: {  	s2 =	sadd.s32 $0x470, s10;
	s1 =	sor.u32 $0x2000, s11  }
0x110: {  	[hbm4b:s2+s3] =	stream.linear.scatter [tilespmem:s1], [sflag:$0x1], $0x80, $0x38;
	[tilespmem:$0x8400] =	vst v63  }
0x111: {  	s14 =	sadd.s32 $0x4F0, s10;
	s13 =	sor.u32 $0x2400, s11  }
0x112: {  	[hbm4b:s14+s3] =	stream.linear.scatter [tilespmem:s13], [sflag:$0x1], $0x80, $0x38;
	[tilespmem:$0x8400] =	vst v63  }
0x113: {  	s16 =	sadd.s32 $0x570, s10;
	s15 =	sor.u32 $0x2800, s11  }
0x114: {  	[hbm4b:s16+s3] =	stream.linear.scatter [tilespmem:s15], [sflag:$0x1], $0x80, $0x38;
	[tilespmem:$0x8400] =	vst v63  }
0x115: {  	s17 =	sor.u32 $0x2C00, s11;
	s18 =	sadd.s32 $0x5F0, s10  }
0x116: {  	[hbm4b:s18+s3] =	stream.linear.scatter [tilespmem:s17], [sflag:$0x1], $0x80, $0x38;
	[tilespmem:$0x8400] =	vst v63  }
0x117: {  	s19 =	sor.u32 $0x3000, s11;
	s20 =	sadd.s32 $0x670, s10  }
0x118: {  	[hbm4b:s20+s3] =	stream.linear.scatter [tilespmem:s19], [sflag:$0x1], $0x80, $0x38;
	[tilespmem:$0x8400] =	vst v63  }
0x119: {  	s21 =	sor.u32 $0x3400, s11;
	s22 =	sadd.s32 $0x6F0, s10;
	s23 =	sor.u32 $0x3800, s11  }
0x11a: {  	[hbm4b:s22+s3] =	stream.linear.scatter [tilespmem:s21], [sflag:$0x1], $0x80, $0x38;
	[tilespmem:$0x8400] =	vst v63  }
0x11b: {  	s11 =	sor.u32 $0x3C00, s11;
	s24 =	sadd.s32 $0x770, s10;
	s25 =	spop (v2sf)  }
0x11c: {  	[hbm4b:s24+s3] =	stream.linear.scatter [tilespmem:s23], [sflag:$0x1], $0x80, $0x38;
	[tilespmem:$0x8400] =	vst v63  }
0x11d: {  	s12 =	sshll.u32 s25, $0x7;
	s26 =	sadd.s32 $0x7F0, s10;
	s28 =	sshll.u32 s25, $0xB  }
0x11e: {  	[hbm4b:s26+s3] =	stream.linear.scatter [tilespmem:s11], [sflag:$0x1], $0x80, $0x38;
	[tilespmem:$0x8400] =	vst v63  }
0x11f: {  	s12 =	sand.u32 $0x380, s12;
	s11 =	sand.u32 $0xFFFFC000, s28  }
0x120: {  	s29 =	sadd.s32 $0x800, s10;
	s11 =	sor.u32 s12, s11  }
0x121: {  	[hbm4b:s29+s3] =	stream.linear.scatter [tilespmem:s11], [sflag:$0x1], $0x80, $0x38;
	[tilespmem:$0x8400] =	vst v63  }
0x122: {  	s30 =	sadd.s32 $0x880, s10;
	s12 =	sor.u32 $0x400, s11  }
0x123: {  	[hbm4b:s30+s3] =	stream.linear.scatter [tilespmem:s12], [sflag:$0x1], $0x80, $0x38;
	[tilespmem:$0x8400] =	vst v63  }
0x124: {  	s0 =	sadd.s32 $0x900, s10;
	s31 =	sor.u32 $0x800, s11  }
0x125: {  	[hbm4b:s0+s3] =	stream.linear.scatter [tilespmem:s31], [sflag:$0x1], $0x80, $0x38;
	[tilespmem:$0x8400] =	vst v63  }
0x126: {  	s2 =	sadd.s32 $0x980, s10;
	s1 =	sor.u32 $0xC00, s11  }
0x127: {  	[hbm4b:s2+s3] =	stream.linear.scatter [tilespmem:s1], [sflag:$0x1], $0x80, $0x38;
	[tilespmem:$0x8400] =	vst v63  }
0x128: {  	s15 =	sadd.s32 $0xA00, s10;
	s14 =	sor.u32 $0x1000, s11  }
0x129: {  	[hbm4b:s15+s3] =	stream.linear.scatter [tilespmem:s14], [sflag:$0x1], $0x80, $0x38;
	[tilespmem:$0x8400] =	vst v63  }
0x12a: {  	s17 =	sadd.s32 $0xA80, s10;
	s16 =	sor.u32 $0x1400, s11  }
0x12b: {  	[hbm4b:s17+s3] =	stream.linear.scatter [tilespmem:s16], [sflag:$0x1], $0x80, $0x38;
	[tilespmem:$0x8400] =	vst v63  }
0x12c: {  	s19 =	sadd.s32 $0xB00, s10;
	s18 =	sor.u32 $0x1800, s11  }
0x12d: {  	(v2sf) =	vpush v0, $0x9;
	[hbm4b:s19+s3] =	stream.linear.scatter [tilespmem:s18], [sflag:$0x1], $0x80, $0x38;
	[tilespmem:$0x8400] =	vst v63  }
0x12e: {  	s21 =	sadd.s32 $0xB80, s10;
	s20 =	sor.u32 $0x1C00, s11  }
0x12f: {  	[hbm4b:s21+s3] =	stream.linear.scatter [tilespmem:s20], [sflag:$0x1], $0x80, $0x38;
	[tilespmem:$0x8400] =	vst v63  }
0x130: {  	s23 =	sadd.s32 $0xC00, s10;
	s22 =	sor.u32 $0x2000, s11  }
0x131: {  	[hbm4b:s23+s3] =	stream.linear.scatter [tilespmem:s22], [sflag:$0x1], $0x80, $0x38;
	[tilespmem:$0x8400] =	vst v63  }
0x132: {  	s25 =	sadd.s32 $0xC80, s10;
	s24 =	sor.u32 $0x2400, s11  }
0x133: {  	[hbm4b:s25+s3] =	stream.linear.scatter [tilespmem:s24], [sflag:$0x1], $0x80, $0x38;
	[tilespmem:$0x8400] =	vst v63  }
0x134: {  	s28 =	sadd.s32 $0xD00, s10;
	s26 =	sor.u32 $0x2800, s11  }
0x135: {  	[hbm4b:s28+s3] =	stream.linear.scatter [tilespmem:s26], [sflag:$0x1], $0x80, $0x38;
	[tilespmem:$0x8400] =	vst v63  }
0x136: {  	s29 =	sor.u32 $0x2C00, s11;
	s30 =	sadd.s32 $0xD80, s10  }
0x137: {  	[hbm4b:s30+s3] =	stream.linear.scatter [tilespmem:s29], [sflag:$0x1], $0x80, $0x38;
	[tilespmem:$0x8400] =	vst v63  }
0x138: {  	s31 =	sor.u32 $0x3000, s11;
	s0 =	sadd.s32 $0xE00, s10  }
0x139: {  	[hbm4b:s0+s3] =	stream.linear.scatter [tilespmem:s31], [sflag:$0x1], $0x80, $0x38;
	[tilespmem:$0x8400] =	vst v63  }
0x13a: {  	s1 =	sor.u32 $0x3400, s11;
	s2 =	sadd.s32 $0xE80, s10;
	s14 =	sor.u32 $0x3800, s11  }
0x13b: {  	[hbm4b:s2+s3] =	stream.linear.scatter [tilespmem:s1], [sflag:$0x1], $0x80, $0x38;
	[tilespmem:$0x8400] =	vst v63  }
0x13c: {  	s15 =	sadd.s32 $0xF00, s10;
	s11 =	sor.u32 $0x3C00, s11;
	s16 =	spop (v2sf)  }
0x13d: {  	[hbm4b:s15+s3] =	stream.linear.scatter [tilespmem:s14], [sflag:$0x1], $0x80, $0x38;
	[tilespmem:$0x8400] =	vst v63  }
0x13e: {  	s17 =	sadd.s32 $0xF80, s10;
	s12 =	sshll.u32 s16, $0x7;
	s18 =	sshll.u32 s16, $0xB  }
0x13f: {  	[hbm4b:s17+s3] =	stream.linear.scatter [tilespmem:s11], [sflag:$0x1], $0x80, $0x38;
	[tilespmem:$0x8400] =	vst v63  }
0x140: {  	s12 =	sand.u32 $0x380, s12;
	s11 =	sand.u32 $0xFFFFC000, s18  }
0x141: {  	s19 =	sadd.s32 $0x810, s10;
	s11 =	sor.u32 s12, s11  }
0x142: {  	[hbm4b:s19+s3] =	stream.linear.scatter [tilespmem:s11], [sflag:$0x1], $0x80, $0x38;
	[tilespmem:$0x8400] =	vst v63  }
0x143: {  	s21 =	sadd.s32 $0x890, s10;
	s20 =	sor.u32 $0x400, s11  }
0x144: {  	[hbm4b:s21+s3] =	stream.linear.scatter [tilespmem:s20], [sflag:$0x1], $0x80, $0x38;
	[tilespmem:$0x8400] =	vst v63  }
0x145: {  	s23 =	sadd.s32 $0x910, s10;
	s22 =	sor.u32 $0x800, s11  }
0x146: {  	[hbm4b:s23+s3] =	stream.linear.scatter [tilespmem:s22], [sflag:$0x1], $0x80, $0x38;
	[tilespmem:$0x8400] =	vst v63  }
0x147: {  	s25 =	sadd.s32 $0x990, s10;
	s24 =	sor.u32 $0xC00, s11  }
0x148: {  	[hbm4b:s25+s3] =	stream.linear.scatter [tilespmem:s24], [sflag:$0x1], $0x80, $0x38;
	[tilespmem:$0x8400] =	vst v63  }
0x149: {  	s28 =	sadd.s32 $0xA10, s10;
	s26 =	sor.u32 $0x1000, s11  }
0x14a: {  	[hbm4b:s28+s3] =	stream.linear.scatter [tilespmem:s26], [sflag:$0x1], $0x80, $0x38;
	[tilespmem:$0x8400] =	vst v63  }
0x14b: {  	s30 =	sadd.s32 $0xA90, s10;
	s29 =	sor.u32 $0x1400, s11  }
0x14c: {  	[hbm4b:s30+s3] =	stream.linear.scatter [tilespmem:s29], [sflag:$0x1], $0x80, $0x38;
	[tilespmem:$0x8400] =	vst v63  }
0x14d: {  	s0 =	sadd.s32 $0xB10, s10;
	s31 =	sor.u32 $0x1800, s11  }
0x14e: {  	(v2sf) =	vpush v0, $0xA;
	[hbm4b:s0+s3] =	stream.linear.scatter [tilespmem:s31], [sflag:$0x1], $0x80, $0x38;
	[tilespmem:$0x8400] =	vst v63  }
0x14f: {  	s2 =	sadd.s32 $0xB90, s10;
	s1 =	sor.u32 $0x1C00, s11  }
0x150: {  	[hbm4b:s2+s3] =	stream.linear.scatter [tilespmem:s1], [sflag:$0x1], $0x80, $0x38;
	[tilespmem:$0x8400] =	vst v63  }
0x151: {  	s15 =	sadd.s32 $0xC10, s10;
	s14 =	sor.u32 $0x2000, s11  }
0x152: {  	[hbm4b:s15+s3] =	stream.linear.scatter [tilespmem:s14], [sflag:$0x1], $0x80, $0x38;
	[tilespmem:$0x8400] =	vst v63  }
0x153: {  	s17 =	sadd.s32 $0xC90, s10;
	s16 =	sor.u32 $0x2400, s11  }
0x154: {  	[hbm4b:s17+s3] =	stream.linear.scatter [tilespmem:s16], [sflag:$0x1], $0x80, $0x38;
	[tilespmem:$0x8400] =	vst v63  }
0x155: {  	s18 =	sor.u32 $0x2800, s11;
	s19 =	sadd.s32 $0xD10, s10  }
0x156: {  	[hbm4b:s19+s3] =	stream.linear.scatter [tilespmem:s18], [sflag:$0x1], $0x80, $0x38;
	[tilespmem:$0x8400] =	vst v63  }
0x157: {  	s20 =	sor.u32 $0x2C00, s11;
	s21 =	sadd.s32 $0xD90, s10  }
0x158: {  	[hbm4b:s21+s3] =	stream.linear.scatter [tilespmem:s20], [sflag:$0x1], $0x80, $0x38;
	[tilespmem:$0x8400] =	vst v63  }
0x159: {  	s22 =	sor.u32 $0x3000, s11;
	s23 =	sadd.s32 $0xE10, s10  }
0x15a: {  	[hbm4b:s23+s3] =	stream.linear.scatter [tilespmem:s22], [sflag:$0x1], $0x80, $0x38;
	[tilespmem:$0x8400] =	vst v63  }
0x15b: {  	s24 =	sor.u32 $0x3400, s11;
	s25 =	sadd.s32 $0xE90, s10;
	s26 =	sor.u32 $0x3800, s11  }
0x15c: {  	[hbm4b:s25+s3] =	stream.linear.scatter [tilespmem:s24], [sflag:$0x1], $0x80, $0x38;
	[tilespmem:$0x8400] =	vst v63  }
0x15d: {  	s28 =	sadd.s32 $0xF10, s10;
	s11 =	sor.u32 $0x3C00, s11;
	s29 =	spop (v2sf)  }
0x15e: {  	[hbm4b:s28+s3] =	stream.linear.scatter [tilespmem:s26], [sflag:$0x1], $0x80, $0x38;
	[tilespmem:$0x8400] =	vst v63  }
0x15f: {  	s30 =	sadd.s32 $0xF90, s10;
	s12 =	sshll.u32 s29, $0x7;
	s31 =	sshll.u32 s29, $0xB  }
0x160: {  	[hbm4b:s30+s3] =	stream.linear.scatter [tilespmem:s11], [sflag:$0x1], $0x80, $0x38;
	[tilespmem:$0x8400] =	vst v63  }
0x161: {  	s12 =	sand.u32 $0x380, s12;
	s11 =	sand.u32 $0xFFFFC000, s31  }
0x162: {  	s0 =	sadd.s32 $0x820, s10;
	s11 =	sor.u32 s12, s11  }
0x163: {  	[hbm4b:s0+s3] =	stream.linear.scatter [tilespmem:s11], [sflag:$0x1], $0x80, $0x38;
	[tilespmem:$0x8400] =	vst v63  }
0x164: {  	s2 =	sadd.s32 $0x8A0, s10;
	s1 =	sor.u32 $0x400, s11  }
0x165: {  	[hbm4b:s2+s3] =	stream.linear.scatter [tilespmem:s1], [sflag:$0x1], $0x80, $0x38;
	[tilespmem:$0x8400] =	vst v63  }
0x166: {  	s15 =	sadd.s32 $0x920, s10;
	s14 =	sor.u32 $0x800, s11  }
0x167: {  	[hbm4b:s15+s3] =	stream.linear.scatter [tilespmem:s14], [sflag:$0x1], $0x80, $0x38;
	[tilespmem:$0x8400] =	vst v63  }
0x168: {  	s17 =	sadd.s32 $0x9A0, s10;
	s16 =	sor.u32 $0xC00, s11  }
0x169: {  	[hbm4b:s17+s3] =	stream.linear.scatter [tilespmem:s16], [sflag:$0x1], $0x80, $0x38;
	[tilespmem:$0x8400] =	vst v63  }
0x16a: {  	s19 =	sadd.s32 $0xA20, s10;
	s18 =	sor.u32 $0x1000, s11  }
0x16b: {  	[hbm4b:s19+s3] =	stream.linear.scatter [tilespmem:s18], [sflag:$0x1], $0x80, $0x38;
	[tilespmem:$0x8400] =	vst v63  }
0x16c: {  	s21 =	sadd.s32 $0xAA0, s10;
	s20 =	sor.u32 $0x1400, s11  }
0x16d: {  	[hbm4b:s21+s3] =	stream.linear.scatter [tilespmem:s20], [sflag:$0x1], $0x80, $0x38;
	[tilespmem:$0x8400] =	vst v63  }
0x16e: {  	s23 =	sadd.s32 $0xB20, s10;
	s22 =	sor.u32 $0x1800, s11  }
0x16f: {  	(v2sf) =	vpush v0, $0xB;
	[hbm4b:s23+s3] =	stream.linear.scatter [tilespmem:s22], [sflag:$0x1], $0x80, $0x38;
	[tilespmem:$0x8400] =	vst v63  }
0x170: {  	s25 =	sadd.s32 $0xBA0, s10;
	s24 =	sor.u32 $0x1C00, s11  }
0x171: {  	[hbm4b:s25+s3] =	stream.linear.scatter [tilespmem:s24], [sflag:$0x1], $0x80, $0x38;
	[tilespmem:$0x8400] =	vst v63  }
0x172: {  	s28 =	sadd.s32 $0xC20, s10;
	s26 =	sor.u32 $0x2000, s11  }
0x173: {  	[hbm4b:s28+s3] =	stream.linear.scatter [tilespmem:s26], [sflag:$0x1], $0x80, $0x38;
	[tilespmem:$0x8400] =	vst v63  }
0x174: {  	s30 =	sadd.s32 $0xCA0, s10;
	s29 =	sor.u32 $0x2400, s11  }
0x175: {  	[hbm4b:s30+s3] =	stream.linear.scatter [tilespmem:s29], [sflag:$0x1], $0x80, $0x38;
	[tilespmem:$0x8400] =	vst v63  }
0x176: {  	s31 =	sor.u32 $0x2800, s11;
	s0 =	sadd.s32 $0xD20, s10  }
0x177: {  	[hbm4b:s0+s3] =	stream.linear.scatter [tilespmem:s31], [sflag:$0x1], $0x80, $0x38;
	[tilespmem:$0x8400] =	vst v63  }
0x178: {  	s1 =	sor.u32 $0x2C00, s11;
	s2 =	sadd.s32 $0xDA0, s10  }
0x179: {  	[hbm4b:s2+s3] =	stream.linear.scatter [tilespmem:s1], [sflag:$0x1], $0x80, $0x38;
	[tilespmem:$0x8400] =	vst v63  }
0x17a: {  	s14 =	sor.u32 $0x3000, s11;
	s15 =	sadd.s32 $0xE20, s10  }
0x17b: {  	[hbm4b:s15+s3] =	stream.linear.scatter [tilespmem:s14], [sflag:$0x1], $0x80, $0x38;
	[tilespmem:$0x8400] =	vst v63  }
0x17c: {  	s16 =	sor.u32 $0x3400, s11;
	s17 =	sadd.s32 $0xEA0, s10;
	s18 =	sor.u32 $0x3800, s11  }
0x17d: {  	[hbm4b:s17+s3] =	stream.linear.scatter [tilespmem:s16], [sflag:$0x1], $0x80, $0x38;
	[tilespmem:$0x8400] =	vst v63  }
0x17e: {  	s19 =	sadd.s32 $0xF20, s10;
	s11 =	sor.u32 $0x3C00, s11;
	s20 =	spop (v2sf)  }
0x17f: {  	[hbm4b:s19+s3] =	stream.linear.scatter [tilespmem:s18], [sflag:$0x1], $0x80, $0x38;
	[tilespmem:$0x8400] =	vst v63  }
0x180: {  	s21 =	sadd.s32 $0xFA0, s10;
	s12 =	sshll.u32 s20, $0x7;
	s22 =	sshll.u32 s20, $0xB  }
0x181: {  	[hbm4b:s21+s3] =	stream.linear.scatter [tilespmem:s11], [sflag:$0x1], $0x80, $0x38;
	[tilespmem:$0x8400] =	vst v63  }
0x182: {  	s12 =	sand.u32 $0x380, s12;
	s11 =	sand.u32 $0xFFFFC000, s22  }
0x183: {  	s23 =	sadd.s32 $0x830, s10;
	s11 =	sor.u32 s12, s11  }
0x184: {  	[hbm4b:s23+s3] =	stream.linear.scatter [tilespmem:s11], [sflag:$0x1], $0x80, $0x38;
	[tilespmem:$0x8400] =	vst v63  }
0x185: {  	s25 =	sadd.s32 $0x8B0, s10;
	s24 =	sor.u32 $0x400, s11  }
0x186: {  	[hbm4b:s25+s3] =	stream.linear.scatter [tilespmem:s24], [sflag:$0x1], $0x80, $0x38;
	[tilespmem:$0x8400] =	vst v63  }
0x187: {  	s28 =	sadd.s32 $0x930, s10;
	s26 =	sor.u32 $0x800, s11  }
0x188: {  	[hbm4b:s28+s3] =	stream.linear.scatter [tilespmem:s26], [sflag:$0x1], $0x80, $0x38;
	[tilespmem:$0x8400] =	vst v63  }
0x189: {  	s30 =	sadd.s32 $0x9B0, s10;
	s29 =	sor.u32 $0xC00, s11  }
0x18a: {  	[hbm4b:s30+s3] =	stream.linear.scatter [tilespmem:s29], [sflag:$0x1], $0x80, $0x38;
	[tilespmem:$0x8400] =	vst v63  }
0x18b: {  	s0 =	sadd.s32 $0xA30, s10;
	s31 =	sor.u32 $0x1000, s11  }
0x18c: {  	[hbm4b:s0+s3] =	stream.linear.scatter [tilespmem:s31], [sflag:$0x1], $0x80, $0x38;
	[tilespmem:$0x8400] =	vst v63  }
0x18d: {  	s2 =	sadd.s32 $0xAB0, s10;
	s1 =	sor.u32 $0x1400, s11  }
0x18e: {  	[hbm4b:s2+s3] =	stream.linear.scatter [tilespmem:s1], [sflag:$0x1], $0x80, $0x38;
	[tilespmem:$0x8400] =	vst v63  }
0x18f: {  	s15 =	sadd.s32 $0xB30, s10;
	s14 =	sor.u32 $0x1800, s11  }
0x190: {  	(v2sf) =	vpush v0, $0xC;
	[hbm4b:s15+s3] =	stream.linear.scatter [tilespmem:s14], [sflag:$0x1], $0x80, $0x38;
	[tilespmem:$0x8400] =	vst v63  }
0x191: {  	s17 =	sadd.s32 $0xBB0, s10;
	s16 =	sor.u32 $0x1C00, s11  }
0x192: {  	[hbm4b:s17+s3] =	stream.linear.scatter [tilespmem:s16], [sflag:$0x1], $0x80, $0x38;
	[tilespmem:$0x8400] =	vst v63  }
0x193: {  	s19 =	sadd.s32 $0xC30, s10;
	s18 =	sor.u32 $0x2000, s11  }
0x194: {  	[hbm4b:s19+s3] =	stream.linear.scatter [tilespmem:s18], [sflag:$0x1], $0x80, $0x38;
	[tilespmem:$0x8400] =	vst v63  }
0x195: {  	s21 =	sadd.s32 $0xCB0, s10;
	s20 =	sor.u32 $0x2400, s11  }
0x196: {  	[hbm4b:s21+s3] =	stream.linear.scatter [tilespmem:s20], [sflag:$0x1], $0x80, $0x38;
	[tilespmem:$0x8400] =	vst v63  }
0x197: {  	s22 =	sor.u32 $0x2800, s11;
	s23 =	sadd.s32 $0xD30, s10  }
0x198: {  	[hbm4b:s23+s3] =	stream.linear.scatter [tilespmem:s22], [sflag:$0x1], $0x80, $0x38;
	[tilespmem:$0x8400] =	vst v63  }
0x199: {  	s24 =	sor.u32 $0x2C00, s11;
	s25 =	sadd.s32 $0xDB0, s10  }
0x19a: {  	[hbm4b:s25+s3] =	stream.linear.scatter [tilespmem:s24], [sflag:$0x1], $0x80, $0x38;
	[tilespmem:$0x8400] =	vst v63  }
0x19b: {  	s26 =	sor.u32 $0x3000, s11;
	s28 =	sadd.s32 $0xE30, s10  }
0x19c: {  	[hbm4b:s28+s3] =	stream.linear.scatter [tilespmem:s26], [sflag:$0x1], $0x80, $0x38;
	[tilespmem:$0x8400] =	vst v63  }
0x19d: {  	s29 =	sor.u32 $0x3400, s11;
	s30 =	sadd.s32 $0xEB0, s10;
	s31 =	sor.u32 $0x3800, s11  }
0x19e: {  	[hbm4b:s30+s3] =	stream.linear.scatter [tilespmem:s29], [sflag:$0x1], $0x80, $0x38;
	[tilespmem:$0x8400] =	vst v63  }
0x19f: {  	s0 =	sadd.s32 $0xF30, s10;
	s11 =	sor.u32 $0x3C00, s11;
	s1 =	spop (v2sf)  }
0x1a0: {  	[hbm4b:s0+s3] =	stream.linear.scatter [tilespmem:s31], [sflag:$0x1], $0x80, $0x38;
	[tilespmem:$0x8400] =	vst v63  }
0x1a1: {  	s2 =	sadd.s32 $0xFB0, s10;
	s13 =	sshll.u32 s1, $0xB;
	s12 =	sshll.u32 s1, $0x7  }
0x1a2: {  	[hbm4b:s2+s3] =	stream.linear.scatter [tilespmem:s11], [sflag:$0x1], $0x80, $0x38;
	[tilespmem:$0x8400] =	vst v63  }
0x1a3: {  	s12 =	sand.u32 $0x380, s12;
	s11 =	sand.u32 $0xFFFFC000, s13  }
0x1a4: {  	s14 =	sadd.s32 $0x840, s10;
	s11 =	sor.u32 s12, s11  }
0x1a5: {  	[hbm4b:s14+s3] =	stream.linear.scatter [tilespmem:s11], [sflag:$0x1], $0x80, $0x38;
	[tilespmem:$0x8400] =	vst v63  }
0x1a6: {  	s15 =	sadd.s32 $0x8C0, s10;
	s12 =	sor.u32 $0x400, s11  }
0x1a7: {  	[hbm4b:s15+s3] =	stream.linear.scatter [tilespmem:s12], [sflag:$0x1], $0x80, $0x38;
	[tilespmem:$0x8400] =	vst v63  }
0x1a8: {  	s17 =	sadd.s32 $0x940, s10;
	s16 =	sor.u32 $0x800, s11  }
0x1a9: {  	[hbm4b:s17+s3] =	stream.linear.scatter [tilespmem:s16], [sflag:$0x1], $0x80, $0x38;
	[tilespmem:$0x8400] =	vst v63  }
0x1aa: {  	s19 =	sadd.s32 $0x9C0, s10;
	s18 =	sor.u32 $0xC00, s11  }
0x1ab: {  	[hbm4b:s19+s3] =	stream.linear.scatter [tilespmem:s18], [sflag:$0x1], $0x80, $0x38;
	[tilespmem:$0x8400] =	vst v63  }
0x1ac: {  	s21 =	sadd.s32 $0xA40, s10;
	s20 =	sor.u32 $0x1000, s11  }
0x1ad: {  	[hbm4b:s21+s3] =	stream.linear.scatter [tilespmem:s20], [sflag:$0x1], $0x80, $0x38;
	[tilespmem:$0x8400] =	vst v63  }
0x1ae: {  	s23 =	sadd.s32 $0xAC0, s10;
	s22 =	sor.u32 $0x1400, s11  }
0x1af: {  	[hbm4b:s23+s3] =	stream.linear.scatter [tilespmem:s22], [sflag:$0x1], $0x80, $0x38;
	[tilespmem:$0x8400] =	vst v63  }
0x1b0: {  	s25 =	sadd.s32 $0xB40, s10;
	s24 =	sor.u32 $0x1800, s11  }
0x1b1: {  	(v2sf) =	vpush v0, $0xD;
	[hbm4b:s25+s3] =	stream.linear.scatter [tilespmem:s24], [sflag:$0x1], $0x80, $0x38;
	[tilespmem:$0x8400] =	vst v63  }
0x1b2: {  	s28 =	sadd.s32 $0xBC0, s10;
	s26 =	sor.u32 $0x1C00, s11  }
0x1b3: {  	[hbm4b:s28+s3] =	stream.linear.scatter [tilespmem:s26], [sflag:$0x1], $0x80, $0x38;
	[tilespmem:$0x8400] =	vst v63  }
0x1b4: {  	s30 =	sadd.s32 $0xC40, s10;
	s29 =	sor.u32 $0x2000, s11  }
0x1b5: {  	[hbm4b:s30+s3] =	stream.linear.scatter [tilespmem:s29], [sflag:$0x1], $0x80, $0x38;
	[tilespmem:$0x8400] =	vst v63  }
0x1b6: {  	s0 =	sadd.s32 $0xCC0, s10;
	s31 =	sor.u32 $0x2400, s11  }
0x1b7: {  	[hbm4b:s0+s3] =	stream.linear.scatter [tilespmem:s31], [sflag:$0x1], $0x80, $0x38;
	[tilespmem:$0x8400] =	vst v63  }
0x1b8: {  	s2 =	sadd.s32 $0xD40, s10;
	s1 =	sor.u32 $0x2800, s11  }
0x1b9: {  	[hbm4b:s2+s3] =	stream.linear.scatter [tilespmem:s1], [sflag:$0x1], $0x80, $0x38;
	[tilespmem:$0x8400] =	vst v63  }
0x1ba: {  	s13 =	sor.u32 $0x2C00, s11;
	s14 =	sadd.s32 $0xDC0, s10  }
0x1bb: {  	[hbm4b:s14+s3] =	stream.linear.scatter [tilespmem:s13], [sflag:$0x1], $0x80, $0x38;
	[tilespmem:$0x8400] =	vst v63  }
0x1bc: {  	s15 =	sor.u32 $0x3000, s11;
	s16 =	sadd.s32 $0xE40, s10  }
0x1bd: {  	[hbm4b:s16+s3] =	stream.linear.scatter [tilespmem:s15], [sflag:$0x1], $0x80, $0x38;
	[tilespmem:$0x8400] =	vst v63  }
0x1be: {  	s17 =	sor.u32 $0x3400, s11;
	s18 =	sadd.s32 $0xEC0, s10;
	s19 =	sor.u32 $0x3800, s11  }
0x1bf: {  	[hbm4b:s18+s3] =	stream.linear.scatter [tilespmem:s17], [sflag:$0x1], $0x80, $0x38;
	[tilespmem:$0x8400] =	vst v63  }
0x1c0: {  	s11 =	sor.u32 $0x3C00, s11;
	s20 =	sadd.s32 $0xF40, s10;
	s21 =	spop (v2sf)  }
0x1c1: {  	[hbm4b:s20+s3] =	stream.linear.scatter [tilespmem:s19], [sflag:$0x1], $0x80, $0x38;
	[tilespmem:$0x8400] =	vst v63  }
0x1c2: {  	s12 =	sshll.u32 s21, $0x7;
	s22 =	sadd.s32 $0xFC0, s10;
	s23 =	sshll.u32 s21, $0xB  }
0x1c3: {  	[hbm4b:s22+s3] =	stream.linear.scatter [tilespmem:s11], [sflag:$0x1], $0x80, $0x38;
	[tilespmem:$0x8400] =	vst v63  }
0x1c4: {  	s12 =	sand.u32 $0x380, s12;
	s11 =	sand.u32 $0xFFFFC000, s23  }
0x1c5: {  	s24 =	sadd.s32 $0x850, s10;
	s11 =	sor.u32 s12, s11  }
0x1c6: {  	[hbm4b:s24+s3] =	stream.linear.scatter [tilespmem:s11], [sflag:$0x1], $0x80, $0x38;
	[tilespmem:$0x8400] =	vst v63  }
0x1c7: {  	s25 =	sadd.s32 $0x8D0, s10;
	s12 =	sor.u32 $0x400, s11  }
0x1c8: {  	[hbm4b:s25+s3] =	stream.linear.scatter [tilespmem:s12], [sflag:$0x1], $0x80, $0x38;
	[tilespmem:$0x8400] =	vst v63  }
0x1c9: {  	s28 =	sadd.s32 $0x950, s10;
	s26 =	sor.u32 $0x800, s11  }
0x1ca: {  	[hbm4b:s28+s3] =	stream.linear.scatter [tilespmem:s26], [sflag:$0x1], $0x80, $0x38;
	[tilespmem:$0x8400] =	vst v63  }
0x1cb: {  	s30 =	sadd.s32 $0x9D0, s10;
	s29 =	sor.u32 $0xC00, s11  }
0x1cc: {  	[hbm4b:s30+s3] =	stream.linear.scatter [tilespmem:s29], [sflag:$0x1], $0x80, $0x38;
	[tilespmem:$0x8400] =	vst v63  }
0x1cd: {  	s0 =	sadd.s32 $0xA50, s10;
	s31 =	sor.u32 $0x1000, s11  }
0x1ce: {  	[hbm4b:s0+s3] =	stream.linear.scatter [tilespmem:s31], [sflag:$0x1], $0x80, $0x38;
	[tilespmem:$0x8400] =	vst v63  }
0x1cf: {  	s2 =	sadd.s32 $0xAD0, s10;
	s1 =	sor.u32 $0x1400, s11  }
0x1d0: {  	[hbm4b:s2+s3] =	stream.linear.scatter [tilespmem:s1], [sflag:$0x1], $0x80, $0x38;
	[tilespmem:$0x8400] =	vst v63  }
0x1d1: {  	s15 =	sadd.s32 $0xB50, s10;
	s14 =	sor.u32 $0x1800, s11  }
0x1d2: {  	(v2sf) =	vpush v0, $0xE;
	[hbm4b:s15+s3] =	stream.linear.scatter [tilespmem:s14], [sflag:$0x1], $0x80, $0x38;
	[tilespmem:$0x8400] =	vst v63  }
0x1d3: {  	s17 =	sadd.s32 $0xBD0, s10;
	s16 =	sor.u32 $0x1C00, s11  }
0x1d4: {  	[hbm4b:s17+s3] =	stream.linear.scatter [tilespmem:s16], [sflag:$0x1], $0x80, $0x38;
	[tilespmem:$0x8400] =	vst v63  }
0x1d5: {  	s19 =	sadd.s32 $0xC50, s10;
	s18 =	sor.u32 $0x2000, s11  }
0x1d6: {  	[hbm4b:s19+s3] =	stream.linear.scatter [tilespmem:s18], [sflag:$0x1], $0x80, $0x38;
	[tilespmem:$0x8400] =	vst v63  }
0x1d7: {  	s21 =	sadd.s32 $0xCD0, s10;
	s20 =	sor.u32 $0x2400, s11  }
0x1d8: {  	[hbm4b:s21+s3] =	stream.linear.scatter [tilespmem:s20], [sflag:$0x1], $0x80, $0x38;
	[tilespmem:$0x8400] =	vst v63  }
0x1d9: {  	s23 =	sadd.s32 $0xD50, s10;
	s22 =	sor.u32 $0x2800, s11  }
0x1da: {  	[hbm4b:s23+s3] =	stream.linear.scatter [tilespmem:s22], [sflag:$0x1], $0x80, $0x38;
	[tilespmem:$0x8400] =	vst v63  }
0x1db: {  	s24 =	sor.u32 $0x2C00, s11;
	s25 =	sadd.s32 $0xDD0, s10  }
0x1dc: {  	[hbm4b:s25+s3] =	stream.linear.scatter [tilespmem:s24], [sflag:$0x1], $0x80, $0x38;
	[tilespmem:$0x8400] =	vst v63  }
0x1dd: {  	s26 =	sor.u32 $0x3000, s11;
	s28 =	sadd.s32 $0xE50, s10  }
0x1de: {  	[hbm4b:s28+s3] =	stream.linear.scatter [tilespmem:s26], [sflag:$0x1], $0x80, $0x38;
	[tilespmem:$0x8400] =	vst v63  }
0x1df: {  	s29 =	sor.u32 $0x3400, s11;
	s30 =	sadd.s32 $0xED0, s10;
	s31 =	sor.u32 $0x3800, s11  }
0x1e0: {  	[hbm4b:s30+s3] =	stream.linear.scatter [tilespmem:s29], [sflag:$0x1], $0x80, $0x38;
	[tilespmem:$0x8400] =	vst v63  }
0x1e1: {  	s0 =	sadd.s32 $0xF50, s10;
	s11 =	sor.u32 $0x3C00, s11;
	s1 =	spop (v2sf)  }
0x1e2: {  	[hbm4b:s0+s3] =	stream.linear.scatter [tilespmem:s31], [sflag:$0x1], $0x80, $0x38;
	[tilespmem:$0x8400] =	vst v63  }
0x1e3: {  	s2 =	sadd.s32 $0xFD0, s10;
	s13 =	sshll.u32 s1, $0xB;
	s12 =	sshll.u32 s1, $0x7  }
0x1e4: {  	[hbm4b:s2+s3] =	stream.linear.scatter [tilespmem:s11], [sflag:$0x1], $0x80, $0x38;
	[tilespmem:$0x8400] =	vst v63  }
0x1e5: {  	s12 =	sand.u32 $0x380, s12;
	s11 =	sand.u32 $0xFFFFC000, s13  }
0x1e6: {  	s14 =	sadd.s32 $0x860, s10;
	s11 =	sor.u32 s12, s11  }
0x1e7: {  	[hbm4b:s14+s3] =	stream.linear.scatter [tilespmem:s11], [sflag:$0x1], $0x80, $0x38;
	[tilespmem:$0x8400] =	vst v63  }
0x1e8: {  	s15 =	sadd.s32 $0x8E0, s10;
	s12 =	sor.u32 $0x400, s11  }
0x1e9: {  	[hbm4b:s15+s3] =	stream.linear.scatter [tilespmem:s12], [sflag:$0x1], $0x80, $0x38;
	[tilespmem:$0x8400] =	vst v63  }
0x1ea: {  	s17 =	sadd.s32 $0x960, s10;
	s16 =	sor.u32 $0x800, s11  }
0x1eb: {  	[hbm4b:s17+s3] =	stream.linear.scatter [tilespmem:s16], [sflag:$0x1], $0x80, $0x38;
	[tilespmem:$0x8400] =	vst v63  }
0x1ec: {  	s19 =	sadd.s32 $0x9E0, s10;
	s18 =	sor.u32 $0xC00, s11  }
0x1ed: {  	[hbm4b:s19+s3] =	stream.linear.scatter [tilespmem:s18], [sflag:$0x1], $0x80, $0x38;
	[tilespmem:$0x8400] =	vst v63  }
0x1ee: {  	s21 =	sadd.s32 $0xA60, s10;
	s20 =	sor.u32 $0x1000, s11  }
0x1ef: {  	[hbm4b:s21+s3] =	stream.linear.scatter [tilespmem:s20], [sflag:$0x1], $0x80, $0x38;
	[tilespmem:$0x8400] =	vst v63  }
0x1f0: {  	s23 =	sadd.s32 $0xAE0, s10;
	s22 =	sor.u32 $0x1400, s11  }
0x1f1: {  	[hbm4b:s23+s3] =	stream.linear.scatter [tilespmem:s22], [sflag:$0x1], $0x80, $0x38;
	[tilespmem:$0x8400] =	vst v63  }
0x1f2: {  	s25 =	sadd.s32 $0xB60, s10;
	s24 =	sor.u32 $0x1800, s11  }
0x1f3: {  	(v2sf) =	vpush v0, $0xF;
	[hbm4b:s25+s3] =	stream.linear.scatter [tilespmem:s24], [sflag:$0x1], $0x80, $0x38;
	[tilespmem:$0x8400] =	vst v63  }
0x1f4: {  	s28 =	sadd.s32 $0xBE0, s10;
	s26 =	sor.u32 $0x1C00, s11  }
0x1f5: {  	[hbm4b:s28+s3] =	stream.linear.scatter [tilespmem:s26], [sflag:$0x1], $0x80, $0x38;
	[tilespmem:$0x8400] =	vst v63  }
0x1f6: {  	s30 =	sadd.s32 $0xC60, s10;
	s29 =	sor.u32 $0x2000, s11  }
0x1f7: {  	[hbm4b:s30+s3] =	stream.linear.scatter [tilespmem:s29], [sflag:$0x1], $0x80, $0x38;
	[tilespmem:$0x8400] =	vst v63  }
0x1f8: {  	s0 =	sadd.s32 $0xCE0, s10;
	s31 =	sor.u32 $0x2400, s11  }
0x1f9: {  	[hbm4b:s0+s3] =	stream.linear.scatter [tilespmem:s31], [sflag:$0x1], $0x80, $0x38;
	[tilespmem:$0x8400] =	vst v63  }
0x1fa: {  	s2 =	sadd.s32 $0xD60, s10;
	s1 =	sor.u32 $0x2800, s11  }
0x1fb: {  	[hbm4b:s2+s3] =	stream.linear.scatter [tilespmem:s1], [sflag:$0x1], $0x80, $0x38;
	[tilespmem:$0x8400] =	vst v63  }
0x1fc: {  	s13 =	sor.u32 $0x2C00, s11;
	s14 =	sadd.s32 $0xDE0, s10  }
0x1fd: {  	[hbm4b:s14+s3] =	stream.linear.scatter [tilespmem:s13], [sflag:$0x1], $0x80, $0x38;
	[tilespmem:$0x8400] =	vst v63  }
0x1fe: {  	s15 =	sor.u32 $0x3000, s11;
	s16 =	sadd.s32 $0xE60, s10  }
0x1ff: {  	[hbm4b:s16+s3] =	stream.linear.scatter [tilespmem:s15], [sflag:$0x1], $0x80, $0x38;
	[tilespmem:$0x8400] =	vst v63  }
0x200: {  	s17 =	sor.u32 $0x3400, s11;
	s18 =	sadd.s32 $0xEE0, s10;
	s19 =	sor.u32 $0x3800, s11  }
0x201: {  	[hbm4b:s18+s3] =	stream.linear.scatter [tilespmem:s17], [sflag:$0x1], $0x80, $0x38;
	[tilespmem:$0x8400] =	vst v63  }
0x202: {  	s11 =	sor.u32 $0x3C00, s11;
	s20 =	sadd.s32 $0xF60, s10;
	s21 =	spop (v2sf)  }
0x203: {  	[hbm4b:s20+s3] =	stream.linear.scatter [tilespmem:s19], [sflag:$0x1], $0x80, $0x38;
	[tilespmem:$0x8400] =	vst v63  }
0x204: {  	s12 =	sshll.u32 s21, $0x7;
	s22 =	sadd.s32 $0xFE0, s10;
	s23 =	sshll.u32 s21, $0xB  }
0x205: {  	[hbm4b:s22+s3] =	stream.linear.scatter [tilespmem:s11], [sflag:$0x1], $0x80, $0x38;
	[tilespmem:$0x8400] =	vst v63  }
0x206: {  	s12 =	sand.u32 $0x380, s12;
	s11 =	sand.u32 $0xFFFFC000, s23  }
0x207: {  	s24 =	sadd.s32 $0x870, s10;
	s11 =	sor.u32 s12, s11  }
0x208: {  	[hbm4b:s24+s3] =	stream.linear.scatter [tilespmem:s11], [sflag:$0x1], $0x80, $0x38;
	[tilespmem:$0x8400] =	vst v63  }
0x209: {  	s25 =	sadd.s32 $0x8F0, s10;
	s12 =	sor.u32 $0x400, s11  }
0x20a: {  	[hbm4b:s25+s3] =	stream.linear.scatter [tilespmem:s12], [sflag:$0x1], $0x80, $0x38;
	[tilespmem:$0x8400] =	vst v63  }
0x20b: {  	s28 =	sadd.s32 $0x970, s10;
	s26 =	sor.u32 $0x800, s11  }
0x20c: {  	[hbm4b:s28+s3] =	stream.linear.scatter [tilespmem:s26], [sflag:$0x1], $0x80, $0x38;
	[tilespmem:$0x8400] =	vst v63  }
0x20d: {  	s30 =	sadd.s32 $0x9F0, s10;
	s29 =	sor.u32 $0xC00, s11  }
0x20e: {  	[hbm4b:s30+s3] =	stream.linear.scatter [tilespmem:s29], [sflag:$0x1], $0x80, $0x38;
	[tilespmem:$0x8400] =	vst v63  }
0x20f: {  	s0 =	sadd.s32 $0xA70, s10;
	s31 =	sor.u32 $0x1000, s11  }
0x210: {  	[hbm4b:s0+s3] =	stream.linear.scatter [tilespmem:s31], [sflag:$0x1], $0x80, $0x38;
	[tilespmem:$0x8400] =	vst v63  }
0x211: {  	s2 =	sadd.s32 $0xAF0, s10;
	s1 =	sor.u32 $0x1400, s11  }
0x212: {  	[hbm4b:s2+s3] =	stream.linear.scatter [tilespmem:s1], [sflag:$0x1], $0x80, $0x38;
	[tilespmem:$0x8400] =	vst v63  }
0x213: {  	s14 =	sadd.s32 $0xB70, s10;
	s13 =	sor.u32 $0x1800, s11  }
0x214: {  	[hbm4b:s14+s3] =	stream.linear.scatter [tilespmem:s13], [sflag:$0x1], $0x80, $0x38;
	[tilespmem:$0x8400] =	vst v63  }
0x215: {  	s16 =	sadd.s32 $0xBF0, s10;
	s15 =	sor.u32 $0x1C00, s11  }
0x216: {  	[hbm4b:s16+s3] =	stream.linear.scatter [tilespmem:s15], [sflag:$0x1], $0x80, $0x38;
	[tilespmem:$0x8400] =	vst v63  }
0x217: {  	s18 =	sadd.s32 $0xC70, s10;
	s17 =	sor.u32 $0x2000, s11  }
0x218: {  	[hbm4b:s18+s3] =	stream.linear.scatter [tilespmem:s17], [sflag:$0x1], $0x80, $0x38;
	[tilespmem:$0x8400] =	vst v63  }
0x219: {  	s20 =	sadd.s32 $0xCF0, s10;
	s19 =	sor.u32 $0x2400, s11  }
0x21a: {  	[hbm4b:s20+s3] =	stream.linear.scatter [tilespmem:s19], [sflag:$0x1], $0x80, $0x38;
	[tilespmem:$0x8400] =	vst v63  }
0x21b: {  	s22 =	sadd.s32 $0xD70, s10;
	s21 =	sor.u32 $0x2800, s11  }
0x21c: {  	[hbm4b:s22+s3] =	stream.linear.scatter [tilespmem:s21], [sflag:$0x1], $0x80, $0x38;
	[tilespmem:$0x8400] =	vst v63  }
0x21d: {  	s23 =	sor.u32 $0x2C00, s11;
	s24 =	sadd.s32 $0xDF0, s10  }
0x21e: {  	[hbm4b:s24+s3] =	stream.linear.scatter [tilespmem:s23], [sflag:$0x1], $0x80, $0x38;
	[tilespmem:$0x8400] =	vst v63  }
0x21f: {  	s25 =	sor.u32 $0x3000, s11;
	s26 =	sadd.s32 $0xE70, s10  }
0x220: {  	[hbm4b:s26+s3] =	stream.linear.scatter [tilespmem:s25], [sflag:$0x1], $0x80, $0x38;
	[tilespmem:$0x8400] =	vst v63  }
0x221: {  	s28 =	sor.u32 $0x3400, s11;
	s29 =	sadd.s32 $0xEF0, s10  }
0x222: {  	[hbm4b:s29+s3] =	stream.linear.scatter [tilespmem:s28], [sflag:$0x1], $0x80, $0x38;
	[tilespmem:$0x8400] =	vst v63  }
0x223: {  	s30 =	sor.u32 $0x3800, s11;
	s31 =	sadd.s32 $0xF70, s10  }
0x224: {  	[hbm4b:s31+s3] =	stream.linear.scatter [tilespmem:s30], [sflag:$0x1], $0x80, $0x38;
	[tilespmem:$0x8400] =	vst v63  }
0x225: {  	s11 =	sor.u32 $0x3C00, s11;
	s10 =	sadd.s32 $0xFF0, s10  }
0x226: {  	[hbm4b:s10+s3] =	stream.linear.scatter [tilespmem:s11], [sflag:$0x1], $0x80, $0x38;
	[tilespmem:$0x8400] =	vst v63  }
0x227: {  	_ =	swait.ge [sflag:s7], $0x800  }
0x228: {  	[sflag:s7] =	ssyncset.done $0x0  }
0x229: {  	[sflag:s7] =	ssyncadd.s32 $0xFFFFF800  }
0x22a: {  	_ =	swait.ge [sflag:s7], $0x800  }
0x22b: {  	[sflag:s7] =	ssyncset.done $0x0  }
0x22c: {  	[sflag:s7] =	ssyncadd.s32 $0xFFFFF800  }
0x22d: {  	_ =	swait.ge [sflag:s7], $0x800  }
0x22e: {  	[sflag:s7] =	ssyncset.done $0x0  }
0x22f: {  	[sflag:s7] =	ssyncadd.s32 $0xFFFFF800  }
0x230: {  	_ =	swait.ge [sflag:s7], $0x800  }
0x231: {  	[sflag:s7] =	ssyncset.done $0x0  }
0x232: {  	[sflag:s7] =	ssyncadd.s32 $0xFFFFF800  }
0x233: {  	_ =	swait.ge [sflag:s7], $0x800  }
0x234: {  	[sflag:s7] =	ssyncset.done $0x0  }
0x235: {  	[sflag:s7] =	ssyncadd.s32 $0xFFFFF800  }
0x236: {  	_ =	swait.ge [sflag:s7], $0x800  }
0x237: {  	[sflag:s7] =	ssyncset.done $0x0  }
0x238: {  	[sflag:s7] =	ssyncadd.s32 $0xFFFFF800  }
0x239: {  	_ =	swait.ge [sflag:s7], $0x800  }
0x23a: {  	[sflag:s7] =	ssyncset.done $0x0  }
0x23b: {  	[sflag:s7] =	ssyncadd.s32 $0xFFFFF800  }
0x23c: {  	_ =	swait.ge [sflag:s7], $0x800  }
0x23d: {  	[sflag:s7] =	ssyncset.done $0x0  }
0x23e: {  	[sflag:s7] =	ssyncadd.s32 $0xFFFFF800  }
0x23f: {  	_ =	swait.ge [sflag:s7], $0x800  }
0x240: {  	[sflag:s7] =	ssyncset.done $0x0  }
0x241: {  	[sflag:s7] =	ssyncadd.s32 $0xFFFFF800  }
0x242: {  	_ =	swait.ge [sflag:s7], $0x800  }
0x243: {  	[sflag:s7] =	ssyncset.done $0x0  }
0x244: {  	[sflag:s7] =	ssyncadd.s32 $0xFFFFF800  }
0x245: {  	_ =	swait.ge [sflag:s7], $0x800  }
0x246: {  	[sflag:s7] =	ssyncset.done $0x0  }
0x247: {  	[sflag:s7] =	ssyncadd.s32 $0xFFFFF800  }
0x248: {  	_ =	swait.ge [sflag:s7], $0x800  }
0x249: {  	[sflag:s7] =	ssyncset.done $0x0  }
0x24a: {  	[sflag:s7] =	ssyncadd.s32 $0xFFFFF800  }
0x24b: {  	_ =	swait.ge [sflag:s7], $0x800  }
0x24c: {  	[sflag:s7] =	ssyncset.done $0x0  }
0x24d: {  	[sflag:s7] =	ssyncadd.s32 $0xFFFFF800  }
0x24e: {  	_ =	swait.ge [sflag:s7], $0x800  }
0x24f: {  	[sflag:s7] =	ssyncset.done $0x0  }
0x250: {  	[sflag:s7] =	ssyncadd.s32 $0xFFFFF800  }
0x251: {  	_ =	swait.ge [sflag:s7], $0x800  }
0x252: {  	[sflag:s7] =	ssyncset.done $0x0  }
0x253: {  	[sflag:s7] =	ssyncadd.s32 $0xFFFFF800  }
0x254: {  	_ =	swait.ge [sflag:s7], $0x800  }
0x255: {  	s10 =	simm.s32 $0x1000;
	[sflag:s7] =	ssyncset.done $0x0  }
.LBB2_2:
0x256: {  	[sflag:s7] =	ssyncadd.s32 $0xFFFFF800;
	s9 =	sadd.s32 $0x10, s9  }
0x257: {  	v0 =	vld [tilespmem:s9+$0x0];
	_ =	sdelay $0x4  }
0x258: {  	(v2sf) =	vpush v0, $0x0;
	_ =	sdelay $0x4  }
0x259: {  	(v2sf) =	vpush v0, $0x1;
	_ =	sdelay $0x9  }
0x25a: {  	s11 =	smov.u32 s10;
	s13 =	spop (v2sf)  }
0x25b: {  	s12 =	rddreg [dreg:$0x4];
	s14 =	sshll.u32 s13, $0xB;
	s13 =	sshll.u32 s13, $0x7  }
0x25c: {  	s11 =	sadd.s32 s11, s12;
	s14 =	sand.u32 $0xFFFFC000, s14;
	s13 =	sand.u32 $0x380, s13  }
0x25d: {  	s31 =	sadd.s32 $0x80, s11;
	s1 =	sadd.s32 $0x100, s11;
	s12 =	sor.u32 s13, s14  }
0x25e: {  	[hbm4b:s11+s3] =	stream.linear.scatter [tilespmem:s12], [sflag:$0x1], $0x80, $0x38;
	[tilespmem:$0x8400] =	vst v63  }
0x25f: {  	s17 =	sadd.s32 $0x180, s11;
	s15 =	spop (v2sf);
	s14 =	sor.u32 $0x400, s12  }
0x260: {  	(v2sf) =	vpush v0, $0x2;
	[hbm4b:s31+s3] =	stream.linear.scatter [tilespmem:s14], [sflag:$0x1], $0x80, $0x38;
	[tilespmem:$0x8400] =	vst v63  }
0x261: {  	s16 =	sshll.u32 s15, $0xB;
	s30 =	sshll.u32 s15, $0x7;
	s0 =	sor.u32 $0x800, s12  }
0x262: {  	[hbm4b:s1+s3] =	stream.linear.scatter [tilespmem:s0], [sflag:$0x1], $0x80, $0x38;
	[tilespmem:$0x8400] =	vst v63  }
0x263: {  	s16 =	sand.u32 $0xFFFFC000, s16;
	s13 =	sand.u32 $0x380, s30;
	s2 =	sor.u32 $0xC00, s12  }
0x264: {  	[hbm4b:s17+s3] =	stream.linear.scatter [tilespmem:s2], [sflag:$0x1], $0x80, $0x38;
	[tilespmem:$0x8400] =	vst v63  }
0x265: {  	s15 =	sor.u32 $0x1000, s12;
	s14 =	sor.u32 s13, s16;
	s16 =	sadd.s32 $0x200, s11  }
0x266: {  	[hbm4b:s16+s3] =	stream.linear.scatter [tilespmem:s15], [sflag:$0x1], $0x80, $0x38;
	[tilespmem:$0x8400] =	vst v63  }
0x267: {  	s19 =	sadd.s32 $0x280, s11;
	s18 =	sor.u32 $0x1400, s12  }
0x268: {  	[hbm4b:s19+s3] =	stream.linear.scatter [tilespmem:s18], [sflag:$0x1], $0x80, $0x38;
	[tilespmem:$0x8400] =	vst v63  }
0x269: {  	s22 =	sadd.s32 $0x300, s11;
	s21 =	sor.u32 $0x1800, s12  }
0x26a: {  	(v2sf) =	vpush v0, $0x3;
	[hbm4b:s22+s3] =	stream.linear.scatter [tilespmem:s21], [sflag:$0x1], $0x80, $0x38;
	[tilespmem:$0x8400] =	vst v63  }
0x26b: {  	s24 =	sadd.s32 $0x380, s11;
	s23 =	sor.u32 $0x1C00, s12  }
0x26c: {  	[hbm4b:s24+s3] =	stream.linear.scatter [tilespmem:s23], [sflag:$0x1], $0x80, $0x38;
	[tilespmem:$0x8400] =	vst v63  }
0x26d: {  	s26 =	sadd.s32 $0x400, s11;
	s30 =	sadd.s32 $0x500, s11;
	s25 =	sor.u32 $0x2000, s12  }
0x26e: {  	[hbm4b:s26+s3] =	stream.linear.scatter [tilespmem:s25], [sflag:$0x1], $0x80, $0x38;
	[tilespmem:$0x8400] =	vst v63  }
0x26f: {  	s28 =	sor.u32 $0x2400, s12;
	s17 =	spop (v2sf);
	s18 =	sadd.s32 $0x480, s11  }
0x270: {  	[hbm4b:s18+s3] =	stream.linear.scatter [tilespmem:s28], [sflag:$0x1], $0x80, $0x38;
	[tilespmem:$0x8400] =	vst v63  }
0x271: {  	s29 =	sor.u32 $0x2800, s12;
	s0 =	sor.u32 $0x2C00, s12;
	s20 =	sshll.u32 s17, $0xB  }
0x272: {  	[hbm4b:s30+s3] =	stream.linear.scatter [tilespmem:s29], [sflag:$0x1], $0x80, $0x38;
	[tilespmem:$0x8400] =	vst v63  }
0x273: {  	s1 =	sadd.s32 $0x580, s11;
	s16 =	sshll.u32 s17, $0x7;
	s17 =	sand.u32 $0xFFFFC000, s20  }
0x274: {  	(v2sf) =	vpush v0, $0x4;
	[hbm4b:s1+s3] =	stream.linear.scatter [tilespmem:s0], [sflag:$0x1], $0x80, $0x38;
	[tilespmem:$0x8400] =	vst v63  }
0x275: {  	s20 =	sadd.s32 $0x600, s11;
	s16 =	sand.u32 $0x380, s16;
	s19 =	sor.u32 $0x3000, s12  }
0x276: {  	[hbm4b:s20+s3] =	stream.linear.scatter [tilespmem:s19], [sflag:$0x1], $0x80, $0x38;
	[tilespmem:$0x8400] =	vst v63  }
0x277: {  	s13 =	sor.u32 s16, s17;
	s21 =	sor.u32 $0x3400, s12;
	s22 =	sadd.s32 $0x680, s11  }
0x278: {  	[hbm4b:s22+s3] =	stream.linear.scatter [tilespmem:s21], [sflag:$0x1], $0x80, $0x38;
	[tilespmem:$0x8400] =	vst v63  }
0x279: {  	s31 =	spop (v2sf);
	s23 =	sor.u32 $0x3800, s12;
	s24 =	sadd.s32 $0x700, s11  }
0x27a: {  	[hbm4b:s24+s3] =	stream.linear.scatter [tilespmem:s23], [sflag:$0x1], $0x80, $0x38;
	[tilespmem:$0x8400] =	vst v63  }
0x27b: {  	s2 =	sshll.u32 s31, $0xB;
	s25 =	sor.u32 $0x3C00, s12;
	s26 =	sadd.s32 $0x780, s11  }
0x27c: {  	[hbm4b:s26+s3] =	stream.linear.scatter [tilespmem:s25], [sflag:$0x1], $0x80, $0x38;
	[tilespmem:$0x8400] =	vst v63  }
0x27d: {  	s17 =	sshll.u32 s31, $0x7;
	s31 =	sadd.s32 $0x90, s11;
	s28 =	sadd.s32 $0x10, s11  }
0x27e: {  	[hbm4b:s28+s3] =	stream.linear.scatter [tilespmem:s14], [sflag:$0x1], $0x80, $0x38;
	[tilespmem:$0x8400] =	vst v63  }
0x27f: {  	s17 =	sand.u32 $0x380, s17;
	s18 =	sand.u32 $0xFFFFC000, s2;
	s30 =	sor.u32 $0x400, s14  }
0x280: {  	(v2sf) =	vpush v0, $0x5;
	[hbm4b:s31+s3] =	stream.linear.scatter [tilespmem:s30], [sflag:$0x1], $0x80, $0x38;
	[tilespmem:$0x8400] =	vst v63  }
0x281: {  	s2 =	sadd.s32 $0x110, s11;
	s12 =	sor.u32 s17, s18;
	s1 =	sor.u32 $0x800, s14  }
0x282: {  	[hbm4b:s2+s3] =	stream.linear.scatter [tilespmem:s1], [sflag:$0x1], $0x80, $0x38;
	[tilespmem:$0x8400] =	vst v63  }
0x283: {  	s29 =	spop (v2sf);
	s19 =	sor.u32 $0xC00, s14;
	s20 =	sadd.s32 $0x190, s11  }
0x284: {  	[hbm4b:s20+s3] =	stream.linear.scatter [tilespmem:s19], [sflag:$0x1], $0x80, $0x38;
	[tilespmem:$0x8400] =	vst v63  }
0x285: {  	s0 =	sshll.u32 s29, $0xB;
	s21 =	sor.u32 $0x1000, s14;
	s22 =	sadd.s32 $0x210, s11  }
0x286: {  	(v2sf) =	vpush v0, $0x6;
	[hbm4b:s22+s3] =	stream.linear.scatter [tilespmem:s21], [sflag:$0x1], $0x80, $0x38;
	[tilespmem:$0x8400] =	vst v63  }
0x287: {  	s16 =	sshll.u32 s29, $0x7;
	s23 =	sor.u32 $0x1400, s14;
	s24 =	sadd.s32 $0x290, s11  }
0x288: {  	[hbm4b:s24+s3] =	stream.linear.scatter [tilespmem:s23], [sflag:$0x1], $0x80, $0x38;
	[tilespmem:$0x8400] =	vst v63  }
0x289: {  	s16 =	sand.u32 $0x380, s16;
	s25 =	sor.u32 $0x1800, s14;
	s26 =	sadd.s32 $0x310, s11  }
0x28a: {  	[hbm4b:s26+s3] =	stream.linear.scatter [tilespmem:s25], [sflag:$0x1], $0x80, $0x38;
	[tilespmem:$0x8400] =	vst v63  }
0x28b: {  	s18 =	sand.u32 $0xFFFFC000, s0;
	s30 =	sor.u32 $0x1C00, s14;
	s31 =	sadd.s32 $0x390, s11  }
0x28c: {  	[hbm4b:s31+s3] =	stream.linear.scatter [tilespmem:s30], [sflag:$0x1], $0x80, $0x38;
	[tilespmem:$0x8400] =	vst v63  }
0x28d: {  	s29 =	sor.u32 s16, s18;
	s1 =	sor.u32 $0x2000, s14;
	s2 =	sadd.s32 $0x410, s11  }
0x28e: {  	[hbm4b:s2+s3] =	stream.linear.scatter [tilespmem:s1], [sflag:$0x1], $0x80, $0x38;
	[tilespmem:$0x8400] =	vst v63  }
0x28f: {  	s28 =	spop (v2sf);
	s19 =	sor.u32 $0x2400, s14;
	s20 =	sadd.s32 $0x490, s11  }
0x290: {  	[hbm4b:s20+s3] =	stream.linear.scatter [tilespmem:s19], [sflag:$0x1], $0x80, $0x38;
	[tilespmem:$0x8400] =	vst v63  }
0x291: {  	s0 =	sshll.u32 s28, $0xB;
	s21 =	sor.u32 $0x2800, s14;
	s22 =	sadd.s32 $0x510, s11  }
0x292: {  	(v2sf) =	vpush v0, $0x7;
	[hbm4b:s22+s3] =	stream.linear.scatter [tilespmem:s21], [sflag:$0x1], $0x80, $0x38;
	[tilespmem:$0x8400] =	vst v63  }
0x293: {  	s17 =	sshll.u32 s28, $0x7;
	s23 =	sor.u32 $0x2C00, s14;
	s24 =	sadd.s32 $0x590, s11  }
0x294: {  	[hbm4b:s24+s3] =	stream.linear.scatter [tilespmem:s23], [sflag:$0x1], $0x80, $0x38;
	[tilespmem:$0x8400] =	vst v63  }
0x295: {  	s28 =	sadd.s32 $0x610, s11;
	s25 =	spop (v2sf);
	s26 =	sor.u32 $0x3000, s14  }
0x296: {  	[hbm4b:s28+s3] =	stream.linear.scatter [tilespmem:s26], [sflag:$0x1], $0x80, $0x38;
	[tilespmem:$0x8400] =	vst v63  }
0x297: {  	s30 =	sand.u32 $0xFFFFC000, s0;
	s1 =	sor.u32 $0x3400, s14;
	s2 =	sadd.s32 $0x690, s11  }
0x298: {  	[hbm4b:s2+s3] =	stream.linear.scatter [tilespmem:s1], [sflag:$0x1], $0x80, $0x38;
	[tilespmem:$0x8400] =	vst v63  }
0x299: {  	s31 =	sand.u32 $0x380, s17;
	s19 =	sor.u32 $0x3800, s14;
	s20 =	sadd.s32 $0x710, s11  }
0x29a: {  	[hbm4b:s20+s3] =	stream.linear.scatter [tilespmem:s19], [sflag:$0x1], $0x80, $0x38;
	[tilespmem:$0x8400] =	vst v63  }
0x29b: {  	s0 =	sshll.u32 s25, $0xB;
	s14 =	sor.u32 $0x3C00, s14;
	s21 =	sadd.s32 $0x790, s11  }
0x29c: {  	(v2sf) =	vpush v0, $0x8;
	[hbm4b:s21+s3] =	stream.linear.scatter [tilespmem:s14], [sflag:$0x1], $0x80, $0x38;
	[tilespmem:$0x8400] =	vst v63  }
0x29d: {  	s17 =	sshll.u32 s25, $0x7;
	s18 =	sand.u32 $0xFFFFC000, s0;
	s23 =	sadd.s32 $0x20, s11  }
0x29e: {  	[hbm4b:s23+s3] =	stream.linear.scatter [tilespmem:s13], [sflag:$0x1], $0x80, $0x38;
	[tilespmem:$0x8400] =	vst v63  }
0x29f: {  	s22 =	sand.u32 $0x380, s17;
	s26 =	sor.u32 $0x400, s13;
	s28 =	sadd.s32 $0xA0, s11  }
0x2a0: {  	[hbm4b:s28+s3] =	stream.linear.scatter [tilespmem:s26], [sflag:$0x1], $0x80, $0x38;
	[tilespmem:$0x8400] =	vst v63  }
0x2a1: {  	s24 =	spop (v2sf);
	s1 =	sor.u32 $0x800, s13;
	s2 =	sadd.s32 $0x120, s11  }
0x2a2: {  	(v2sf) =	vpush v0, $0x9;
	[hbm4b:s2+s3] =	stream.linear.scatter [tilespmem:s1], [sflag:$0x1], $0x80, $0x38;
	[tilespmem:$0x8400] =	vst v63  }
0x2a3: {  	s15 =	sor.u32 $0xC00, s13;
	s16 =	sadd.s32 $0x1A0, s11;
	s25 =	sor.u32 s22, s18  }
0x2a4: {  	[hbm4b:s16+s3] =	stream.linear.scatter [tilespmem:s15], [sflag:$0x1], $0x80, $0x38;
	[tilespmem:$0x8400] =	vst v63  }
0x2a5: {  	s18 =	sor.u32 $0x1000, s13;
	s22 =	sadd.s32 $0x2A0, s11;
	s19 =	sadd.s32 $0x220, s11  }
0x2a6: {  	[hbm4b:s19+s3] =	stream.linear.scatter [tilespmem:s18], [sflag:$0x1], $0x80, $0x38;
	[tilespmem:$0x8400] =	vst v63  }
0x2a7: {  	s0 =	sshll.u32 s24, $0xB;
	s21 =	sor.u32 $0x1400, s13;
	s26 =	sshll.u32 s24, $0x7  }
0x2a8: {  	[hbm4b:s22+s3] =	stream.linear.scatter [tilespmem:s21], [sflag:$0x1], $0x80, $0x38;
	[tilespmem:$0x8400] =	vst v63  }
0x2a9: {  	s28 =	sand.u32 $0xFFFFC000, s0;
	s24 =	sor.u32 $0x1800, s13;
	s0 =	sadd.s32 $0x320, s11  }
0x2aa: {  	[hbm4b:s0+s3] =	stream.linear.scatter [tilespmem:s24], [sflag:$0x1], $0x80, $0x38;
	[tilespmem:$0x8400] =	vst v63  }
0x2ab: {  	s20 =	spop (v2sf);
	s1 =	sor.u32 $0x1C00, s13;
	s2 =	sadd.s32 $0x3A0, s11  }
0x2ac: {  	[hbm4b:s2+s3] =	stream.linear.scatter [tilespmem:s1], [sflag:$0x1], $0x80, $0x38;
	[tilespmem:$0x8400] =	vst v63  }
0x2ad: {  	s23 =	sshll.u32 s20, $0xB;
	s18 =	sor.u32 $0x2000, s13;
	s19 =	sadd.s32 $0x420, s11  }
0x2ae: {  	(v2sf) =	vpush v0, $0xA;
	[hbm4b:s19+s3] =	stream.linear.scatter [tilespmem:s18], [sflag:$0x1], $0x80, $0x38;
	[tilespmem:$0x8400] =	vst v63  }
0x2af: {  	s16 =	sshll.u32 s20, $0x7;
	s20 =	sor.u32 $0x2400, s13;
	s21 =	sadd.s32 $0x4A0, s11  }
0x2b0: {  	[hbm4b:s21+s3] =	stream.linear.scatter [tilespmem:s20], [sflag:$0x1], $0x80, $0x38;
	[tilespmem:$0x8400] =	vst v63  }
0x2b1: {  	s22 =	spop (v2sf);
	s0 =	sor.u32 $0x2800, s13;
	s1 =	sadd.s32 $0x520, s11  }
0x2b2: {  	[hbm4b:s1+s3] =	stream.linear.scatter [tilespmem:s0], [sflag:$0x1], $0x80, $0x38;
	[tilespmem:$0x8400] =	vst v63  }
0x2b3: {  	s24 =	sand.u32 $0x380, s16;
	s18 =	sor.u32 $0x2C00, s13;
	s19 =	sadd.s32 $0x5A0, s11  }
0x2b4: {  	(v2sf) =	vpush v0, $0xB;
	[hbm4b:s19+s3] =	stream.linear.scatter [tilespmem:s18], [sflag:$0x1], $0x80, $0x38;
	[tilespmem:$0x8400] =	vst v63  }
0x2b5: {  	s16 =	sshll.u32 s22, $0x7;
	s20 =	sor.u32 $0x3000, s13;
	s21 =	sadd.s32 $0x620, s11  }
0x2b6: {  	[hbm4b:s21+s3] =	stream.linear.scatter [tilespmem:s20], [sflag:$0x1], $0x80, $0x38;
	[tilespmem:$0x8400] =	vst v63  }
0x2b7: {  	s2 =	sshll.u32 s22, $0xB;
	s22 =	sor.u32 $0x3400, s13;
	s0 =	sadd.s32 $0x6A0, s11  }
0x2b8: {  	[hbm4b:s0+s3] =	stream.linear.scatter [tilespmem:s22], [sflag:$0x1], $0x80, $0x38;
	[tilespmem:$0x8400] =	vst v63  }
0x2b9: {  	s17 =	sand.u32 $0xFFFFC000, s2;
	s2 =	sadd.s32 $0x720, s11;
	s1 =	sor.u32 $0x3800, s13  }
0x2ba: {  	[hbm4b:s2+s3] =	stream.linear.scatter [tilespmem:s1], [sflag:$0x1], $0x80, $0x38;
	[tilespmem:$0x8400] =	vst v63  }
0x2bb: {  	s15 =	sadd.s32 $0x7A0, s11;
	s16 =	sand.u32 $0x380, s16;
	s13 =	sor.u32 $0x3C00, s13  }
0x2bc: {  	[hbm4b:s15+s3] =	stream.linear.scatter [tilespmem:s13], [sflag:$0x1], $0x80, $0x38;
	[tilespmem:$0x8400] =	vst v63  }
0x2bd: {  	s22 =	sor.u32 s16, s17;
	s16 =	spop (v2sf);
	s17 =	sadd.s32 $0x30, s11  }
0x2be: {  	[hbm4b:s17+s3] =	stream.linear.scatter [tilespmem:s12], [sflag:$0x1], $0x80, $0x38;
	[tilespmem:$0x8400] =	vst v63  }
0x2bf: {  	s19 =	sor.u32 $0x400, s12;
	s20 =	sadd.s32 $0xB0, s11;
	s18 =	sshll.u32 s16, $0xB  }
0x2c0: {  	[hbm4b:s20+s3] =	stream.linear.scatter [tilespmem:s19], [sflag:$0x1], $0x80, $0x38;
	[tilespmem:$0x8400] =	vst v63  }
0x2c1: {  	s21 =	sor.u32 $0x800, s12;
	s0 =	sadd.s32 $0x130, s11;
	s14 =	sand.u32 $0xFFFFC000, s18  }
0x2c2: {  	[hbm4b:s0+s3] =	stream.linear.scatter [tilespmem:s21], [sflag:$0x1], $0x80, $0x38;
	[tilespmem:$0x8400] =	vst v63  }
0x2c3: {  	s1 =	sor.u32 $0xC00, s12;
	s2 =	sadd.s32 $0x1B0, s11;
	s18 =	spop (v2sf)  }
0x2c4: {  	[hbm4b:s2+s3] =	stream.linear.scatter [tilespmem:s1], [sflag:$0x1], $0x80, $0x38;
	[tilespmem:$0x8400] =	vst v63  }
0x2c5: {  	s15 =	sshll.u32 s16, $0x7;
	s16 =	sor.u32 $0x1000, s12;
	s17 =	sadd.s32 $0x230, s11  }
0x2c6: {  	[hbm4b:s17+s3] =	stream.linear.scatter [tilespmem:s16], [sflag:$0x1], $0x80, $0x38;
	[tilespmem:$0x8400] =	vst v63  }
0x2c7: {  	s15 =	sand.u32 $0x380, s15;
	s19 =	sor.u32 $0x1400, s12;
	s20 =	sadd.s32 $0x2B0, s11  }
0x2c8: {  	(v2sf) =	vpush v0, $0xC;
	[hbm4b:s20+s3] =	stream.linear.scatter [tilespmem:s19], [sflag:$0x1], $0x80, $0x38;
	[tilespmem:$0x8400] =	vst v63  }
0x2c9: {  	s21 =	sor.u32 s15, s14;
	s1 =	sor.u32 $0x1800, s12;
	s2 =	sadd.s32 $0x330, s11  }
0x2ca: {  	[hbm4b:s2+s3] =	stream.linear.scatter [tilespmem:s1], [sflag:$0x1], $0x80, $0x38;
	[tilespmem:$0x8400] =	vst v63  }
0x2cb: {  	s0 =	sshll.u32 s18, $0xB;
	s14 =	sor.u32 $0x1C00, s12;
	s17 =	sadd.s32 $0x3B0, s11  }
0x2cc: {  	[hbm4b:s17+s3] =	stream.linear.scatter [tilespmem:s14], [sflag:$0x1], $0x80, $0x38;
	[tilespmem:$0x8400] =	vst v63  }
0x2cd: {  	s15 =	sshll.u32 s18, $0x7;
	s18 =	sor.u32 $0x2000, s12;
	s19 =	sadd.s32 $0x430, s11  }
0x2ce: {  	(v2sf) =	vpush v0, $0xD;
	[hbm4b:s19+s3] =	stream.linear.scatter [tilespmem:s18], [sflag:$0x1], $0x80, $0x38;
	[tilespmem:$0x8400] =	vst v63  }
0x2cf: {  	s16 =	sand.u32 $0xFFFFC000, s0;
	s0 =	sadd.s32 $0x4B0, s11;
	s20 =	sor.u32 $0x2400, s12  }
0x2d0: {  	(v2sf) =	vpush v0, $0xE;
	[hbm4b:s0+s3] =	stream.linear.scatter [tilespmem:s20], [sflag:$0x1], $0x80, $0x38;
	[tilespmem:$0x8400] =	vst v63  }
0x2d1: {  	s15 =	sand.u32 $0x380, s15;
	s1 =	sor.u32 $0x2800, s12;
	s2 =	sadd.s32 $0x530, s11  }
0x2d2: {  	[hbm4b:s2+s3] =	stream.linear.scatter [tilespmem:s1], [sflag:$0x1], $0x80, $0x38;
	[tilespmem:$0x8400] =	vst v63  }
0x2d3: {  	s17 =	sadd.s32 $0x5B0, s11;
	s18 =	sor.u32 s15, s16;
	s16 =	sor.u32 $0x2C00, s12  }
0x2d4: {  	[hbm4b:s17+s3] =	stream.linear.scatter [tilespmem:s16], [sflag:$0x1], $0x80, $0x38;
	[tilespmem:$0x8400] =	vst v63  }
0x2d5: {  	s14 =	sor.u32 $0x400, s29;
	s20 =	sor.u32 $0x3000, s12;
	s0 =	sadd.s32 $0x630, s11  }
0x2d6: {  	[hbm4b:s0+s3] =	stream.linear.scatter [tilespmem:s20], [sflag:$0x1], $0x80, $0x38;
	[tilespmem:$0x8400] =	vst v63  }
0x2d7: {  	s15 =	spop (v2sf);
	s1 =	sor.u32 $0x3400, s12;
	s2 =	sadd.s32 $0x6B0, s11  }
0x2d8: {  	[hbm4b:s2+s3] =	stream.linear.scatter [tilespmem:s1], [sflag:$0x1], $0x80, $0x38;
	[tilespmem:$0x8400] =	vst v63  }
0x2d9: {  	s19 =	sshll.u32 s15, $0xB;
	s16 =	sor.u32 $0x3800, s12;
	s17 =	sadd.s32 $0x730, s11  }
0x2da: {  	[hbm4b:s17+s3] =	stream.linear.scatter [tilespmem:s16], [sflag:$0x1], $0x80, $0x38;
	[tilespmem:$0x8400] =	vst v63  }
0x2db: {  	s12 =	sor.u32 $0x3C00, s12;
	s20 =	sshll.u32 s15, $0x7;
	s1 =	sadd.s32 $0x7B0, s11  }
0x2dc: {  	[hbm4b:s1+s3] =	stream.linear.scatter [tilespmem:s12], [sflag:$0x1], $0x80, $0x38;
	[tilespmem:$0x8400] =	vst v63  }
0x2dd: {  	s0 =	spop (v2sf);
	s15 =	sadd.s32 $0xC0, s11;
	s2 =	sadd.s32 $0x40, s11  }
0x2de: {  	[hbm4b:s2+s3] =	stream.linear.scatter [tilespmem:s29], [sflag:$0x1], $0x80, $0x38;
	[tilespmem:$0x8400] =	vst v63  }
0x2df: {  	s13 =	spop (v2sf);
	s16 =	sshll.u32 s0, $0xB;
	s17 =	sshll.u32 s0, $0x7  }
0x2e0: {  	[hbm4b:s15+s3] =	stream.linear.scatter [tilespmem:s14], [sflag:$0x1], $0x80, $0x38;
	[tilespmem:$0x8400] =	vst v63  }
0x2e1: {  	s0 =	sshll.u32 s13, $0xB;
	s1 =	sor.u32 $0x800, s29;
	s2 =	sadd.s32 $0x140, s11  }
0x2e2: {  	[hbm4b:s2+s3] =	stream.linear.scatter [tilespmem:s1], [sflag:$0x1], $0x80, $0x38;
	[tilespmem:$0x8400] =	vst v63  }
0x2e3: {  	s12 =	sor.u32 $0xC00, s29;
	s14 =	sshll.u32 s13, $0x7;
	s13 =	sadd.s32 $0x1C0, s11  }
0x2e4: {  	[hbm4b:s13+s3] =	stream.linear.scatter [tilespmem:s12], [sflag:$0x1], $0x80, $0x38;
	[tilespmem:$0x8400] =	vst v63  }
0x2e5: {  	s15 =	sand.u32 $0xFFFFC000, s0;
	s0 =	sor.u32 $0x1000, s29;
	s1 =	sadd.s32 $0x240, s11  }
0x2e6: {  	[hbm4b:s1+s3] =	stream.linear.scatter [tilespmem:s0], [sflag:$0x1], $0x80, $0x38;
	[tilespmem:$0x8400] =	vst v63  }
0x2e7: {  	s12 =	sor.u32 $0x1400, s29;
	s1 =	sadd.s32 $0x2C0, s11  }
0x2e8: {  	[hbm4b:s1+s3] =	stream.linear.scatter [tilespmem:s12], [sflag:$0x1], $0x80, $0x38;
	[tilespmem:$0x8400] =	vst v63  }
0x2e9: {  	s12 =	sor.u32 $0x1800, s29;
	s1 =	sadd.s32 $0x340, s11  }
0x2ea: {  	[hbm4b:s1+s3] =	stream.linear.scatter [tilespmem:s12], [sflag:$0x1], $0x80, $0x38;
	[tilespmem:$0x8400] =	vst v63  }
0x2eb: {  	s2 =	sor.u32 $0x1C00, s29;
	s1 =	sadd.s32 $0x3C0, s11  }
0x2ec: {  	[hbm4b:s1+s3] =	stream.linear.scatter [tilespmem:s2], [sflag:$0x1], $0x80, $0x38;
	[tilespmem:$0x8400] =	vst v63  }
0x2ed: {  	s1 =	sor.u32 $0x2000, s29;
	s2 =	sadd.s32 $0x440, s11  }
0x2ee: {  	[hbm4b:s2+s3] =	stream.linear.scatter [tilespmem:s1], [sflag:$0x1], $0x80, $0x38;
	[tilespmem:$0x8400] =	vst v63  }
0x2ef: {  	s1 =	sor.u32 $0x2400, s29;
	s2 =	sadd.s32 $0x4C0, s11  }
0x2f0: {  	[hbm4b:s2+s3] =	stream.linear.scatter [tilespmem:s1], [sflag:$0x1], $0x80, $0x38;
	[tilespmem:$0x8400] =	vst v63  }
0x2f1: {  	s1 =	sor.u32 $0x2800, s29;
	s2 =	sadd.s32 $0x540, s11  }
0x2f2: {  	[hbm4b:s2+s3] =	stream.linear.scatter [tilespmem:s1], [sflag:$0x1], $0x80, $0x38;
	[tilespmem:$0x8400] =	vst v63  }
0x2f3: {  	s1 =	sor.u32 $0x2C00, s29;
	s2 =	sadd.s32 $0x5C0, s11  }
0x2f4: {  	[hbm4b:s2+s3] =	stream.linear.scatter [tilespmem:s1], [sflag:$0x1], $0x80, $0x38;
	[tilespmem:$0x8400] =	vst v63  }
0x2f5: {  	s1 =	sor.u32 $0x3000, s29;
	s2 =	sadd.s32 $0x640, s11  }
0x2f6: {  	[hbm4b:s2+s3] =	stream.linear.scatter [tilespmem:s1], [sflag:$0x1], $0x80, $0x38;
	[tilespmem:$0x8400] =	vst v63  }
0x2f7: {  	s1 =	sor.u32 $0x3400, s29;
	s2 =	sadd.s32 $0x6C0, s11  }
0x2f8: {  	[hbm4b:s2+s3] =	stream.linear.scatter [tilespmem:s1], [sflag:$0x1], $0x80, $0x38;
	[tilespmem:$0x8400] =	vst v63  }
0x2f9: {  	s1 =	sor.u32 $0x3800, s29;
	s2 =	sadd.s32 $0x740, s11  }
0x2fa: {  	[hbm4b:s2+s3] =	stream.linear.scatter [tilespmem:s1], [sflag:$0x1], $0x80, $0x38;
	[tilespmem:$0x8400] =	vst v63  }
0x2fb: {  	s2 =	sor.u32 $0x3C00, s29;
	s29 =	sadd.s32 $0x7C0, s11  }
0x2fc: {  	[hbm4b:s29+s3] =	stream.linear.scatter [tilespmem:s2], [sflag:$0x1], $0x80, $0x38;
	[tilespmem:$0x8400] =	vst v63  }
0x2fd: {  	s2 =	sadd.s32 $0x50, s11;
	s29 =	sor.u32 s31, s30  }
0x2fe: {  	[hbm4b:s2+s3] =	stream.linear.scatter [tilespmem:s29], [sflag:$0x1], $0x80, $0x38;
	[tilespmem:$0x8400] =	vst v63  }
0x2ff: {  	s31 =	sadd.s32 $0xD0, s11;
	s30 =	sor.u32 $0x400, s29  }
0x300: {  	[hbm4b:s31+s3] =	stream.linear.scatter [tilespmem:s30], [sflag:$0x1], $0x80, $0x38;
	[tilespmem:$0x8400] =	vst v63  }
0x301: {  	s1 =	sor.u32 $0x800, s29;
	s2 =	sadd.s32 $0x150, s11  }
0x302: {  	[hbm4b:s2+s3] =	stream.linear.scatter [tilespmem:s1], [sflag:$0x1], $0x80, $0x38;
	[tilespmem:$0x8400] =	vst v63  }
0x303: {  	s30 =	sor.u32 $0xC00, s29;
	s31 =	sadd.s32 $0x1D0, s11  }
0x304: {  	[hbm4b:s31+s3] =	stream.linear.scatter [tilespmem:s30], [sflag:$0x1], $0x80, $0x38;
	[tilespmem:$0x8400] =	vst v63  }
0x305: {  	s1 =	sor.u32 $0x1000, s29;
	s2 =	sadd.s32 $0x250, s11  }
0x306: {  	[hbm4b:s2+s3] =	stream.linear.scatter [tilespmem:s1], [sflag:$0x1], $0x80, $0x38;
	[tilespmem:$0x8400] =	vst v63  }
0x307: {  	s30 =	sor.u32 $0x1400, s29;
	s31 =	sadd.s32 $0x2D0, s11  }
0x308: {  	[hbm4b:s31+s3] =	stream.linear.scatter [tilespmem:s30], [sflag:$0x1], $0x80, $0x38;
	[tilespmem:$0x8400] =	vst v63  }
0x309: {  	s1 =	sor.u32 $0x1800, s29;
	s2 =	sadd.s32 $0x350, s11  }
0x30a: {  	[hbm4b:s2+s3] =	stream.linear.scatter [tilespmem:s1], [sflag:$0x1], $0x80, $0x38;
	[tilespmem:$0x8400] =	vst v63  }
0x30b: {  	s30 =	sor.u32 $0x1C00, s29;
	s31 =	sadd.s32 $0x3D0, s11  }
0x30c: {  	[hbm4b:s31+s3] =	stream.linear.scatter [tilespmem:s30], [sflag:$0x1], $0x80, $0x38;
	[tilespmem:$0x8400] =	vst v63  }
0x30d: {  	s1 =	sor.u32 $0x2000, s29;
	s2 =	sadd.s32 $0x450, s11  }
0x30e: {  	[hbm4b:s2+s3] =	stream.linear.scatter [tilespmem:s1], [sflag:$0x1], $0x80, $0x38;
	[tilespmem:$0x8400] =	vst v63  }
0x30f: {  	s30 =	sor.u32 $0x2400, s29;
	s31 =	sadd.s32 $0x4D0, s11  }
0x310: {  	[hbm4b:s31+s3] =	stream.linear.scatter [tilespmem:s30], [sflag:$0x1], $0x80, $0x38;
	[tilespmem:$0x8400] =	vst v63  }
0x311: {  	s1 =	sor.u32 $0x2800, s29;
	s2 =	sadd.s32 $0x550, s11  }
0x312: {  	[hbm4b:s2+s3] =	stream.linear.scatter [tilespmem:s1], [sflag:$0x1], $0x80, $0x38;
	[tilespmem:$0x8400] =	vst v63  }
0x313: {  	s30 =	sor.u32 $0x2C00, s29;
	s31 =	sadd.s32 $0x5D0, s11  }
0x314: {  	[hbm4b:s31+s3] =	stream.linear.scatter [tilespmem:s30], [sflag:$0x1], $0x80, $0x38;
	[tilespmem:$0x8400] =	vst v63  }
0x315: {  	s1 =	sor.u32 $0x3000, s29;
	s2 =	sadd.s32 $0x650, s11  }
0x316: {  	[hbm4b:s2+s3] =	stream.linear.scatter [tilespmem:s1], [sflag:$0x1], $0x80, $0x38;
	[tilespmem:$0x8400] =	vst v63  }
0x317: {  	s30 =	sor.u32 $0x3400, s29;
	s31 =	sadd.s32 $0x6D0, s11  }
0x318: {  	[hbm4b:s31+s3] =	stream.linear.scatter [tilespmem:s30], [sflag:$0x1], $0x80, $0x38;
	[tilespmem:$0x8400] =	vst v63  }
0x319: {  	s1 =	sor.u32 $0x3800, s29;
	s2 =	sadd.s32 $0x750, s11  }
0x31a: {  	[hbm4b:s2+s3] =	stream.linear.scatter [tilespmem:s1], [sflag:$0x1], $0x80, $0x38;
	[tilespmem:$0x8400] =	vst v63  }
0x31b: {  	s30 =	sor.u32 $0x3C00, s29;
	s31 =	sadd.s32 $0x7D0, s11  }
0x31c: {  	[hbm4b:s31+s3] =	stream.linear.scatter [tilespmem:s30], [sflag:$0x1], $0x80, $0x38;
	[tilespmem:$0x8400] =	vst v63  }
0x31d: {  	s1 =	sadd.s32 $0x60, s11  }
0x31e: {  	[hbm4b:s1+s3] =	stream.linear.scatter [tilespmem:s25], [sflag:$0x1], $0x80, $0x38;
	[tilespmem:$0x8400] =	vst v63  }
0x31f: {  	s29 =	sadd.s32 $0xE0, s11;
	s2 =	sor.u32 $0x400, s25  }
0x320: {  	[hbm4b:s29+s3] =	stream.linear.scatter [tilespmem:s2], [sflag:$0x1], $0x80, $0x38;
	[tilespmem:$0x8400] =	vst v63  }
0x321: {  	s30 =	sor.u32 $0x800, s25;
	s31 =	sadd.s32 $0x160, s11  }
0x322: {  	[hbm4b:s31+s3] =	stream.linear.scatter [tilespmem:s30], [sflag:$0x1], $0x80, $0x38;
	[tilespmem:$0x8400] =	vst v63  }
0x323: {  	s2 =	sor.u32 $0xC00, s25;
	s29 =	sadd.s32 $0x1E0, s11  }
0x324: {  	[hbm4b:s29+s3] =	stream.linear.scatter [tilespmem:s2], [sflag:$0x1], $0x80, $0x38;
	[tilespmem:$0x8400] =	vst v63  }
0x325: {  	s30 =	sor.u32 $0x1000, s25;
	s31 =	sadd.s32 $0x260, s11  }
0x326: {  	[hbm4b:s31+s3] =	stream.linear.scatter [tilespmem:s30], [sflag:$0x1], $0x80, $0x38;
	[tilespmem:$0x8400] =	vst v63  }
0x327: {  	s2 =	sor.u32 $0x1400, s25;
	s29 =	sadd.s32 $0x2E0, s11  }
0x328: {  	[hbm4b:s29+s3] =	stream.linear.scatter [tilespmem:s2], [sflag:$0x1], $0x80, $0x38;
	[tilespmem:$0x8400] =	vst v63  }
0x329: {  	s30 =	sor.u32 $0x1800, s25;
	s31 =	sadd.s32 $0x360, s11  }
0x32a: {  	[hbm4b:s31+s3] =	stream.linear.scatter [tilespmem:s30], [sflag:$0x1], $0x80, $0x38;
	[tilespmem:$0x8400] =	vst v63  }
0x32b: {  	s2 =	sor.u32 $0x1C00, s25;
	s29 =	sadd.s32 $0x3E0, s11  }
0x32c: {  	[hbm4b:s29+s3] =	stream.linear.scatter [tilespmem:s2], [sflag:$0x1], $0x80, $0x38;
	[tilespmem:$0x8400] =	vst v63  }
0x32d: {  	s30 =	sor.u32 $0x2000, s25;
	s31 =	sadd.s32 $0x460, s11  }
0x32e: {  	[hbm4b:s31+s3] =	stream.linear.scatter [tilespmem:s30], [sflag:$0x1], $0x80, $0x38;
	[tilespmem:$0x8400] =	vst v63  }
0x32f: {  	s2 =	sor.u32 $0x2400, s25;
	s29 =	sadd.s32 $0x4E0, s11  }
0x330: {  	[hbm4b:s29+s3] =	stream.linear.scatter [tilespmem:s2], [sflag:$0x1], $0x80, $0x38;
	[tilespmem:$0x8400] =	vst v63  }
0x331: {  	s30 =	sor.u32 $0x2800, s25;
	s31 =	sadd.s32 $0x560, s11  }
0x332: {  	[hbm4b:s31+s3] =	stream.linear.scatter [tilespmem:s30], [sflag:$0x1], $0x80, $0x38;
	[tilespmem:$0x8400] =	vst v63  }
0x333: {  	s2 =	sor.u32 $0x2C00, s25;
	s29 =	sadd.s32 $0x5E0, s11  }
0x334: {  	[hbm4b:s29+s3] =	stream.linear.scatter [tilespmem:s2], [sflag:$0x1], $0x80, $0x38;
	[tilespmem:$0x8400] =	vst v63  }
0x335: {  	s30 =	sor.u32 $0x3000, s25;
	s31 =	sadd.s32 $0x660, s11  }
0x336: {  	[hbm4b:s31+s3] =	stream.linear.scatter [tilespmem:s30], [sflag:$0x1], $0x80, $0x38;
	[tilespmem:$0x8400] =	vst v63  }
0x337: {  	s2 =	sor.u32 $0x3400, s25;
	s29 =	sadd.s32 $0x6E0, s11  }
0x338: {  	[hbm4b:s29+s3] =	stream.linear.scatter [tilespmem:s2], [sflag:$0x1], $0x80, $0x38;
	[tilespmem:$0x8400] =	vst v63  }
0x339: {  	s30 =	sor.u32 $0x3800, s25;
	s31 =	sadd.s32 $0x760, s11  }
0x33a: {  	[hbm4b:s31+s3] =	stream.linear.scatter [tilespmem:s30], [sflag:$0x1], $0x80, $0x38;
	[tilespmem:$0x8400] =	vst v63  }
0x33b: {  	s1 =	sor.u32 $0x3C00, s25;
	s25 =	sand.u32 $0x380, s26;
	s2 =	sadd.s32 $0x7E0, s11  }
0x33c: {  	[hbm4b:s2+s3] =	stream.linear.scatter [tilespmem:s1], [sflag:$0x1], $0x80, $0x38;
	[tilespmem:$0x8400] =	vst v63  }
0x33d: {  	s26 =	sadd.s32 $0x70, s11;
	s25 =	sor.u32 s25, s28  }
0x33e: {  	[hbm4b:s26+s3] =	stream.linear.scatter [tilespmem:s25], [sflag:$0x1], $0x80, $0x38;
	[tilespmem:$0x8400] =	vst v63  }
0x33f: {  	s28 =	sor.u32 $0x400, s25;
	s29 =	sadd.s32 $0xF0, s11  }
0x340: {  	[hbm4b:s29+s3] =	stream.linear.scatter [tilespmem:s28], [sflag:$0x1], $0x80, $0x38;
	[tilespmem:$0x8400] =	vst v63  }
0x341: {  	s30 =	sor.u32 $0x800, s25;
	s31 =	sadd.s32 $0x170, s11  }
0x342: {  	[hbm4b:s31+s3] =	stream.linear.scatter [tilespmem:s30], [sflag:$0x1], $0x80, $0x38;
	[tilespmem:$0x8400] =	vst v63  }
0x343: {  	s2 =	sor.u32 $0xC00, s25;
	s26 =	sadd.s32 $0x1F0, s11  }
0x344: {  	[hbm4b:s26+s3] =	stream.linear.scatter [tilespmem:s2], [sflag:$0x1], $0x80, $0x38;
	[tilespmem:$0x8400] =	vst v63  }
0x345: {  	s28 =	sor.u32 $0x1000, s25;
	s29 =	sadd.s32 $0x270, s11  }
0x346: {  	[hbm4b:s29+s3] =	stream.linear.scatter [tilespmem:s28], [sflag:$0x1], $0x80, $0x38;
	[tilespmem:$0x8400] =	vst v63  }
0x347: {  	s30 =	sor.u32 $0x1400, s25;
	s31 =	sadd.s32 $0x2F0, s11  }
0x348: {  	[hbm4b:s31+s3] =	stream.linear.scatter [tilespmem:s30], [sflag:$0x1], $0x80, $0x38;
	[tilespmem:$0x8400] =	vst v63  }
0x349: {  	s2 =	sor.u32 $0x1800, s25;
	s26 =	sadd.s32 $0x370, s11  }
0x34a: {  	[hbm4b:s26+s3] =	stream.linear.scatter [tilespmem:s2], [sflag:$0x1], $0x80, $0x38;
	[tilespmem:$0x8400] =	vst v63  }
0x34b: {  	s28 =	sor.u32 $0x1C00, s25;
	s29 =	sadd.s32 $0x3F0, s11  }
0x34c: {  	[hbm4b:s29+s3] =	stream.linear.scatter [tilespmem:s28], [sflag:$0x1], $0x80, $0x38;
	[tilespmem:$0x8400] =	vst v63  }
0x34d: {  	s30 =	sor.u32 $0x2000, s25;
	s31 =	sadd.s32 $0x470, s11  }
0x34e: {  	[hbm4b:s31+s3] =	stream.linear.scatter [tilespmem:s30], [sflag:$0x1], $0x80, $0x38;
	[tilespmem:$0x8400] =	vst v63  }
0x34f: {  	s2 =	sor.u32 $0x2400, s25;
	s26 =	sadd.s32 $0x4F0, s11  }
0x350: {  	[hbm4b:s26+s3] =	stream.linear.scatter [tilespmem:s2], [sflag:$0x1], $0x80, $0x38;
	[tilespmem:$0x8400] =	vst v63  }
0x351: {  	s28 =	sor.u32 $0x2800, s25;
	s29 =	sadd.s32 $0x570, s11  }
0x352: {  	[hbm4b:s29+s3] =	stream.linear.scatter [tilespmem:s28], [sflag:$0x1], $0x80, $0x38;
	[tilespmem:$0x8400] =	vst v63  }
0x353: {  	s30 =	sor.u32 $0x2C00, s25;
	s31 =	sadd.s32 $0x5F0, s11  }
0x354: {  	[hbm4b:s31+s3] =	stream.linear.scatter [tilespmem:s30], [sflag:$0x1], $0x80, $0x38;
	[tilespmem:$0x8400] =	vst v63  }
0x355: {  	s2 =	sor.u32 $0x3000, s25;
	s26 =	sadd.s32 $0x670, s11  }
0x356: {  	[hbm4b:s26+s3] =	stream.linear.scatter [tilespmem:s2], [sflag:$0x1], $0x80, $0x38;
	[tilespmem:$0x8400] =	vst v63  }
0x357: {  	s28 =	sor.u32 $0x3400, s25;
	s29 =	sadd.s32 $0x6F0, s11  }
0x358: {  	[hbm4b:s29+s3] =	stream.linear.scatter [tilespmem:s28], [sflag:$0x1], $0x80, $0x38;
	[tilespmem:$0x8400] =	vst v63  }
0x359: {  	s30 =	sor.u32 $0x3800, s25;
	s31 =	sadd.s32 $0x770, s11  }
0x35a: {  	[hbm4b:s31+s3] =	stream.linear.scatter [tilespmem:s30], [sflag:$0x1], $0x80, $0x38;
	[tilespmem:$0x8400] =	vst v63  }
0x35b: {  	s23 =	sand.u32 $0xFFFFC000, s23;
	s2 =	sor.u32 $0x3C00, s25;
	s25 =	sadd.s32 $0x7F0, s11  }
0x35c: {  	[hbm4b:s25+s3] =	stream.linear.scatter [tilespmem:s2], [sflag:$0x1], $0x80, $0x38;
	[tilespmem:$0x8400] =	vst v63  }
0x35d: {  	s23 =	sor.u32 s24, s23;
	s26 =	sadd.s32 $0x800, s11  }
0x35e: {  	[hbm4b:s26+s3] =	stream.linear.scatter [tilespmem:s23], [sflag:$0x1], $0x80, $0x38;
	[tilespmem:$0x8400] =	vst v63  }
0x35f: {  	s28 =	sor.u32 $0x400, s23;
	s29 =	sadd.s32 $0x880, s11  }
0x360: {  	[hbm4b:s29+s3] =	stream.linear.scatter [tilespmem:s28], [sflag:$0x1], $0x80, $0x38;
	[tilespmem:$0x8400] =	vst v63  }
0x361: {  	s30 =	sor.u32 $0x800, s23;
	s31 =	sadd.s32 $0x900, s11  }
0x362: {  	[hbm4b:s31+s3] =	stream.linear.scatter [tilespmem:s30], [sflag:$0x1], $0x80, $0x38;
	[tilespmem:$0x8400] =	vst v63  }
0x363: {  	s24 =	sadd.s32 $0x980, s11;
	s2 =	sor.u32 $0xC00, s23  }
0x364: {  	[hbm4b:s24+s3] =	stream.linear.scatter [tilespmem:s2], [sflag:$0x1], $0x80, $0x38;
	[tilespmem:$0x8400] =	vst v63  }
0x365: {  	s25 =	sor.u32 $0x1000, s23;
	s26 =	sadd.s32 $0xA00, s11  }
0x366: {  	[hbm4b:s26+s3] =	stream.linear.scatter [tilespmem:s25], [sflag:$0x1], $0x80, $0x38;
	[tilespmem:$0x8400] =	vst v63  }
0x367: {  	s28 =	sor.u32 $0x1400, s23;
	s29 =	sadd.s32 $0xA80, s11  }
0x368: {  	[hbm4b:s29+s3] =	stream.linear.scatter [tilespmem:s28], [sflag:$0x1], $0x80, $0x38;
	[tilespmem:$0x8400] =	vst v63  }
0x369: {  	s30 =	sor.u32 $0x1800, s23;
	s31 =	sadd.s32 $0xB00, s11  }
0x36a: {  	[hbm4b:s31+s3] =	stream.linear.scatter [tilespmem:s30], [sflag:$0x1], $0x80, $0x38;
	[tilespmem:$0x8400] =	vst v63  }
0x36b: {  	s2 =	sor.u32 $0x1C00, s23;
	s24 =	sadd.s32 $0xB80, s11  }
0x36c: {  	[hbm4b:s24+s3] =	stream.linear.scatter [tilespmem:s2], [sflag:$0x1], $0x80, $0x38;
	[tilespmem:$0x8400] =	vst v63  }
0x36d: {  	s25 =	sor.u32 $0x2000, s23;
	s26 =	sadd.s32 $0xC00, s11  }
0x36e: {  	[hbm4b:s26+s3] =	stream.linear.scatter [tilespmem:s25], [sflag:$0x1], $0x80, $0x38;
	[tilespmem:$0x8400] =	vst v63  }
0x36f: {  	s28 =	sor.u32 $0x2400, s23;
	s29 =	sadd.s32 $0xC80, s11  }
0x370: {  	[hbm4b:s29+s3] =	stream.linear.scatter [tilespmem:s28], [sflag:$0x1], $0x80, $0x38;
	[tilespmem:$0x8400] =	vst v63  }
0x371: {  	s30 =	sor.u32 $0x2800, s23;
	s31 =	sadd.s32 $0xD00, s11  }
0x372: {  	[hbm4b:s31+s3] =	stream.linear.scatter [tilespmem:s30], [sflag:$0x1], $0x80, $0x38;
	[tilespmem:$0x8400] =	vst v63  }
0x373: {  	s2 =	sor.u32 $0x2C00, s23;
	s24 =	sadd.s32 $0xD80, s11  }
0x374: {  	[hbm4b:s24+s3] =	stream.linear.scatter [tilespmem:s2], [sflag:$0x1], $0x80, $0x38;
	[tilespmem:$0x8400] =	vst v63  }
0x375: {  	s25 =	sor.u32 $0x3000, s23;
	s26 =	sadd.s32 $0xE00, s11  }
0x376: {  	[hbm4b:s26+s3] =	stream.linear.scatter [tilespmem:s25], [sflag:$0x1], $0x80, $0x38;
	[tilespmem:$0x8400] =	vst v63  }
0x377: {  	s28 =	sor.u32 $0x3400, s23;
	s29 =	sadd.s32 $0xE80, s11  }
0x378: {  	[hbm4b:s29+s3] =	stream.linear.scatter [tilespmem:s28], [sflag:$0x1], $0x80, $0x38;
	[tilespmem:$0x8400] =	vst v63  }
0x379: {  	s30 =	sor.u32 $0x3800, s23;
	s31 =	sadd.s32 $0xF00, s11  }
0x37a: {  	[hbm4b:s31+s3] =	stream.linear.scatter [tilespmem:s30], [sflag:$0x1], $0x80, $0x38;
	[tilespmem:$0x8400] =	vst v63  }
0x37b: {  	s2 =	sor.u32 $0x3C00, s23;
	s23 =	sadd.s32 $0xF80, s11  }
0x37c: {  	[hbm4b:s23+s3] =	stream.linear.scatter [tilespmem:s2], [sflag:$0x1], $0x80, $0x38;
	[tilespmem:$0x8400] =	vst v63  }
0x37d: {  	s24 =	sadd.s32 $0x810, s11  }
0x37e: {  	[hbm4b:s24+s3] =	stream.linear.scatter [tilespmem:s22], [sflag:$0x1], $0x80, $0x38;
	[tilespmem:$0x8400] =	vst v63  }
0x37f: {  	s25 =	sor.u32 $0x400, s22;
	s26 =	sadd.s32 $0x890, s11  }
0x380: {  	[hbm4b:s26+s3] =	stream.linear.scatter [tilespmem:s25], [sflag:$0x1], $0x80, $0x38;
	[tilespmem:$0x8400] =	vst v63  }
0x381: {  	s28 =	sor.u32 $0x800, s22;
	s29 =	sadd.s32 $0x910, s11  }
0x382: {  	[hbm4b:s29+s3] =	stream.linear.scatter [tilespmem:s28], [sflag:$0x1], $0x80, $0x38;
	[tilespmem:$0x8400] =	vst v63  }
0x383: {  	s30 =	sor.u32 $0xC00, s22;
	s31 =	sadd.s32 $0x990, s11  }
0x384: {  	[hbm4b:s31+s3] =	stream.linear.scatter [tilespmem:s30], [sflag:$0x1], $0x80, $0x38;
	[tilespmem:$0x8400] =	vst v63  }
0x385: {  	s1 =	sor.u32 $0x1000, s22;
	s2 =	sadd.s32 $0xA10, s11  }
0x386: {  	[hbm4b:s2+s3] =	stream.linear.scatter [tilespmem:s1], [sflag:$0x1], $0x80, $0x38;
	[tilespmem:$0x8400] =	vst v63  }
0x387: {  	s23 =	sor.u32 $0x1400, s22;
	s24 =	sadd.s32 $0xA90, s11  }
0x388: {  	[hbm4b:s24+s3] =	stream.linear.scatter [tilespmem:s23], [sflag:$0x1], $0x80, $0x38;
	[tilespmem:$0x8400] =	vst v63  }
0x389: {  	s25 =	sor.u32 $0x1800, s22;
	s26 =	sadd.s32 $0xB10, s11  }
0x38a: {  	[hbm4b:s26+s3] =	stream.linear.scatter [tilespmem:s25], [sflag:$0x1], $0x80, $0x38;
	[tilespmem:$0x8400] =	vst v63  }
0x38b: {  	s28 =	sor.u32 $0x1C00, s22;
	s29 =	sadd.s32 $0xB90, s11  }
0x38c: {  	[hbm4b:s29+s3] =	stream.linear.scatter [tilespmem:s28], [sflag:$0x1], $0x80, $0x38;
	[tilespmem:$0x8400] =	vst v63  }
0x38d: {  	s30 =	sor.u32 $0x2000, s22;
	s31 =	sadd.s32 $0xC10, s11  }
0x38e: {  	[hbm4b:s31+s3] =	stream.linear.scatter [tilespmem:s30], [sflag:$0x1], $0x80, $0x38;
	[tilespmem:$0x8400] =	vst v63  }
0x38f: {  	s1 =	sor.u32 $0x2400, s22;
	s2 =	sadd.s32 $0xC90, s11  }
0x390: {  	[hbm4b:s2+s3] =	stream.linear.scatter [tilespmem:s1], [sflag:$0x1], $0x80, $0x38;
	[tilespmem:$0x8400] =	vst v63  }
0x391: {  	s23 =	sor.u32 $0x2800, s22;
	s24 =	sadd.s32 $0xD10, s11  }
0x392: {  	[hbm4b:s24+s3] =	stream.linear.scatter [tilespmem:s23], [sflag:$0x1], $0x80, $0x38;
	[tilespmem:$0x8400] =	vst v63  }
0x393: {  	s25 =	sor.u32 $0x2C00, s22;
	s26 =	sadd.s32 $0xD90, s11  }
0x394: {  	[hbm4b:s26+s3] =	stream.linear.scatter [tilespmem:s25], [sflag:$0x1], $0x80, $0x38;
	[tilespmem:$0x8400] =	vst v63  }
0x395: {  	s28 =	sor.u32 $0x3000, s22;
	s29 =	sadd.s32 $0xE10, s11  }
0x396: {  	[hbm4b:s29+s3] =	stream.linear.scatter [tilespmem:s28], [sflag:$0x1], $0x80, $0x38;
	[tilespmem:$0x8400] =	vst v63  }
0x397: {  	s30 =	sor.u32 $0x3400, s22;
	s31 =	sadd.s32 $0xE90, s11  }
0x398: {  	[hbm4b:s31+s3] =	stream.linear.scatter [tilespmem:s30], [sflag:$0x1], $0x80, $0x38;
	[tilespmem:$0x8400] =	vst v63  }
0x399: {  	s2 =	sor.u32 $0x3800, s22;
	s23 =	sadd.s32 $0xF10, s11  }
0x39a: {  	[hbm4b:s23+s3] =	stream.linear.scatter [tilespmem:s2], [sflag:$0x1], $0x80, $0x38;
	[tilespmem:$0x8400] =	vst v63  }
0x39b: {  	s24 =	sor.u32 $0x3C00, s22;
	s25 =	sadd.s32 $0xF90, s11  }
0x39c: {  	[hbm4b:s25+s3] =	stream.linear.scatter [tilespmem:s24], [sflag:$0x1], $0x80, $0x38;
	[tilespmem:$0x8400] =	vst v63  }
0x39d: {  	s26 =	sadd.s32 $0x820, s11  }
0x39e: {  	[hbm4b:s26+s3] =	stream.linear.scatter [tilespmem:s21], [sflag:$0x1], $0x80, $0x38;
	[tilespmem:$0x8400] =	vst v63  }
0x39f: {  	s28 =	sor.u32 $0x400, s21;
	s29 =	sadd.s32 $0x8A0, s11  }
0x3a0: {  	[hbm4b:s29+s3] =	stream.linear.scatter [tilespmem:s28], [sflag:$0x1], $0x80, $0x38;
	[tilespmem:$0x8400] =	vst v63  }
0x3a1: {  	s30 =	sor.u32 $0x800, s21;
	s31 =	sadd.s32 $0x920, s11  }
0x3a2: {  	[hbm4b:s31+s3] =	stream.linear.scatter [tilespmem:s30], [sflag:$0x1], $0x80, $0x38;
	[tilespmem:$0x8400] =	vst v63  }
0x3a3: {  	s22 =	sadd.s32 $0x9A0, s11;
	s2 =	sor.u32 $0xC00, s21  }
0x3a4: {  	[hbm4b:s22+s3] =	stream.linear.scatter [tilespmem:s2], [sflag:$0x1], $0x80, $0x38;
	[tilespmem:$0x8400] =	vst v63  }
0x3a5: {  	s23 =	sor.u32 $0x1000, s21;
	s24 =	sadd.s32 $0xA20, s11  }
0x3a6: {  	[hbm4b:s24+s3] =	stream.linear.scatter [tilespmem:s23], [sflag:$0x1], $0x80, $0x38;
	[tilespmem:$0x8400] =	vst v63  }
0x3a7: {  	s25 =	sor.u32 $0x1400, s21;
	s26 =	sadd.s32 $0xAA0, s11  }
0x3a8: {  	[hbm4b:s26+s3] =	stream.linear.scatter [tilespmem:s25], [sflag:$0x1], $0x80, $0x38;
	[tilespmem:$0x8400] =	vst v63  }
0x3a9: {  	s28 =	sor.u32 $0x1800, s21;
	s29 =	sadd.s32 $0xB20, s11  }
0x3aa: {  	[hbm4b:s29+s3] =	stream.linear.scatter [tilespmem:s28], [sflag:$0x1], $0x80, $0x38;
	[tilespmem:$0x8400] =	vst v63  }
0x3ab: {  	s30 =	sor.u32 $0x1C00, s21;
	s31 =	sadd.s32 $0xBA0, s11  }
0x3ac: {  	[hbm4b:s31+s3] =	stream.linear.scatter [tilespmem:s30], [sflag:$0x1], $0x80, $0x38;
	[tilespmem:$0x8400] =	vst v63  }
0x3ad: {  	s2 =	sor.u32 $0x2000, s21;
	s22 =	sadd.s32 $0xC20, s11  }
0x3ae: {  	[hbm4b:s22+s3] =	stream.linear.scatter [tilespmem:s2], [sflag:$0x1], $0x80, $0x38;
	[tilespmem:$0x8400] =	vst v63  }
0x3af: {  	s23 =	sor.u32 $0x2400, s21;
	s24 =	sadd.s32 $0xCA0, s11  }
0x3b0: {  	[hbm4b:s24+s3] =	stream.linear.scatter [tilespmem:s23], [sflag:$0x1], $0x80, $0x38;
	[tilespmem:$0x8400] =	vst v63  }
0x3b1: {  	s25 =	sor.u32 $0x2800, s21;
	s26 =	sadd.s32 $0xD20, s11  }
0x3b2: {  	[hbm4b:s26+s3] =	stream.linear.scatter [tilespmem:s25], [sflag:$0x1], $0x80, $0x38;
	[tilespmem:$0x8400] =	vst v63  }
0x3b3: {  	s28 =	sor.u32 $0x2C00, s21;
	s29 =	sadd.s32 $0xDA0, s11  }
0x3b4: {  	[hbm4b:s29+s3] =	stream.linear.scatter [tilespmem:s28], [sflag:$0x1], $0x80, $0x38;
	[tilespmem:$0x8400] =	vst v63  }
0x3b5: {  	s30 =	sor.u32 $0x3000, s21;
	s31 =	sadd.s32 $0xE20, s11  }
0x3b6: {  	[hbm4b:s31+s3] =	stream.linear.scatter [tilespmem:s30], [sflag:$0x1], $0x80, $0x38;
	[tilespmem:$0x8400] =	vst v63  }
0x3b7: {  	s1 =	sor.u32 $0x3400, s21;
	s2 =	sadd.s32 $0xEA0, s11  }
0x3b8: {  	[hbm4b:s2+s3] =	stream.linear.scatter [tilespmem:s1], [sflag:$0x1], $0x80, $0x38;
	[tilespmem:$0x8400] =	vst v63  }
0x3b9: {  	s22 =	sor.u32 $0x3800, s21;
	s23 =	sadd.s32 $0xF20, s11  }
0x3ba: {  	[hbm4b:s23+s3] =	stream.linear.scatter [tilespmem:s22], [sflag:$0x1], $0x80, $0x38;
	[tilespmem:$0x8400] =	vst v63  }
0x3bb: {  	s24 =	sor.u32 $0x3C00, s21;
	s25 =	sadd.s32 $0xFA0, s11  }
0x3bc: {  	[hbm4b:s25+s3] =	stream.linear.scatter [tilespmem:s24], [sflag:$0x1], $0x80, $0x38;
	[tilespmem:$0x8400] =	vst v63  }
0x3bd: {  	s26 =	sadd.s32 $0x830, s11  }
0x3be: {  	[hbm4b:s26+s3] =	stream.linear.scatter [tilespmem:s18], [sflag:$0x1], $0x80, $0x38;
	[tilespmem:$0x8400] =	vst v63  }
0x3bf: {  	s28 =	sor.u32 $0x400, s18;
	s29 =	sadd.s32 $0x8B0, s11  }
0x3c0: {  	[hbm4b:s29+s3] =	stream.linear.scatter [tilespmem:s28], [sflag:$0x1], $0x80, $0x38;
	[tilespmem:$0x8400] =	vst v63  }
0x3c1: {  	s30 =	sor.u32 $0x800, s18;
	s31 =	sadd.s32 $0x930, s11  }
0x3c2: {  	[hbm4b:s31+s3] =	stream.linear.scatter [tilespmem:s30], [sflag:$0x1], $0x80, $0x38;
	[tilespmem:$0x8400] =	vst v63  }
0x3c3: {  	s1 =	sor.u32 $0xC00, s18;
	s2 =	sadd.s32 $0x9B0, s11  }
0x3c4: {  	[hbm4b:s2+s3] =	stream.linear.scatter [tilespmem:s1], [sflag:$0x1], $0x80, $0x38;
	[tilespmem:$0x8400] =	vst v63  }
0x3c5: {  	s21 =	sor.u32 $0x1000, s18;
	s22 =	sadd.s32 $0xA30, s11  }
0x3c6: {  	[hbm4b:s22+s3] =	stream.linear.scatter [tilespmem:s21], [sflag:$0x1], $0x80, $0x38;
	[tilespmem:$0x8400] =	vst v63  }
0x3c7: {  	s23 =	sor.u32 $0x1400, s18;
	s24 =	sadd.s32 $0xAB0, s11  }
0x3c8: {  	[hbm4b:s24+s3] =	stream.linear.scatter [tilespmem:s23], [sflag:$0x1], $0x80, $0x38;
	[tilespmem:$0x8400] =	vst v63  }
0x3c9: {  	s25 =	sor.u32 $0x1800, s18;
	s26 =	sadd.s32 $0xB30, s11  }
0x3ca: {  	[hbm4b:s26+s3] =	stream.linear.scatter [tilespmem:s25], [sflag:$0x1], $0x80, $0x38;
	[tilespmem:$0x8400] =	vst v63  }
0x3cb: {  	s28 =	sor.u32 $0x1C00, s18;
	s29 =	sadd.s32 $0xBB0, s11  }
0x3cc: {  	[hbm4b:s29+s3] =	stream.linear.scatter [tilespmem:s28], [sflag:$0x1], $0x80, $0x38;
	[tilespmem:$0x8400] =	vst v63  }
0x3cd: {  	s30 =	sor.u32 $0x2000, s18;
	s31 =	sadd.s32 $0xC30, s11  }
0x3ce: {  	[hbm4b:s31+s3] =	stream.linear.scatter [tilespmem:s30], [sflag:$0x1], $0x80, $0x38;
	[tilespmem:$0x8400] =	vst v63  }
0x3cf: {  	s1 =	sor.u32 $0x2400, s18;
	s2 =	sadd.s32 $0xCB0, s11  }
0x3d0: {  	[hbm4b:s2+s3] =	stream.linear.scatter [tilespmem:s1], [sflag:$0x1], $0x80, $0x38;
	[tilespmem:$0x8400] =	vst v63  }
0x3d1: {  	s21 =	sor.u32 $0x2800, s18;
	s22 =	sadd.s32 $0xD30, s11  }
0x3d2: {  	[hbm4b:s22+s3] =	stream.linear.scatter [tilespmem:s21], [sflag:$0x1], $0x80, $0x38;
	[tilespmem:$0x8400] =	vst v63  }
0x3d3: {  	s23 =	sor.u32 $0x2C00, s18;
	s24 =	sadd.s32 $0xDB0, s11  }
0x3d4: {  	[hbm4b:s24+s3] =	stream.linear.scatter [tilespmem:s23], [sflag:$0x1], $0x80, $0x38;
	[tilespmem:$0x8400] =	vst v63  }
0x3d5: {  	s25 =	sor.u32 $0x3000, s18;
	s26 =	sadd.s32 $0xE30, s11  }
0x3d6: {  	[hbm4b:s26+s3] =	stream.linear.scatter [tilespmem:s25], [sflag:$0x1], $0x80, $0x38;
	[tilespmem:$0x8400] =	vst v63  }
0x3d7: {  	s28 =	sor.u32 $0x3400, s18;
	s29 =	sadd.s32 $0xEB0, s11  }
0x3d8: {  	[hbm4b:s29+s3] =	stream.linear.scatter [tilespmem:s28], [sflag:$0x1], $0x80, $0x38;
	[tilespmem:$0x8400] =	vst v63  }
0x3d9: {  	s19 =	sand.u32 $0xFFFFC000, s19;
	s30 =	sor.u32 $0x3800, s18;
	s31 =	sadd.s32 $0xF30, s11  }
0x3da: {  	[hbm4b:s31+s3] =	stream.linear.scatter [tilespmem:s30], [sflag:$0x1], $0x80, $0x38;
	[tilespmem:$0x8400] =	vst v63  }
0x3db: {  	s1 =	sor.u32 $0x3C00, s18;
	s2 =	sadd.s32 $0xFB0, s11;
	s18 =	sand.u32 $0x380, s20  }
0x3dc: {  	[hbm4b:s2+s3] =	stream.linear.scatter [tilespmem:s1], [sflag:$0x1], $0x80, $0x38;
	[tilespmem:$0x8400] =	vst v63  }
0x3dd: {  	s20 =	sadd.s32 $0x840, s11;
	s18 =	sor.u32 s18, s19  }
0x3de: {  	[hbm4b:s20+s3] =	stream.linear.scatter [tilespmem:s18], [sflag:$0x1], $0x80, $0x38;
	[tilespmem:$0x8400] =	vst v63  }
0x3df: {  	s21 =	sor.u32 $0x400, s18;
	s22 =	sadd.s32 $0x8C0, s11  }
0x3e0: {  	[hbm4b:s22+s3] =	stream.linear.scatter [tilespmem:s21], [sflag:$0x1], $0x80, $0x38;
	[tilespmem:$0x8400] =	vst v63  }
0x3e1: {  	s23 =	sor.u32 $0x800, s18;
	s24 =	sadd.s32 $0x940, s11  }
0x3e2: {  	[hbm4b:s24+s3] =	stream.linear.scatter [tilespmem:s23], [sflag:$0x1], $0x80, $0x38;
	[tilespmem:$0x8400] =	vst v63  }
0x3e3: {  	s25 =	sor.u32 $0xC00, s18;
	s26 =	sadd.s32 $0x9C0, s11  }
0x3e4: {  	[hbm4b:s26+s3] =	stream.linear.scatter [tilespmem:s25], [sflag:$0x1], $0x80, $0x38;
	[tilespmem:$0x8400] =	vst v63  }
0x3e5: {  	s28 =	sor.u32 $0x1000, s18;
	s29 =	sadd.s32 $0xA40, s11  }
0x3e6: {  	[hbm4b:s29+s3] =	stream.linear.scatter [tilespmem:s28], [sflag:$0x1], $0x80, $0x38;
	[tilespmem:$0x8400] =	vst v63  }
0x3e7: {  	s30 =	sor.u32 $0x1400, s18;
	s31 =	sadd.s32 $0xAC0, s11  }
0x3e8: {  	[hbm4b:s31+s3] =	stream.linear.scatter [tilespmem:s30], [sflag:$0x1], $0x80, $0x38;
	[tilespmem:$0x8400] =	vst v63  }
0x3e9: {  	s1 =	sor.u32 $0x1800, s18;
	s2 =	sadd.s32 $0xB40, s11  }
0x3ea: {  	[hbm4b:s2+s3] =	stream.linear.scatter [tilespmem:s1], [sflag:$0x1], $0x80, $0x38;
	[tilespmem:$0x8400] =	vst v63  }
0x3eb: {  	s19 =	sor.u32 $0x1C00, s18;
	s20 =	sadd.s32 $0xBC0, s11  }
0x3ec: {  	[hbm4b:s20+s3] =	stream.linear.scatter [tilespmem:s19], [sflag:$0x1], $0x80, $0x38;
	[tilespmem:$0x8400] =	vst v63  }
0x3ed: {  	s21 =	sor.u32 $0x2000, s18;
	s22 =	sadd.s32 $0xC40, s11  }
0x3ee: {  	[hbm4b:s22+s3] =	stream.linear.scatter [tilespmem:s21], [sflag:$0x1], $0x80, $0x38;
	[tilespmem:$0x8400] =	vst v63  }
0x3ef: {  	s23 =	sor.u32 $0x2400, s18;
	s24 =	sadd.s32 $0xCC0, s11  }
0x3f0: {  	[hbm4b:s24+s3] =	stream.linear.scatter [tilespmem:s23], [sflag:$0x1], $0x80, $0x38;
	[tilespmem:$0x8400] =	vst v63  }
0x3f1: {  	s25 =	sor.u32 $0x2800, s18;
	s26 =	sadd.s32 $0xD40, s11  }
0x3f2: {  	[hbm4b:s26+s3] =	stream.linear.scatter [tilespmem:s25], [sflag:$0x1], $0x80, $0x38;
	[tilespmem:$0x8400] =	vst v63  }
0x3f3: {  	s28 =	sor.u32 $0x2C00, s18;
	s29 =	sadd.s32 $0xDC0, s11  }
0x3f4: {  	[hbm4b:s29+s3] =	stream.linear.scatter [tilespmem:s28], [sflag:$0x1], $0x80, $0x38;
	[tilespmem:$0x8400] =	vst v63  }
0x3f5: {  	s30 =	sor.u32 $0x3000, s18;
	s31 =	sadd.s32 $0xE40, s11  }
0x3f6: {  	[hbm4b:s31+s3] =	stream.linear.scatter [tilespmem:s30], [sflag:$0x1], $0x80, $0x38;
	[tilespmem:$0x8400] =	vst v63  }
0x3f7: {  	s1 =	sor.u32 $0x3400, s18;
	s2 =	sadd.s32 $0xEC0, s11  }
0x3f8: {  	[hbm4b:s2+s3] =	stream.linear.scatter [tilespmem:s1], [sflag:$0x1], $0x80, $0x38;
	[tilespmem:$0x8400] =	vst v63  }
0x3f9: {  	s16 =	sand.u32 $0xFFFFC000, s16;
	s19 =	sor.u32 $0x3800, s18;
	s20 =	sadd.s32 $0xF40, s11  }
0x3fa: {  	[hbm4b:s20+s3] =	stream.linear.scatter [tilespmem:s19], [sflag:$0x1], $0x80, $0x38;
	[tilespmem:$0x8400] =	vst v63  }
0x3fb: {  	s21 =	sand.u32 $0x380, s17;
	s22 =	sor.u32 $0x3C00, s18;
	s23 =	sadd.s32 $0xFC0, s11  }
0x3fc: {  	[hbm4b:s23+s3] =	stream.linear.scatter [tilespmem:s22], [sflag:$0x1], $0x80, $0x38;
	[tilespmem:$0x8400] =	vst v63  }
0x3fd: {  	s16 =	sor.u32 s21, s16;
	s24 =	sadd.s32 $0x850, s11  }
0x3fe: {  	[hbm4b:s24+s3] =	stream.linear.scatter [tilespmem:s16], [sflag:$0x1], $0x80, $0x38;
	[tilespmem:$0x8400] =	vst v63  }
0x3ff: {  	s25 =	sor.u32 $0x400, s16;
	s26 =	sadd.s32 $0x8D0, s11  }
0x400: {  	[hbm4b:s26+s3] =	stream.linear.scatter [tilespmem:s25], [sflag:$0x1], $0x80, $0x38;
	[tilespmem:$0x8400] =	vst v63  }
0x401: {  	s28 =	sor.u32 $0x800, s16;
	s29 =	sadd.s32 $0x950, s11  }
0x402: {  	[hbm4b:s29+s3] =	stream.linear.scatter [tilespmem:s28], [sflag:$0x1], $0x80, $0x38;
	[tilespmem:$0x8400] =	vst v63  }
0x403: {  	s30 =	sor.u32 $0xC00, s16;
	s31 =	sadd.s32 $0x9D0, s11  }
0x404: {  	[hbm4b:s31+s3] =	stream.linear.scatter [tilespmem:s30], [sflag:$0x1], $0x80, $0x38;
	[tilespmem:$0x8400] =	vst v63  }
0x405: {  	s1 =	sor.u32 $0x1000, s16;
	s2 =	sadd.s32 $0xA50, s11  }
0x406: {  	[hbm4b:s2+s3] =	stream.linear.scatter [tilespmem:s1], [sflag:$0x1], $0x80, $0x38;
	[tilespmem:$0x8400] =	vst v63  }
0x407: {  	s18 =	sadd.s32 $0xAD0, s11;
	s17 =	sor.u32 $0x1400, s16  }
0x408: {  	[hbm4b:s18+s3] =	stream.linear.scatter [tilespmem:s17], [sflag:$0x1], $0x80, $0x38;
	[tilespmem:$0x8400] =	vst v63  }
0x409: {  	s19 =	sor.u32 $0x1800, s16;
	s20 =	sadd.s32 $0xB50, s11  }
0x40a: {  	[hbm4b:s20+s3] =	stream.linear.scatter [tilespmem:s19], [sflag:$0x1], $0x80, $0x38;
	[tilespmem:$0x8400] =	vst v63  }
0x40b: {  	s21 =	sor.u32 $0x1C00, s16;
	s22 =	sadd.s32 $0xBD0, s11  }
0x40c: {  	[hbm4b:s22+s3] =	stream.linear.scatter [tilespmem:s21], [sflag:$0x1], $0x80, $0x38;
	[tilespmem:$0x8400] =	vst v63  }
0x40d: {  	s23 =	sor.u32 $0x2000, s16;
	s24 =	sadd.s32 $0xC50, s11  }
0x40e: {  	[hbm4b:s24+s3] =	stream.linear.scatter [tilespmem:s23], [sflag:$0x1], $0x80, $0x38;
	[tilespmem:$0x8400] =	vst v63  }
0x40f: {  	s25 =	sor.u32 $0x2400, s16;
	s26 =	sadd.s32 $0xCD0, s11  }
0x410: {  	[hbm4b:s26+s3] =	stream.linear.scatter [tilespmem:s25], [sflag:$0x1], $0x80, $0x38;
	[tilespmem:$0x8400] =	vst v63  }
0x411: {  	s28 =	sor.u32 $0x2800, s16;
	s29 =	sadd.s32 $0xD50, s11  }
0x412: {  	[hbm4b:s29+s3] =	stream.linear.scatter [tilespmem:s28], [sflag:$0x1], $0x80, $0x38;
	[tilespmem:$0x8400] =	vst v63  }
0x413: {  	s30 =	sor.u32 $0x2C00, s16;
	s31 =	sadd.s32 $0xDD0, s11  }
0x414: {  	[hbm4b:s31+s3] =	stream.linear.scatter [tilespmem:s30], [sflag:$0x1], $0x80, $0x38;
	[tilespmem:$0x8400] =	vst v63  }
0x415: {  	s1 =	sor.u32 $0x3000, s16;
	s2 =	sadd.s32 $0xE50, s11  }
0x416: {  	[hbm4b:s2+s3] =	stream.linear.scatter [tilespmem:s1], [sflag:$0x1], $0x80, $0x38;
	[tilespmem:$0x8400] =	vst v63  }
0x417: {  	s17 =	sor.u32 $0x3400, s16;
	s18 =	sadd.s32 $0xED0, s11  }
0x418: {  	[hbm4b:s18+s3] =	stream.linear.scatter [tilespmem:s17], [sflag:$0x1], $0x80, $0x38;
	[tilespmem:$0x8400] =	vst v63  }
0x419: {  	s19 =	sor.u32 $0x3800, s16;
	s20 =	sadd.s32 $0xF50, s11  }
0x41a: {  	[hbm4b:s20+s3] =	stream.linear.scatter [tilespmem:s19], [sflag:$0x1], $0x80, $0x38;
	[tilespmem:$0x8400] =	vst v63  }
0x41b: {  	s21 =	sor.u32 $0x3C00, s16;
	s22 =	sadd.s32 $0xFD0, s11;
	s23 =	sand.u32 $0x380, s14  }
0x41c: {  	[hbm4b:s22+s3] =	stream.linear.scatter [tilespmem:s21], [sflag:$0x1], $0x80, $0x38;
	[tilespmem:$0x8400] =	vst v63  }
0x41d: {  	s24 =	sadd.s32 $0x860, s11;
	s14 =	sor.u32 s23, s15  }
0x41e: {  	[hbm4b:s24+s3] =	stream.linear.scatter [tilespmem:s14], [sflag:$0x1], $0x80, $0x38;
	[tilespmem:$0x8400] =	vst v63  }
0x41f: {  	s25 =	sor.u32 $0x400, s14;
	s26 =	sadd.s32 $0x8E0, s11  }
0x420: {  	[hbm4b:s26+s3] =	stream.linear.scatter [tilespmem:s25], [sflag:$0x1], $0x80, $0x38;
	[tilespmem:$0x8400] =	vst v63  }
0x421: {  	s28 =	sor.u32 $0x800, s14;
	s29 =	sadd.s32 $0x960, s11  }
0x422: {  	[hbm4b:s29+s3] =	stream.linear.scatter [tilespmem:s28], [sflag:$0x1], $0x80, $0x38;
	[tilespmem:$0x8400] =	vst v63  }
0x423: {  	s30 =	sor.u32 $0xC00, s14;
	s31 =	sadd.s32 $0x9E0, s11  }
0x424: {  	(v2sf) =	vpush v0, $0xF;
	[hbm4b:s31+s3] =	stream.linear.scatter [tilespmem:s30], [sflag:$0x1], $0x80, $0x38;
	[tilespmem:$0x8400] =	vst v63  }
0x425: {  	s1 =	sor.u32 $0x1000, s14;
	s2 =	sadd.s32 $0xA60, s11  }
0x426: {  	[hbm4b:s2+s3] =	stream.linear.scatter [tilespmem:s1], [sflag:$0x1], $0x80, $0x38;
	[tilespmem:$0x8400] =	vst v63  }
0x427: {  	s16 =	sadd.s32 $0xAE0, s11;
	s15 =	sor.u32 $0x1400, s14  }
0x428: {  	[hbm4b:s16+s3] =	stream.linear.scatter [tilespmem:s15], [sflag:$0x1], $0x80, $0x38;
	[tilespmem:$0x8400] =	vst v63  }
0x429: {  	s17 =	sor.u32 $0x1800, s14;
	s18 =	sadd.s32 $0xB60, s11  }
0x42a: {  	[hbm4b:s18+s3] =	stream.linear.scatter [tilespmem:s17], [sflag:$0x1], $0x80, $0x38;
	[tilespmem:$0x8400] =	vst v63  }
0x42b: {  	s19 =	sor.u32 $0x1C00, s14;
	s20 =	sadd.s32 $0xBE0, s11  }
0x42c: {  	[hbm4b:s20+s3] =	stream.linear.scatter [tilespmem:s19], [sflag:$0x1], $0x80, $0x38;
	[tilespmem:$0x8400] =	vst v63  }
0x42d: {  	s21 =	sor.u32 $0x2000, s14;
	s22 =	sadd.s32 $0xC60, s11  }
0x42e: {  	[hbm4b:s22+s3] =	stream.linear.scatter [tilespmem:s21], [sflag:$0x1], $0x80, $0x38;
	[tilespmem:$0x8400] =	vst v63  }
0x42f: {  	s23 =	sor.u32 $0x2400, s14;
	s24 =	sadd.s32 $0xCE0, s11  }
0x430: {  	[hbm4b:s24+s3] =	stream.linear.scatter [tilespmem:s23], [sflag:$0x1], $0x80, $0x38;
	[tilespmem:$0x8400] =	vst v63  }
0x431: {  	s25 =	sor.u32 $0x2800, s14;
	s26 =	sadd.s32 $0xD60, s11  }
0x432: {  	[hbm4b:s26+s3] =	stream.linear.scatter [tilespmem:s25], [sflag:$0x1], $0x80, $0x38;
	[tilespmem:$0x8400] =	vst v63  }
0x433: {  	s13 =	spop (v2sf);
	s28 =	sor.u32 $0x2C00, s14;
	s29 =	sadd.s32 $0xDE0, s11  }
0x434: {  	[hbm4b:s29+s3] =	stream.linear.scatter [tilespmem:s28], [sflag:$0x1], $0x80, $0x38;
	[tilespmem:$0x8400] =	vst v63  }
0x435: {  	s0 =	sshll.u32 s13, $0xB;
	s30 =	sor.u32 $0x3000, s14;
	s31 =	sadd.s32 $0xE60, s11  }
0x436: {  	[hbm4b:s31+s3] =	stream.linear.scatter [tilespmem:s30], [sflag:$0x1], $0x80, $0x38;
	[tilespmem:$0x8400] =	vst v63  }
0x437: {  	s13 =	sshll.u32 s13, $0x7;
	s2 =	sor.u32 $0x3400, s14;
	s15 =	sadd.s32 $0xEE0, s11  }
0x438: {  	[hbm4b:s15+s3] =	stream.linear.scatter [tilespmem:s2], [sflag:$0x1], $0x80, $0x38;
	[tilespmem:$0x8400] =	vst v63  }
0x439: {  	s12 =	sand.u32 $0x380, s13;
	s16 =	sor.u32 $0x3800, s14;
	s17 =	sadd.s32 $0xF60, s11  }
0x43a: {  	[hbm4b:s17+s3] =	stream.linear.scatter [tilespmem:s16], [sflag:$0x1], $0x80, $0x38;
	[tilespmem:$0x8400] =	vst v63  }
0x43b: {  	s13 =	sand.u32 $0xFFFFC000, s0;
	s18 =	sor.u32 $0x3C00, s14;
	s19 =	sadd.s32 $0xFE0, s11  }
0x43c: {  	[hbm4b:s19+s3] =	stream.linear.scatter [tilespmem:s18], [sflag:$0x1], $0x80, $0x38;
	[tilespmem:$0x8400] =	vst v63  }
0x43d: {  	s12 =	sor.u32 s12, s13;
	s20 =	sadd.s32 $0x870, s11  }
0x43e: {  	[hbm4b:s20+s3] =	stream.linear.scatter [tilespmem:s12], [sflag:$0x1], $0x80, $0x38;
	[tilespmem:$0x8400] =	vst v63  }
0x43f: {  	s21 =	sor.u32 $0x400, s12;
	s22 =	sadd.s32 $0x8F0, s11  }
0x440: {  	[hbm4b:s22+s3] =	stream.linear.scatter [tilespmem:s21], [sflag:$0x1], $0x80, $0x38;
	[tilespmem:$0x8400] =	vst v63  }
0x441: {  	s23 =	sor.u32 $0x800, s12;
	s24 =	sadd.s32 $0x970, s11  }
0x442: {  	[hbm4b:s24+s3] =	stream.linear.scatter [tilespmem:s23], [sflag:$0x1], $0x80, $0x38;
	[tilespmem:$0x8400] =	vst v63  }
0x443: {  	s25 =	sor.u32 $0xC00, s12;
	s26 =	sadd.s32 $0x9F0, s11  }
0x444: {  	[hbm4b:s26+s3] =	stream.linear.scatter [tilespmem:s25], [sflag:$0x1], $0x80, $0x38;
	[tilespmem:$0x8400] =	vst v63  }
0x445: {  	s28 =	sor.u32 $0x1000, s12;
	s29 =	sadd.s32 $0xA70, s11  }
0x446: {  	[hbm4b:s29+s3] =	stream.linear.scatter [tilespmem:s28], [sflag:$0x1], $0x80, $0x38;
	[tilespmem:$0x8400] =	vst v63  }
0x447: {  	s30 =	sor.u32 $0x1400, s12;
	s31 =	sadd.s32 $0xAF0, s11  }
0x448: {  	[hbm4b:s31+s3] =	stream.linear.scatter [tilespmem:s30], [sflag:$0x1], $0x80, $0x38;
	[tilespmem:$0x8400] =	vst v63  }
0x449: {  	s1 =	sor.u32 $0x1800, s12;
	s2 =	sadd.s32 $0xB70, s11  }
0x44a: {  	[hbm4b:s2+s3] =	stream.linear.scatter [tilespmem:s1], [sflag:$0x1], $0x80, $0x38;
	[tilespmem:$0x8400] =	vst v63  }
0x44b: {  	s13 =	sor.u32 $0x1C00, s12;
	s14 =	sadd.s32 $0xBF0, s11  }
0x44c: {  	[hbm4b:s14+s3] =	stream.linear.scatter [tilespmem:s13], [sflag:$0x1], $0x80, $0x38;
	[tilespmem:$0x8400] =	vst v63  }
0x44d: {  	s15 =	sor.u32 $0x2000, s12;
	s16 =	sadd.s32 $0xC70, s11  }
0x44e: {  	[hbm4b:s16+s3] =	stream.linear.scatter [tilespmem:s15], [sflag:$0x1], $0x80, $0x38;
	[tilespmem:$0x8400] =	vst v63  }
0x44f: {  	s17 =	sor.u32 $0x2400, s12;
	s18 =	sadd.s32 $0xCF0, s11  }
0x450: {  	[hbm4b:s18+s3] =	stream.linear.scatter [tilespmem:s17], [sflag:$0x1], $0x80, $0x38;
	[tilespmem:$0x8400] =	vst v63  }
0x451: {  	s19 =	sor.u32 $0x2800, s12;
	s20 =	sadd.s32 $0xD70, s11  }
0x452: {  	[hbm4b:s20+s3] =	stream.linear.scatter [tilespmem:s19], [sflag:$0x1], $0x80, $0x38;
	[tilespmem:$0x8400] =	vst v63  }
0x453: {  	s21 =	sor.u32 $0x2C00, s12;
	s22 =	sadd.s32 $0xDF0, s11  }
0x454: {  	[hbm4b:s22+s3] =	stream.linear.scatter [tilespmem:s21], [sflag:$0x1], $0x80, $0x38;
	[tilespmem:$0x8400] =	vst v63  }
0x455: {  	s23 =	sor.u32 $0x3000, s12;
	s24 =	sadd.s32 $0xE70, s11  }
0x456: {  	[hbm4b:s24+s3] =	stream.linear.scatter [tilespmem:s23], [sflag:$0x1], $0x80, $0x38;
	[tilespmem:$0x8400] =	vst v63  }
0x457: {  	s25 =	sor.u32 $0x3400, s12;
	s26 =	sadd.s32 $0xEF0, s11  }
0x458: {  	[hbm4b:s26+s3] =	stream.linear.scatter [tilespmem:s25], [sflag:$0x1], $0x80, $0x38;
	[tilespmem:$0x8400] =	vst v63  }
0x459: {  	s28 =	sor.u32 $0x3800, s12;
	s29 =	sadd.s32 $0xF70, s11  }
0x45a: {  	[hbm4b:s29+s3] =	stream.linear.scatter [tilespmem:s28], [sflag:$0x1], $0x80, $0x38;
	[tilespmem:$0x8400] =	vst v63  }
0x45b: {  	s30 =	sor.u32 $0x3C00, s12;
	s31 =	sadd.s32 $0xFF0, s11  }
0x45c: {  	[hbm4b:s31+s3] =	stream.linear.scatter [tilespmem:s30], [sflag:$0x1], $0x80, $0x38;
	[tilespmem:$0x8400] =	vst v63  }
0x45d: {  	_ =	swait.ge [sflag:s7], $0x800  }
0x45e: {  	[sflag:s7] =	ssyncset.done $0x0  }
0x45f: {  	[sflag:s7] =	ssyncadd.s32 $0xFFFFF800  }
0x460: {  	_ =	swait.ge [sflag:s7], $0x800  }
0x461: {  	[sflag:s7] =	ssyncset.done $0x0  }
0x462: {  	[sflag:s7] =	ssyncadd.s32 $0xFFFFF800  }
0x463: {  	_ =	swait.ge [sflag:s7], $0x800  }
0x464: {  	[sflag:s7] =	ssyncset.done $0x0  }
0x465: {  	[sflag:s7] =	ssyncadd.s32 $0xFFFFF800  }
0x466: {  	_ =	swait.ge [sflag:s7], $0x800  }
0x467: {  	[sflag:s7] =	ssyncset.done $0x0  }
0x468: {  	[sflag:s7] =	ssyncadd.s32 $0xFFFFF800  }
0x469: {  	_ =	swait.ge [sflag:s7], $0x800  }
0x46a: {  	[sflag:s7] =	ssyncset.done $0x0  }
0x46b: {  	[sflag:s7] =	ssyncadd.s32 $0xFFFFF800  }
0x46c: {  	_ =	swait.ge [sflag:s7], $0x800  }
0x46d: {  	[sflag:s7] =	ssyncset.done $0x0  }
0x46e: {  	[sflag:s7] =	ssyncadd.s32 $0xFFFFF800  }
0x46f: {  	_ =	swait.ge [sflag:s7], $0x800  }
0x470: {  	[sflag:s7] =	ssyncset.done $0x0  }
0x471: {  	[sflag:s7] =	ssyncadd.s32 $0xFFFFF800  }
0x472: {  	_ =	swait.ge [sflag:s7], $0x800  }
0x473: {  	[sflag:s7] =	ssyncset.done $0x0  }
0x474: {  	[sflag:s7] =	ssyncadd.s32 $0xFFFFF800  }
0x475: {  	_ =	swait.ge [sflag:s7], $0x800  }
0x476: {  	[sflag:s7] =	ssyncset.done $0x0  }
0x477: {  	[sflag:s7] =	ssyncadd.s32 $0xFFFFF800  }
0x478: {  	_ =	swait.ge [sflag:s7], $0x800  }
0x479: {  	[sflag:s7] =	ssyncset.done $0x0  }
0x47a: {  	[sflag:s7] =	ssyncadd.s32 $0xFFFFF800  }
0x47b: {  	_ =	swait.ge [sflag:s7], $0x800  }
0x47c: {  	[sflag:s7] =	ssyncset.done $0x0  }
0x47d: {  	[sflag:s7] =	ssyncadd.s32 $0xFFFFF800  }
0x47e: {  	_ =	swait.ge [sflag:s7], $0x800  }
0x47f: {  	[sflag:s7] =	ssyncset.done $0x0  }
0x480: {  	[sflag:s7] =	ssyncadd.s32 $0xFFFFF800  }
0x481: {  	_ =	swait.ge [sflag:s7], $0x800  }
0x482: {  	[sflag:s7] =	ssyncset.done $0x0  }
0x483: {  	[sflag:s7] =	ssyncadd.s32 $0xFFFFF800  }
0x484: {  	_ =	swait.ge [sflag:s7], $0x800  }
0x485: {  	[sflag:s7] =	ssyncset.done $0x0  }
0x486: {  	p0 =	sne.s32 s10, $0x3F000;
	[sflag:s7] =	ssyncadd.s32 $0xFFFFF800  }
.Ltmp0:
0x487: {  	_ =	swait.ge [sflag:s7], $0x800;
	(pc) =	sbr.rel @p0 .LBB2_2-.Ltmp0, $4  }
0x488: {  	[sflag:s7] =	ssyncset.done $0x0  }
0x489: {  	[sflag:s7] =	ssyncadd.s32 $0xFFFFF800  }
0x48a: {  	_ =	swait.ge [sflag:s7], $0x800  }
0x48b: {  	s10 =	sadd.s32 $0x1000, s10;
	[sflag:s7] =	ssyncset.done $0x0  }
0x48c: {  	s8 =	sadd.s32 $0x1, s8  }
0x48d: {  	p0 =	sne.s32 s8, s5  }
.Ltmp1:
0x48e: {  	_ = 	snop;
	(pc) =	sbr.rel @p0 .LBB2_1-.Ltmp1, $2  }
0x48f: {  	_ =	sdelay $0x2  }
0x490: {  	[sflag:s7] =	ssyncadd.s32 $0xFFFFF800  }
0x491: {  	_ =	sfence.sel $0x180000  }
0x492: {  	[bflag:$0x0] =	sbarrier.arrive $0xFFFF  }
0x493: {  	_ =	strace $0x90000047  }
0x494: {  	s0 =	stileid.u32;
	[bflag:$0x2] =	sbarrier.arrive $0xFFFF  }
0x495: {  	p0 =	sne.s32 s0, $0x0;
	s0 =	rddreg [dreg:$0x3]  }
0x496: {  	s0 =	sadd.s32 @!p0 $0x100000, s0  }
0x497: {  	[sflag:s0] =	ssyncadd.tile.s32 @!p0 $0x1;
	_ =	shalt  }
.Lfunc_end2:
_tile_overlayer_lowered:
.L_overlay_start_2:
0x498: {  	(tag) =	ssettag $0x2  }
0x499: {  	s0 =	rddreg [dreg:$0x0];
	s2 =	stileid.u32  }
0x49a: {  	s1 =	rddreg [dreg:$0x1];
	p0 =	sne.s32 s2, $0x0  }
0x49b: {  	s3 =	rddreg [dreg:$0x2];
	[bflag:$0x3] =	sbarrier.arrive $0xFFFF;
	s2 =	simm.s32 @!p0 $0x1C02  }
0x49c: {  	[timem:s3], [sflag:s2] =	dma.local @!p0 [hbm:s0], s1  }
0x49d: {  	s0 =	simm.s32 @!p0 $0x2  }
0x49e: {  	_ =	swait.ge @!p0 [sflag:s0], s1  }
0x49f: {  	s1 =	ssub.s32 @!p0 $0x0, s1;
	[sflag:s0] =	ssyncset.done @!p0 $0x0  }
0x4a0: {  	[sflag:s0] =	ssyncadd.s32 @!p0 s1  }
0x4a1: {  	[bflag:$0x3] =	sbarrier.arrive $0xFFFF  }
0x4a2: {  	_ =	shalt  }

</sc_bundles>
